<compile_context>
chip_gen: v7x
topology: tpu7x:2x2x1
jax: 0.10.2.dev20260603
libtpu: 0.0.44.dev20260713+nightly
codegen_flags: <defaults>
</compile_context>

<pallas_src>
import functools

import jax
import jax.numpy as jnp
from jax import lax
from jax.experimental import pallas as pl
from jax.experimental.pallas import tpu as pltpu
from jax.experimental.pallas import tpu_sc as plsc

D_MODEL = 128
MAX_LEN = 512
SEQ_LEN = 512
TBL = 2 * MAX_LEN - 1


def _sc_materialize(t2):
    info = plsc.get_sparse_core_info()
    nw = info.num_cores * info.num_subcores
    rows = SEQ_LEN // nw
    mesh = plsc.VectorSubcoreMesh(core_axis_name="c", subcore_axis_name="s")

    BR, BC = 2 * rows * 2, SEQ_LEN // 4
    NCB = SEQ_LEN // BC
    win = BR + BC

    @functools.partial(
        pl.kernel,
        mesh=mesh,
        out_type=jax.ShapeDtypeStruct((SEQ_LEN, SEQ_LEN, D_MODEL), jnp.float32),
        scratch_types=[
            pltpu.VMEM((win, D_MODEL), jnp.float32),
            pltpu.SemaphoreType.DMA,
        ],
    )
    def k(t2_hbm, out_hbm, win_v, sem):
        wid = lax.axis_index("s") * info.num_cores + lax.axis_index("c")
        rb = wid // NCB
        cb = wid - rb * NCB
        i0 = rb * BR
        c0 = cb * BC
        wstart = SEQ_LEN - BR - i0 + c0
        pltpu.sync_copy(t2_hbm.at[pl.ds(wstart, win)], win_v)
        copies = []
        for r in range(BR):
            copies.append(
                pltpu.async_copy(
                    win_v.at[pl.ds(BR - 1 - r, BC)],
                    out_hbm.at[i0 + r, pl.ds(c0, BC)],
                    sem,
                )
            )
        for c in copies:
            c.wait()

    return k(t2)


def kernel(seq_len, table):
    delta = seq_len - SEQ_LEN
    t2 = table[jnp.clip(TBL - 1 + delta - jnp.arange(TBL + 1), 0, TBL - 1)]
    return _sc_materialize(t2)

# --- scband reference (transcript-rebuilt; emitter-appended) ---
"""Pipeline reference for scband-relative-positional-encoding-53197464928449 (READ-ONLY COPY).

The authoritative reference and input builder live on the scoring server;
editing this copy changes nothing except your own understanding.
"""

import jax, jax.numpy as jnp
import numpy as np

D_MODEL = 128
MAX_LEN = 512
SEQ_LEN = 512

def setup_inputs(seed: int = 0) -> dict:
    key = jax.random.key(seed)
    table = jax.random.normal(key, (2 * MAX_LEN - 1, D_MODEL), dtype=jnp.float32)
    return {"seq_len": SEQ_LEN, "table": table}

def reference(seq_len, table):
    positions = jnp.arange(SEQ_LEN)[:, None] - jnp.arange(SEQ_LEN)[None, :]
    positions = positions + (seq_len - SEQ_LEN)
    positions = positions + MAX_LEN - 1
    positions = jnp.clip(positions, 0, 2 * MAX_LEN - 2)
    return jnp.take(table, positions, axis=0)

if __name__ == "__main__":
    import jax
    _d = setup_inputs()
    print(jax.jit(kernel)(*tuple(_d.values())))

</pallas_src>

<mosaic_0001>
#map = affine_map<(d0, d1) -> (0, 0)>
#map1 = affine_map<(d0, d1) -> (0, 0, 0)>
module attributes {stable_mosaic.version = 14 : i64} {
  func.func @k(%arg0: i32, %arg1: i32, %arg2: memref<1024x128xf32, #tpu.memory_space<hbm>>, %arg3: memref<512x512x128xf32, #tpu.memory_space<hbm>>, %arg4: memref<192x128xf32, #tpu.memory_space<vmem>>, %arg5: memref<!tpu.dma_semaphore, #tpu.memory_space<semaphore_mem>>) attributes {dimension_semantics = [#tpu.dimension_semantics<core_parallel>, #tpu.dimension_semantics<subcore_parallel>], iteration_bounds = array<i64: 2, 16>, scalar_prefetch = 0 : i64, scratch_operands = 2 : i64, tpu.core_type = #tpu.core_type<sc_vector_subcore>, window_params = [{transform_indices = #map}, {transform_indices = #map1}]} {
    %mul3A = arith.constant 2 : i32
    %mul3A_0 = arith.muli %arg1, %mul3A : i32
    %add3A = arith.addi %mul3A_0, %arg0 : i32
    %jit3A = arith.constant 4 : i32
    %div3A = arith.divsi %add3A, %jit3A : i32
    %sign3A = arith.constant 0 : i32
    %sign3A_1 = arith.cmpi sgt, %add3A, %sign3A : i32
    %sign3A_2 = arith.extui %sign3A_1 : i1 to i32
    %sign3A_3 = arith.constant 0 : i32
    %sign3A_4 = arith.cmpi slt, %add3A, %sign3A_3 : i32
    %sign3A_5 = arith.extui %sign3A_4 : i1 to i32
    %sign3A_6 = arith.subi %sign3A_2, %sign3A_5 : i32
    %sign3A_7 = arith.constant 0 : i32
    %sign3A_8 = arith.cmpi sgt, %jit3A, %sign3A_7 : i32
    %sign3A_9 = arith.extui %sign3A_8 : i1 to i32
    %sign3A_10 = arith.constant 0 : i32
    %sign3A_11 = arith.cmpi slt, %jit3A, %sign3A_10 : i32
    %sign3A_12 = arith.extui %sign3A_11 : i1 to i32
    %sign3A_13 = arith.subi %sign3A_9, %sign3A_12 : i32
    %ne3A = arith.cmpi ne, %sign3A_6, %sign3A_13 : i32
    %rem3A = arith.remsi %add3A, %jit3A : i32
    %ne3A_14 = arith.constant 0 : i32
    %ne3A_15 = arith.cmpi ne, %rem3A, %ne3A_14 : i32
    %and3A = arith.andi %ne3A, %ne3A_15 : i1
    %sub3A = arith.constant 1 : i32
    %sub3A_16 = arith.subi %div3A, %sub3A : i32
    %select_n3A = arith.select %and3A, %sub3A_16, %div3A : i32
    %mul3A_17 = arith.constant 4 : i32
    %mul3A_18 = arith.muli %select_n3A, %mul3A_17 : i32
    %sub3A_19 = arith.subi %add3A, %mul3A_18 : i32
    %mul3A_20 = arith.constant 64 : i32
    %mul3A_21 = arith.muli %select_n3A, %mul3A_20 : i32
    %mul3A_22 = arith.constant 128 : i32
    %mul3A_23 = arith.muli %sub3A_19, %mul3A_22 : i32
    %sub3A_24 = arith.constant 448 : i32
    %sub3A_25 = arith.subi %sub3A_24, %mul3A_21 : i32
    %add3A_26 = arith.addi %sub3A_25, %mul3A_23 : i32
    "tpu.region"() ({
      %run_scoped3A = tpu.sem_alloc : memref<!tpu.dma_semaphore, #tpu.memory_space<semaphore_mem>>
      %dma_start3A_1689 = arith.constant 0 : i32
      %dma_start3A_1690 = tpu.memref_slice %arg2[%add3A_26, %dma_start3A_1689] : memref<1024x128xf32, #tpu.memory_space<hbm>> -> memref<192x128xf32, #tpu.memory_space<hbm>>
      %dma_start3A_1691 = arith.constant 0 : i32
      %dma_start3A_1692 = tpu.memref_slice %arg2[%add3A_26, %dma_start3A_1691] : memref<1024x128xf32, #tpu.memory_space<hbm>> -> memref<192x128xf32, #tpu.memory_space<hbm>>
      tpu.enqueue_dma source(%dma_start3A_1692 : memref<192x128xf32, #tpu.memory_space<hbm>>) target(%arg4 : memref<192x128xf32, #tpu.memory_space<vmem>>) target_semaphore(%run_scoped3A : memref<!tpu.dma_semaphore, #tpu.memory_space<semaphore_mem>>)
      %dma_wait3A_1693 = arith.constant 0 : i32
      %dma_wait3A_1694 = tpu.memref_slice %arg2[%add3A_26, %dma_wait3A_1693] : memref<1024x128xf32, #tpu.memory_space<hbm>> -> memref<192x128xf32, #tpu.memory_space<hbm>>
      %dma_wait3A_1695 = arith.constant 0 : i32
      %dma_wait3A_1696 = tpu.memref_slice %arg2[%add3A_26, %dma_wait3A_1695] : memref<1024x128xf32, #tpu.memory_space<hbm>> -> memref<192x128xf32, #tpu.memory_space<hbm>>
      tpu.wait_dma2 semaphore(%run_scoped3A : memref<!tpu.dma_semaphore, #tpu.memory_space<semaphore_mem>>) src(%dma_wait3A_1696 : memref<192x128xf32, #tpu.memory_space<hbm>>) dst(%arg4 : memref<192x128xf32, #tpu.memory_space<vmem>>)
      tpu.yield
    }) : () -> ()
    %add3A_27 = arith.constant 0 : i32
    %add3A_28 = arith.addi %mul3A_21, %add3A_27 : i32
    %dma_start3A = arith.constant 63 : i32
    %dma_start3A_29 = arith.constant 0 : i32
    %dma_start3A_30 = tpu.memref_slice %arg4[%dma_start3A, %dma_start3A_29] : memref<192x128xf32, #tpu.memory_space<vmem>> -> memref<128x128xf32, #tpu.memory_space<vmem>>
    %dma_start3A_31 = arith.constant 0 : i32
    %dma_start3A_32 = tpu.memref_slice %arg3[%add3A_28, %mul3A_23, %dma_start3A_31] : memref<512x512x128xf32, #tpu.memory_space<hbm>> -> memref<1x128x128xf32, #tpu.memory_space<hbm>>
    %dma_start3A_33 = tpu.memref_squeeze %dma_start3A_32 : memref<1x128x128xf32, #tpu.memory_space<hbm>> -> memref<128x128xf32, #tpu.memory_space<hbm>>
    %dma_start3A_34 = arith.constant 0 : i32
    %dma_start3A_35 = tpu.memref_slice %arg3[%add3A_28, %mul3A_23, %dma_start3A_34] : memref<512x512x128xf32, #tpu.memory_space<hbm>> -> memref<1x128x128xf32, #tpu.memory_space<hbm>>
    %dma_start3A_36 = tpu.memref_squeeze %dma_start3A_35 : memref<1x128x128xf32, #tpu.memory_space<hbm>> -> memref<128x128xf32, #tpu.memory_space<hbm>>
    %dma_start3A_37 = arith.constant 63 : i32
    %dma_start3A_38 = arith.constant 0 : i32
    %dma_start3A_39 = tpu.memref_slice %arg4[%dma_start3A_37, %dma_start3A_38] : memref<192x128xf32, #tpu.memory_space<vmem>> -> memref<128x128xf32, #tpu.memory_space<vmem>>
    tpu.enqueue_dma source(%dma_start3A_39 : memref<128x128xf32, #tpu.memory_space<vmem>>) target(%dma_start3A_36 : memref<128x128xf32, #tpu.memory_space<hbm>>) target_semaphore(%arg5 : memref<!tpu.dma_semaphore, #tpu.memory_space<semaphore_mem>>)
    %add3A_40 = arith.constant 1 : i32
    %add3A_41 = arith.addi %mul3A_21, %add3A_40 : i32
    %dma_start3A_42 = arith.constant 62 : i32
    %dma_start3A_43 = arith.constant 0 : i32
    %dma_start3A_44 = tpu.memref_slice %arg4[%dma_start3A_42, %dma_start3A_43] : memref<192x128xf32, #tpu.memory_space<vmem>> -> memref<128x128xf32, #tpu.memory_space<vmem>>
    %dma_start3A_45 = arith.constant 0 : i32
    %dma_start3A_46 = tpu.memref_slice %arg3[%add3A_41, %mul3A_23, %dma_start3A_45] : memref<512x512x128xf32, #tpu.memory_space<hbm>> -> memref<1x128x128xf32, #tpu.memory_space<hbm>>
    %dma_start3A_47 = tpu.memref_squeeze %dma_start3A_46 : memref<1x128x128xf32, #tpu.memory_space<hbm>> -> memref<128x128xf32, #tpu.memory_space<hbm>>
    %dma_start3A_48 = arith.constant 0 : i32
    %dma_start3A_49 = tpu.memref_slice %arg3[%add3A_41, %mul3A_23, %dma_start3A_48] : memref<512x512x128xf32, #tpu.memory_space<hbm>> -> memref<1x128x128xf32, #tpu.memory_space<hbm>>
    %dma_start3A_50 = tpu.memref_squeeze %dma_start3A_49 : memref<1x128x128xf32, #tpu.memory_space<hbm>> -> memref<128x128xf32, #tpu.memory_space<hbm>>
    %dma_start3A_51 = arith.constant 62 : i32
    %dma_start3A_52 = arith.constant 0 : i32
    %dma_start3A_53 = tpu.memref_slice %arg4[%dma_start3A_51, %dma_start3A_52] : memref<192x128xf32, #tpu.memory_space<vmem>> -> memref<128x128xf32, #tpu.memory_space<vmem>>
    tpu.enqueue_dma source(%dma_start3A_53 : memref<128x128xf32, #tpu.memory_space<vmem>>) target(%dma_start3A_50 : memref<128x128xf32, #tpu.memory_space<hbm>>) target_semaphore(%arg5 : memref<!tpu.dma_semaphore, #tpu.memory_space<semaphore_mem>>)
    %add3A_54 = arith.constant 2 : i32
    %add3A_55 = arith.addi %mul3A_21, %add3A_54 : i32
    %dma_start3A_56 = arith.constant 61 : i32
    %dma_start3A_57 = arith.constant 0 : i32
    %dma_start3A_58 = tpu.memref_slice %arg4[%dma_start3A_56, %dma_start3A_57] : memref<192x128xf32, #tpu.memory_space<vmem>> -> memref<128x128xf32, #tpu.memory_space<vmem>>
    %dma_start3A_59 = arith.constant 0 : i32
    %dma_start3A_60 = tpu.memref_slice %arg3[%add3A_55, %mul3A_23, %dma_start3A_59] : memref<512x512x128xf32, #tpu.memory_space<hbm>> -> memref<1x128x128xf32, #tpu.memory_space<hbm>>
    %dma_start3A_61 = tpu.memref_squeeze %dma_start3A_60 : memref<1x128x128xf32, #tpu.memory_space<hbm>> -> memref<128x128xf32, #tpu.memory_space<hbm>>
    %dma_start3A_62 = arith.constant 0 : i32
    %dma_start3A_63 = tpu.memref_slice %arg3[%add3A_55, %mul3A_23, %dma_start3A_62] : memref<512x512x128xf32, #tpu.memory_space<hbm>> -> memref<1x128x128xf32, #tpu.memory_space<hbm>>
    %dma_start3A_64 = tpu.memref_squeeze %dma_start3A_63 : memref<1x128x128xf32, #tpu.memory_space<hbm>> -> memref<128x128xf32, #tpu.memory_space<hbm>>
    %dma_start3A_65 = arith.constant 61 : i32
    %dma_start3A_66 = arith.constant 0 : i32
    %dma_start3A_67 = tpu.memref_slice %arg4[%dma_start3A_65, %dma_start3A_66] : memref<192x128xf32, #tpu.memory_space<vmem>> -> memref<128x128xf32, #tpu.memory_space<vmem>>
    tpu.enqueue_dma source(%dma_start3A_67 : memref<128x128xf32, #tpu.memory_space<vmem>>) target(%dma_start3A_64 : memref<128x128xf32, #tpu.memory_space<hbm>>) target_semaphore(%arg5 : memref<!tpu.dma_semaphore, #tpu.memory_space<semaphore_mem>>)
    %add3A_68 = arith.constant 3 : i32
    %add3A_69 = arith.addi %mul3A_21, %add3A_68 : i32
    %dma_start3A_70 = arith.constant 60 : i32
    %dma_start3A_71 = arith.constant 0 : i32
    %dma_start3A_72 = tpu.memref_slice %arg4[%dma_start3A_70, %dma_start3A_71] : memref<192x128xf32, #tpu.memory_space<vmem>> -> memref<128x128xf32, #tpu.memory_space<vmem>>
    %dma_start3A_73 = arith.constant 0 : i32
    %dma_start3A_74 = tpu.memref_slice %arg3[%add3A_69, %mul3A_23, %dma_start3A_73] : memref<512x512x128xf32, #tpu.memory_space<hbm>> -> memref<1x128x128xf32, #tpu.memory_space<hbm>>
    %dma_start3A_75 = tpu.memref_squeeze %dma_start3A_74 : memref<1x128x128xf32, #tpu.memory_space<hbm>> -> memref<128x128xf32, #tpu.memory_space<hbm>>
    %dma_start3A_76 = arith.constant 0 : i32
    %dma_start3A_77 = tpu.memref_slice %arg3[%add3A_69, %mul3A_23, %dma_start3A_76] : memref<512x512x128xf32, #tpu.memory_space<hbm>> -> memref<1x128x128xf32, #tpu.memory_space<hbm>>
    %dma_start3A_78 = tpu.memref_squeeze %dma_start3A_77 : memref<1x128x128xf32, #tpu.memory_space<hbm>> -> memref<128x128xf32, #tpu.memory_space<hbm>>
    %dma_start3A_79 = arith.constant 60 : i32
    %dma_start3A_80 = arith.constant 0 : i32
    %dma_start3A_81 = tpu.memref_slice %arg4[%dma_start3A_79, %dma_start3A_80] : memref<192x128xf32, #tpu.memory_space<vmem>> -> memref<128x128xf32, #tpu.memory_space<vmem>>
    tpu.enqueue_dma source(%dma_start3A_81 : memref<128x128xf32, #tpu.memory_space<vmem>>) target(%dma_start3A_78 : memref<128x128xf32, #tpu.memory_space<hbm>>) target_semaphore(%arg5 : memref<!tpu.dma_semaphore, #tpu.memory_space<semaphore_mem>>)
    %add3A_82 = arith.constant 4 : i32
    %add3A_83 = arith.addi %mul3A_21, %add3A_82 : i32
    %dma_start3A_84 = arith.constant 59 : i32
    %dma_start3A_85 = arith.constant 0 : i32
    %dma_start3A_86 = tpu.memref_slice %arg4[%dma_start3A_84, %dma_start3A_85] : memref<192x128xf32, #tpu.memory_space<vmem>> -> memref<128x128xf32, #tpu.memory_space<vmem>>
    %dma_start3A_87 = arith.constant 0 : i32
    %dma_start3A_88 = tpu.memref_slice %arg3[%add3A_83, %mul3A_23, %dma_start3A_87] : memref<512x512x128xf32, #tpu.memory_space<hbm>> -> memref<1x128x128xf32, #tpu.memory_space<hbm>>
    %dma_start3A_89 = tpu.memref_squeeze %dma_start3A_88 : memref<1x128x128xf32, #tpu.memory_space<hbm>> -> memref<128x128xf32, #tpu.memory_space<hbm>>
    %dma_start3A_90 = arith.constant 0 : i32
    %dma_start3A_91 = tpu.memref_slice %arg3[%add3A_83, %mul3A_23, %dma_start3A_90] : memref<512x512x128xf32, #tpu.memory_space<hbm>> -> memref<1x128x128xf32, #tpu.memory_space<hbm>>
    %dma_start3A_92 = tpu.memref_squeeze %dma_start3A_91 : memref<1x128x128xf32, #tpu.memory_space<hbm>> -> memref<128x128xf32, #tpu.memory_space<hbm>>
    %dma_start3A_93 = arith.constant 59 : i32
    %dma_start3A_94 = arith.constant 0 : i32
    %dma_start3A_95 = tpu.memref_slice %arg4[%dma_start3A_93, %dma_start3A_94] : memref<192x128xf32, #tpu.memory_space<vmem>> -> memref<128x128xf32, #tpu.memory_space<vmem>>
    tpu.enqueue_dma source(%dma_start3A_95 : memref<128x128xf32, #tpu.memory_space<vmem>>) target(%dma_start3A_92 : memref<128x128xf32, #tpu.memory_space<hbm>>) target_semaphore(%arg5 : memref<!tpu.dma_semaphore, #tpu.memory_space<semaphore_mem>>)
    %add3A_96 = arith.constant 5 : i32
    %add3A_97 = arith.addi %mul3A_21, %add3A_96 : i32
    %dma_start3A_98 = arith.constant 58 : i32
    %dma_start3A_99 = arith.constant 0 : i32
    %dma_start3A_100 = tpu.memref_slice %arg4[%dma_start3A_98, %dma_start3A_99] : memref<192x128xf32, #tpu.memory_space<vmem>> -> memref<128x128xf32, #tpu.memory_space<vmem>>
    %dma_start3A_101 = arith.constant 0 : i32
    %dma_start3A_102 = tpu.memref_slice %arg3[%add3A_97, %mul3A_23, %dma_start3A_101] : memref<512x512x128xf32, #tpu.memory_space<hbm>> -> memref<1x128x128xf32, #tpu.memory_space<hbm>>
    %dma_start3A_103 = tpu.memref_squeeze %dma_start3A_102 : memref<1x128x128xf32, #tpu.memory_space<hbm>> -> memref<128x128xf32, #tpu.memory_space<hbm>>
    %dma_start3A_104 = arith.constant 0 : i32
    %dma_start3A_105 = tpu.memref_slice %arg3[%add3A_97, %mul3A_23, %dma_start3A_104] : memref<512x512x128xf32, #tpu.memory_space<hbm>> -> memref<1x128x128xf32, #tpu.memory_space<hbm>>
    %dma_start3A_106 = tpu.memref_squeeze %dma_start3A_105 : memref<1x128x128xf32, #tpu.memory_space<hbm>> -> memref<128x128xf32, #tpu.memory_space<hbm>>
    %dma_start3A_107 = arith.constant 58 : i32
    %dma_start3A_108 = arith.constant 0 : i32
    %dma_start3A_109 = tpu.memref_slice %arg4[%dma_start3A_107, %dma_start3A_108] : memref<192x128xf32, #tpu.memory_space<vmem>> -> memref<128x128xf32, #tpu.memory_space<vmem>>
    tpu.enqueue_dma source(%dma_start3A_109 : memref<128x128xf32, #tpu.memory_space<vmem>>) target(%dma_start3A_106 : memref<128x128xf32, #tpu.memory_space<hbm>>) target_semaphore(%arg5 : memref<!tpu.dma_semaphore, #tpu.memory_space<semaphore_mem>>)
    %add3A_110 = arith.constant 6 : i32
    %add3A_111 = arith.addi %mul3A_21, %add3A_110 : i32
    %dma_start3A_112 = arith.constant 57 : i32
    %dma_start3A_113 = arith.constant 0 : i32
    %dma_start3A_114 = tpu.memref_slice %arg4[%dma_start3A_112, %dma_start3A_113] : memref<192x128xf32, #tpu.memory_space<vmem>> -> memref<128x128xf32, #tpu.memory_space<vmem>>
    %dma_start3A_115 = arith.constant 0 : i32
    %dma_start3A_116 = tpu.memref_slice %arg3[%add3A_111, %mul3A_23, %dma_start3A_115] : memref<512x512x128xf32, #tpu.memory_space<hbm>> -> memref<1x128x128xf32, #tpu.memory_space<hbm>>
    %dma_start3A_117 = tpu.memref_squeeze %dma_start3A_116 : memref<1x128x128xf32, #tpu.memory_space<hbm>> -> memref<128x128xf32, #tpu.memory_space<hbm>>
    %dma_start3A_118 = arith.constant 0 : i32
    %dma_start3A_119 = tpu.memref_slice %arg3[%add3A_111, %mul3A_23, %dma_start3A_118] : memref<512x512x128xf32, #tpu.memory_space<hbm>> -> memref<1x128x128xf32, #tpu.memory_space<hbm>>
    %dma_start3A_120 = tpu.memref_squeeze %dma_start3A_119 : memref<1x128x128xf32, #tpu.memory_space<hbm>> -> memref<128x128xf32, #tpu.memory_space<hbm>>
    %dma_start3A_121 = arith.constant 57 : i32
    %dma_start3A_122 = arith.constant 0 : i32
    %dma_start3A_123 = tpu.memref_slice %arg4[%dma_start3A_121, %dma_start3A_122] : memref<192x128xf32, #tpu.memory_space<vmem>> -> memref<128x128xf32, #tpu.memory_space<vmem>>
    tpu.enqueue_dma source(%dma_start3A_123 : memref<128x128xf32, #tpu.memory_space<vmem>>) target(%dma_start3A_120 : memref<128x128xf32, #tpu.memory_space<hbm>>) target_semaphore(%arg5 : memref<!tpu.dma_semaphore, #tpu.memory_space<semaphore_mem>>)
    %add3A_124 = arith.constant 7 : i32
    %add3A_125 = arith.addi %mul3A_21, %add3A_124 : i32
    %dma_start3A_126 = arith.constant 56 : i32
    %dma_start3A_127 = arith.constant 0 : i32
    %dma_start3A_128 = tpu.memref_slice %arg4[%dma_start3A_126, %dma_start3A_127] : memref<192x128xf32, #tpu.memory_space<vmem>> -> memref<128x128xf32, #tpu.memory_space<vmem>>
    %dma_start3A_129 = arith.constant 0 : i32
    %dma_start3A_130 = tpu.memref_slice %arg3[%add3A_125, %mul3A_23, %dma_start3A_129] : memref<512x512x128xf32, #tpu.memory_space<hbm>> -> memref<1x128x128xf32, #tpu.memory_space<hbm>>
    %dma_start3A_131 = tpu.memref_squeeze %dma_start3A_130 : memref<1x128x128xf32, #tpu.memory_space<hbm>> -> memref<128x128xf32, #tpu.memory_space<hbm>>
    %dma_start3A_132 = arith.constant 0 : i32
    %dma_start3A_133 = tpu.memref_slice %arg3[%add3A_125, %mul3A_23, %dma_start3A_132] : memref<512x512x128xf32, #tpu.memory_space<hbm>> -> memref<1x128x128xf32, #tpu.memory_space<hbm>>
    %dma_start3A_134 = tpu.memref_squeeze %dma_start3A_133 : memref<1x128x128xf32, #tpu.memory_space<hbm>> -> memref<128x128xf32, #tpu.memory_space<hbm>>
    %dma_start3A_135 = arith.constant 56 : i32
    %dma_start3A_136 = arith.constant 0 : i32
    %dma_start3A_137 = tpu.memref_slice %arg4[%dma_start3A_135, %dma_start3A_136] : memref<192x128xf32, #tpu.memory_space<vmem>> -> memref<128x128xf32, #tpu.memory_space<vmem>>
    tpu.enqueue_dma source(%dma_start3A_137 : memref<128x128xf32, #tpu.memory_space<vmem>>) target(%dma_start3A_134 : memref<128x128xf32, #tpu.memory_space<hbm>>) target_semaphore(%arg5 : memref<!tpu.dma_semaphore, #tpu.memory_space<semaphore_mem>>)
    %add3A_138 = arith.constant 8 : i32
    %add3A_139 = arith.addi %mul3A_21, %add3A_138 : i32
    %dma_start3A_140 = arith.constant 55 : i32
    %dma_start3A_141 = arith.constant 0 : i32
    %dma_start3A_142 = tpu.memref_slice %arg4[%dma_start3A_140, %dma_start3A_141] : memref<192x128xf32, #tpu.memory_space<vmem>> -> memref<128x128xf32, #tpu.memory_space<vmem>>
    %dma_start3A_143 = arith.constant 0 : i32
    %dma_start3A_144 = tpu.memref_slice %arg3[%add3A_139, %mul3A_23, %dma_start3A_143] : memref<512x512x128xf32, #tpu.memory_space<hbm>> -> memref<1x128x128xf32, #tpu.memory_space<hbm>>
    %dma_start3A_145 = tpu.memref_squeeze %dma_start3A_144 : memref<1x128x128xf32, #tpu.memory_space<hbm>> -> memref<128x128xf32, #tpu.memory_space<hbm>>
    %dma_start3A_146 = arith.constant 0 : i32
    %dma_start3A_147 = tpu.memref_slice %arg3[%add3A_139, %mul3A_23, %dma_start3A_146] : memref<512x512x128xf32, #tpu.memory_space<hbm>> -> memref<1x128x128xf32, #tpu.memory_space<hbm>>
    %dma_start3A_148 = tpu.memref_squeeze %dma_start3A_147 : memref<1x128x128xf32, #tpu.memory_space<hbm>> -> memref<128x128xf32, #tpu.memory_space<hbm>>
    %dma_start3A_149 = arith.constant 55 : i32
    %dma_start3A_150 = arith.constant 0 : i32
    %dma_start3A_151 = tpu.memref_slice %arg4[%dma_start3A_149, %dma_start3A_150] : memref<192x128xf32, #tpu.memory_space<vmem>> -> memref<128x128xf32, #tpu.memory_space<vmem>>
    tpu.enqueue_dma source(%dma_start3A_151 : memref<128x128xf32, #tpu.memory_space<vmem>>) target(%dma_start3A_148 : memref<128x128xf32, #tpu.memory_space<hbm>>) target_semaphore(%arg5 : memref<!tpu.dma_semaphore, #tpu.memory_space<semaphore_mem>>)
    %add3A_152 = arith.constant 9 : i32
    %add3A_153 = arith.addi %mul3A_21, %add3A_152 : i32
    %dma_start3A_154 = arith.constant 54 : i32
    %dma_start3A_155 = arith.constant 0 : i32
    %dma_start3A_156 = tpu.memref_slice %arg4[%dma_start3A_154, %dma_start3A_155] : memref<192x128xf32, #tpu.memory_space<vmem>> -> memref<128x128xf32, #tpu.memory_space<vmem>>
    %dma_start3A_157 = arith.constant 0 : i32
    %dma_start3A_158 = tpu.memref_slice %arg3[%add3A_153, %mul3A_23, %dma_start3A_157] : memref<512x512x128xf32, #tpu.memory_space<hbm>> -> memref<1x128x128xf32, #tpu.memory_space<hbm>>
    %dma_start3A_159 = tpu.memref_squeeze %dma_start3A_158 : memref<1x128x128xf32, #tpu.memory_space<hbm>> -> memref<128x128xf32, #tpu.memory_space<hbm>>
    %dma_start3A_160 = arith.constant 0 : i32
    %dma_start3A_161 = tpu.memref_slice %arg3[%add3A_153, %mul3A_23, %dma_start3A_160] : memref<512x512x128xf32, #tpu.memory_space<hbm>> -> memref<1x128x128xf32, #tpu.memory_space<hbm>>
    %dma_start3A_162 = tpu.memref_squeeze %dma_start3A_161 : memref<1x128x128xf32, #tpu.memory_space<hbm>> -> memref<128x128xf32, #tpu.memory_space<hbm>>
    %dma_start3A_163 = arith.constant 54 : i32
    %dma_start3A_164 = arith.constant 0 : i32
    %dma_start3A_165 = tpu.memref_slice %arg4[%dma_start3A_163, %dma_start3A_164] : memref<192x128xf32, #tpu.memory_space<vmem>> -> memref<128x128xf32, #tpu.memory_space<vmem>>
    tpu.enqueue_dma source(%dma_start3A_165 : memref<128x128xf32, #tpu.memory_space<vmem>>) target(%dma_start3A_162 : memref<128x128xf32, #tpu.memory_space<hbm>>) target_semaphore(%arg5 : memref<!tpu.dma_semaphore, #tpu.memory_space<semaphore_mem>>)
    %add3A_166 = arith.constant 10 : i32
    %add3A_167 = arith.addi %mul3A_21, %add3A_166 : i32
    %dma_start3A_168 = arith.constant 53 : i32
    %dma_start3A_169 = arith.constant 0 : i32
    %dma_start3A_170 = tpu.memref_slice %arg4[%dma_start3A_168, %dma_start3A_169] : memref<192x128xf32, #tpu.memory_space<vmem>> -> memref<128x128xf32, #tpu.memory_space<vmem>>
    %dma_start3A_171 = arith.constant 0 : i32
    %dma_start3A_172 = tpu.memref_slice %arg3[%add3A_167, %mul3A_23, %dma_start3A_171] : memref<512x512x128xf32, #tpu.memory_space<hbm>> -> memref<1x128x128xf32, #tpu.memory_space<hbm>>
    %dma_start3A_173 = tpu.memref_squeeze %dma_start3A_172 : memref<1x128x128xf32, #tpu.memory_space<hbm>> -> memref<128x128xf32, #tpu.memory_space<hbm>>
    %dma_start3A_174 = arith.constant 0 : i32
    %dma_start3A_175 = tpu.memref_slice %arg3[%add3A_167, %mul3A_23, %dma_start3A_174] : memref<512x512x128xf32, #tpu.memory_space<hbm>> -> memref<1x128x128xf32, #tpu.memory_space<hbm>>
    %dma_start3A_176 = tpu.memref_squeeze %dma_start3A_175 : memref<1x128x128xf32, #tpu.memory_space<hbm>> -> memref<128x128xf32, #tpu.memory_space<hbm>>
    %dma_start3A_177 = arith.constant 53 : i32
    %dma_start3A_178 = arith.constant 0 : i32
    %dma_start3A_179 = tpu.memref_slice %arg4[%dma_start3A_177, %dma_start3A_178] : memref<192x128xf32, #tpu.memory_space<vmem>> -> memref<128x128xf32, #tpu.memory_space<vmem>>
    tpu.enqueue_dma source(%dma_start3A_179 : memref<128x128xf32, #tpu.memory_space<vmem>>) target(%dma_start3A_176 : memref<128x128xf32, #tpu.memory_space<hbm>>) target_semaphore(%arg5 : memref<!tpu.dma_semaphore, #tpu.memory_space<semaphore_mem>>)
    %add3A_180 = arith.constant 11 : i32
    %add3A_181 = arith.addi %mul3A_21, %add3A_180 : i32
    %dma_start3A_182 = arith.constant 52 : i32
    %dma_start3A_183 = arith.constant 0 : i32
    %dma_start3A_184 = tpu.memref_slice %arg4[%dma_start3A_182, %dma_start3A_183] : memref<192x128xf32, #tpu.memory_space<vmem>> -> memref<128x128xf32, #tpu.memory_space<vmem>>
    %dma_start3A_185 = arith.constant 0 : i32
    %dma_start3A_186 = tpu.memref_slice %arg3[%add3A_181, %mul3A_23, %dma_start3A_185] : memref<512x512x128xf32, #tpu.memory_space<hbm>> -> memref<1x128x128xf32, #tpu.memory_space<hbm>>
    %dma_start3A_187 = tpu.memref_squeeze %dma_start3A_186 : memref<1x128x128xf32, #tpu.memory_space<hbm>> -> memref<128x128xf32, #tpu.memory_space<hbm>>
    %dma_start3A_188 = arith.constant 0 : i32
    %dma_start3A_189 = tpu.memref_slice %arg3[%add3A_181, %mul3A_23, %dma_start3A_188] : memref<512x512x128xf32, #tpu.memory_space<hbm>> -> memref<1x128x128xf32, #tpu.memory_space<hbm>>
    %dma_start3A_190 = tpu.memref_squeeze %dma_start3A_189 : memref<1x128x128xf32, #tpu.memory_space<hbm>> -> memref<128x128xf32, #tpu.memory_space<hbm>>
    %dma_start3A_191 = arith.constant 52 : i32
    %dma_start3A_192 = arith.constant 0 : i32
    %dma_start3A_193 = tpu.memref_slice %arg4[%dma_start3A_191, %dma_start3A_192] : memref<192x128xf32, #tpu.memory_space<vmem>> -> memref<128x128xf32, #tpu.memory_space<vmem>>
    tpu.enqueue_dma source(%dma_start3A_193 : memref<128x128xf32, #tpu.memory_space<vmem>>) target(%dma_start3A_190 : memref<128x128xf32, #tpu.memory_space<hbm>>) target_semaphore(%arg5 : memref<!tpu.dma_semaphore, #tpu.memory_space<semaphore_mem>>)
    %add3A_194 = arith.constant 12 : i32
    %add3A_195 = arith.addi %mul3A_21, %add3A_194 : i32
    %dma_start3A_196 = arith.constant 51 : i32
    %dma_start3A_197 = arith.constant 0 : i32
    %dma_start3A_198 = tpu.memref_slice %arg4[%dma_start3A_196, %dma_start3A_197] : memref<192x128xf32, #tpu.memory_space<vmem>> -> memref<128x128xf32, #tpu.memory_space<vmem>>
    %dma_start3A_199 = arith.constant 0 : i32
    %dma_start3A_200 = tpu.memref_slice %arg3[%add3A_195, %mul3A_23, %dma_start3A_199] : memref<512x512x128xf32, #tpu.memory_space<hbm>> -> memref<1x128x128xf32, #tpu.memory_space<hbm>>
    %dma_start3A_201 = tpu.memref_squeeze %dma_start3A_200 : memref<1x128x128xf32, #tpu.memory_space<hbm>> -> memref<128x128xf32, #tpu.memory_space<hbm>>
    %dma_start3A_202 = arith.constant 0 : i32
    %dma_start3A_203 = tpu.memref_slice %arg3[%add3A_195, %mul3A_23, %dma_start3A_202] : memref<512x512x128xf32, #tpu.memory_space<hbm>> -> memref<1x128x128xf32, #tpu.memory_space<hbm>>
    %dma_start3A_204 = tpu.memref_squeeze %dma_start3A_203 : memref<1x128x128xf32, #tpu.memory_space<hbm>> -> memref<128x128xf32, #tpu.memory_space<hbm>>
    %dma_start3A_205 = arith.constant 51 : i32
    %dma_start3A_206 = arith.constant 0 : i32
    %dma_start3A_207 = tpu.memref_slice %arg4[%dma_start3A_205, %dma_start3A_206] : memref<192x128xf32, #tpu.memory_space<vmem>> -> memref<128x128xf32, #tpu.memory_space<vmem>>
    tpu.enqueue_dma source(%dma_start3A_207 : memref<128x128xf32, #tpu.memory_space<vmem>>) target(%dma_start3A_204 : memref<128x128xf32, #tpu.memory_space<hbm>>) target_semaphore(%arg5 : memref<!tpu.dma_semaphore, #tpu.memory_space<semaphore_mem>>)
    %add3A_208 = arith.constant 13 : i32
    %add3A_209 = arith.addi %mul3A_21, %add3A_208 : i32
    %dma_start3A_210 = arith.constant 50 : i32
    %dma_start3A_211 = arith.constant 0 : i32
    %dma_start3A_212 = tpu.memref_slice %arg4[%dma_start3A_210, %dma_start3A_211] : memref<192x128xf32, #tpu.memory_space<vmem>> -> memref<128x128xf32, #tpu.memory_space<vmem>>
    %dma_start3A_213 = arith.constant 0 : i32
    %dma_start3A_214 = tpu.memref_slice %arg3[%add3A_209, %mul3A_23, %dma_start3A_213] : memref<512x512x128xf32, #tpu.memory_space<hbm>> -> memref<1x128x128xf32, #tpu.memory_space<hbm>>
    %dma_start3A_215 = tpu.memref_squeeze %dma_start3A_214 : memref<1x128x128xf32, #tpu.memory_space<hbm>> -> memref<128x128xf32, #tpu.memory_space<hbm>>
    %dma_start3A_216 = arith.constant 0 : i32
    %dma_start3A_217 = tpu.memref_slice %arg3[%add3A_209, %mul3A_23, %dma_start3A_216] : memref<512x512x128xf32, #tpu.memory_space<hbm>> -> memref<1x128x128xf32, #tpu.memory_space<hbm>>
    %dma_start3A_218 = tpu.memref_squeeze %dma_start3A_217 : memref<1x128x128xf32, #tpu.memory_space<hbm>> -> memref<128x128xf32, #tpu.memory_space<hbm>>
    %dma_start3A_219 = arith.constant 50 : i32
    %dma_start3A_220 = arith.constant 0 : i32
    %dma_start3A_221 = tpu.memref_slice %arg4[%dma_start3A_219, %dma_start3A_220] : memref<192x128xf32, #tpu.memory_space<vmem>> -> memref<128x128xf32, #tpu.memory_space<vmem>>
    tpu.enqueue_dma source(%dma_start3A_221 : memref<128x128xf32, #tpu.memory_space<vmem>>) target(%dma_start3A_218 : memref<128x128xf32, #tpu.memory_space<hbm>>) target_semaphore(%arg5 : memref<!tpu.dma_semaphore, #tpu.memory_space<semaphore_mem>>)
    %add3A_222 = arith.constant 14 : i32
    %add3A_223 = arith.addi %mul3A_21, %add3A_222 : i32
    %dma_start3A_224 = arith.constant 49 : i32
    %dma_start3A_225 = arith.constant 0 : i32
    %dma_start3A_226 = tpu.memref_slice %arg4[%dma_start3A_224, %dma_start3A_225] : memref<192x128xf32, #tpu.memory_space<vmem>> -> memref<128x128xf32, #tpu.memory_space<vmem>>
    %dma_start3A_227 = arith.constant 0 : i32
    %dma_start3A_228 = tpu.memref_slice %arg3[%add3A_223, %mul3A_23, %dma_start3A_227] : memref<512x512x128xf32, #tpu.memory_space<hbm>> -> memref<1x128x128xf32, #tpu.memory_space<hbm>>
    %dma_start3A_229 = tpu.memref_squeeze %dma_start3A_228 : memref<1x128x128xf32, #tpu.memory_space<hbm>> -> memref<128x128xf32, #tpu.memory_space<hbm>>
    %dma_start3A_230 = arith.constant 0 : i32
    %dma_start3A_231 = tpu.memref_slice %arg3[%add3A_223, %mul3A_23, %dma_start3A_230] : memref<512x512x128xf32, #tpu.memory_space<hbm>> -> memref<1x128x128xf32, #tpu.memory_space<hbm>>
    %dma_start3A_232 = tpu.memref_squeeze %dma_start3A_231 : memref<1x128x128xf32, #tpu.memory_space<hbm>> -> memref<128x128xf32, #tpu.memory_space<hbm>>
    %dma_start3A_233 = arith.constant 49 : i32
    %dma_start3A_234 = arith.constant 0 : i32
    %dma_start3A_235 = tpu.memref_slice %arg4[%dma_start3A_233, %dma_start3A_234] : memref<192x128xf32, #tpu.memory_space<vmem>> -> memref<128x128xf32, #tpu.memory_space<vmem>>
    tpu.enqueue_dma source(%dma_start3A_235 : memref<128x128xf32, #tpu.memory_space<vmem>>) target(%dma_start3A_232 : memref<128x128xf32, #tpu.memory_space<hbm>>) target_semaphore(%arg5 : memref<!tpu.dma_semaphore, #tpu.memory_space<semaphore_mem>>)
    %add3A_236 = arith.constant 15 : i32
    %add3A_237 = arith.addi %mul3A_21, %add3A_236 : i32
    %dma_start3A_238 = arith.constant 48 : i32
    %dma_start3A_239 = arith.constant 0 : i32
    %dma_start3A_240 = tpu.memref_slice %arg4[%dma_start3A_238, %dma_start3A_239] : memref<192x128xf32, #tpu.memory_space<vmem>> -> memref<128x128xf32, #tpu.memory_space<vmem>>
    %dma_start3A_241 = arith.constant 0 : i32
    %dma_start3A_242 = tpu.memref_slice %arg3[%add3A_237, %mul3A_23, %dma_start3A_241] : memref<512x512x128xf32, #tpu.memory_space<hbm>> -> memref<1x128x128xf32, #tpu.memory_space<hbm>>
    %dma_start3A_243 = tpu.memref_squeeze %dma_start3A_242 : memref<1x128x128xf32, #tpu.memory_space<hbm>> -> memref<128x128xf32, #tpu.memory_space<hbm>>
    %dma_start3A_244 = arith.constant 0 : i32
    %dma_start3A_245 = tpu.memref_slice %arg3[%add3A_237, %mul3A_23, %dma_start3A_244] : memref<512x512x128xf32, #tpu.memory_space<hbm>> -> memref<1x128x128xf32, #tpu.memory_space<hbm>>
    %dma_start3A_246 = tpu.memref_squeeze %dma_start3A_245 : memref<1x128x128xf32, #tpu.memory_space<hbm>> -> memref<128x128xf32, #tpu.memory_space<hbm>>
    %dma_start3A_247 = arith.constant 48 : i32
    %dma_start3A_248 = arith.constant 0 : i32
    %dma_start3A_249 = tpu.memref_slice %arg4[%dma_start3A_247, %dma_start3A_248] : memref<192x128xf32, #tpu.memory_space<vmem>> -> memref<128x128xf32, #tpu.memory_space<vmem>>
    tpu.enqueue_dma source(%dma_start3A_249 : memref<128x128xf32, #tpu.memory_space<vmem>>) target(%dma_start3A_246 : memref<128x128xf32, #tpu.memory_space<hbm>>) target_semaphore(%arg5 : memref<!tpu.dma_semaphore, #tpu.memory_space<semaphore_mem>>)
    %add3A_250 = arith.constant 16 : i32
    %add3A_251 = arith.addi %mul3A_21, %add3A_250 : i32
    %dma_start3A_252 = arith.constant 47 : i32
    %dma_start3A_253 = arith.constant 0 : i32
    %dma_start3A_254 = tpu.memref_slice %arg4[%dma_start3A_252, %dma_start3A_253] : memref<192x128xf32, #tpu.memory_space<vmem>> -> memref<128x128xf32, #tpu.memory_space<vmem>>
    %dma_start3A_255 = arith.constant 0 : i32
    %dma_start3A_256 = tpu.memref_slice %arg3[%add3A_251, %mul3A_23, %dma_start3A_255] : memref<512x512x128xf32, #tpu.memory_space<hbm>> -> memref<1x128x128xf32, #tpu.memory_space<hbm>>
    %dma_start3A_257 = tpu.memref_squeeze %dma_start3A_256 : memref<1x128x128xf32, #tpu.memory_space<hbm>> -> memref<128x128xf32, #tpu.memory_space<hbm>>
    %dma_start3A_258 = arith.constant 0 : i32
    %dma_start3A_259 = tpu.memref_slice %arg3[%add3A_251, %mul3A_23, %dma_start3A_258] : memref<512x512x128xf32, #tpu.memory_space<hbm>> -> memref<1x128x128xf32, #tpu.memory_space<hbm>>
    %dma_start3A_260 = tpu.memref_squeeze %dma_start3A_259 : memref<1x128x128xf32, #tpu.memory_space<hbm>> -> memref<128x128xf32, #tpu.memory_space<hbm>>
    %dma_start3A_261 = arith.constant 47 : i32
    %dma_start3A_262 = arith.constant 0 : i32
    %dma_start3A_263 = tpu.memref_slice %arg4[%dma_start3A_261, %dma_start3A_262] : memref<192x128xf32, #tpu.memory_space<vmem>> -> memref<128x128xf32, #tpu.memory_space<vmem>>
    tpu.enqueue_dma source(%dma_start3A_263 : memref<128x128xf32, #tpu.memory_space<vmem>>) target(%dma_start3A_260 : memref<128x128xf32, #tpu.memory_space<hbm>>) target_semaphore(%arg5 : memref<!tpu.dma_semaphore, #tpu.memory_space<semaphore_mem>>)
    %add3A_264 = arith.constant 17 : i32
    %add3A_265 = arith.addi %mul3A_21, %add3A_264 : i32
    %dma_start3A_266 = arith.constant 46 : i32
    %dma_start3A_267 = arith.constant 0 : i32
    %dma_start3A_268 = tpu.memref_slice %arg4[%dma_start3A_266, %dma_start3A_267] : memref<192x128xf32, #tpu.memory_space<vmem>> -> memref<128x128xf32, #tpu.memory_space<vmem>>
    %dma_start3A_269 = arith.constant 0 : i32
    %dma_start3A_270 = tpu.memref_slice %arg3[%add3A_265, %mul3A_23, %dma_start3A_269] : memref<512x512x128xf32, #tpu.memory_space<hbm>> -> memref<1x128x128xf32, #tpu.memory_space<hbm>>
    %dma_start3A_271 = tpu.memref_squeeze %dma_start3A_270 : memref<1x128x128xf32, #tpu.memory_space<hbm>> -> memref<128x128xf32, #tpu.memory_space<hbm>>
    %dma_start3A_272 = arith.constant 0 : i32
    %dma_start3A_273 = tpu.memref_slice %arg3[%add3A_265, %mul3A_23, %dma_start3A_272] : memref<512x512x128xf32, #tpu.memory_space<hbm>> -> memref<1x128x128xf32, #tpu.memory_space<hbm>>
    %dma_start3A_274 = tpu.memref_squeeze %dma_start3A_273 : memref<1x128x128xf32, #tpu.memory_space<hbm>> -> memref<128x128xf32, #tpu.memory_space<hbm>>
    %dma_start3A_275 = arith.constant 46 : i32
    %dma_start3A_276 = arith.constant 0 : i32
    %dma_start3A_277 = tpu.memref_slice %arg4[%dma_start3A_275, %dma_start3A_276] : memref<192x128xf32, #tpu.memory_space<vmem>> -> memref<128x128xf32, #tpu.memory_space<vmem>>
    tpu.enqueue_dma source(%dma_start3A_277 : memref<128x128xf32, #tpu.memory_space<vmem>>) target(%dma_start3A_274 : memref<128x128xf32, #tpu.memory_space<hbm>>) target_semaphore(%arg5 : memref<!tpu.dma_semaphore, #tpu.memory_space<semaphore_mem>>)
    %add3A_278 = arith.constant 18 : i32
    %add3A_279 = arith.addi %mul3A_21, %add3A_278 : i32
    %dma_start3A_280 = arith.constant 45 : i32
    %dma_start3A_281 = arith.constant 0 : i32
    %dma_start3A_282 = tpu.memref_slice %arg4[%dma_start3A_280, %dma_start3A_281] : memref<192x128xf32, #tpu.memory_space<vmem>> -> memref<128x128xf32, #tpu.memory_space<vmem>>
    %dma_start3A_283 = arith.constant 0 : i32
    %dma_start3A_284 = tpu.memref_slice %arg3[%add3A_279, %mul3A_23, %dma_start3A_283] : memref<512x512x128xf32, #tpu.memory_space<hbm>> -> memref<1x128x128xf32, #tpu.memory_space<hbm>>
    %dma_start3A_285 = tpu.memref_squeeze %dma_start3A_284 : memref<1x128x128xf32, #tpu.memory_space<hbm>> -> memref<128x128xf32, #tpu.memory_space<hbm>>
    %dma_start3A_286 = arith.constant 0 : i32
    %dma_start3A_287 = tpu.memref_slice %arg3[%add3A_279, %mul3A_23, %dma_start3A_286] : memref<512x512x128xf32, #tpu.memory_space<hbm>> -> memref<1x128x128xf32, #tpu.memory_space<hbm>>
    %dma_start3A_288 = tpu.memref_squeeze %dma_start3A_287 : memref<1x128x128xf32, #tpu.memory_space<hbm>> -> memref<128x128xf32, #tpu.memory_space<hbm>>
    %dma_start3A_289 = arith.constant 45 : i32
    %dma_start3A_290 = arith.constant 0 : i32
    %dma_start3A_291 = tpu.memref_slice %arg4[%dma_start3A_289, %dma_start3A_290] : memref<192x128xf32, #tpu.memory_space<vmem>> -> memref<128x128xf32, #tpu.memory_space<vmem>>
    tpu.enqueue_dma source(%dma_start3A_291 : memref<128x128xf32, #tpu.memory_space<vmem>>) target(%dma_start3A_288 : memref<128x128xf32, #tpu.memory_space<hbm>>) target_semaphore(%arg5 : memref<!tpu.dma_semaphore, #tpu.memory_space<semaphore_mem>>)
    %add3A_292 = arith.constant 19 : i32
    %add3A_293 = arith.addi %mul3A_21, %add3A_292 : i32
    %dma_start3A_294 = arith.constant 44 : i32
    %dma_start3A_295 = arith.constant 0 : i32
    %dma_start3A_296 = tpu.memref_slice %arg4[%dma_start3A_294, %dma_start3A_295] : memref<192x128xf32, #tpu.memory_space<vmem>> -> memref<128x128xf32, #tpu.memory_space<vmem>>
    %dma_start3A_297 = arith.constant 0 : i32
    %dma_start3A_298 = tpu.memref_slice %arg3[%add3A_293, %mul3A_23, %dma_start3A_297] : memref<512x512x128xf32, #tpu.memory_space<hbm>> -> memref<1x128x128xf32, #tpu.memory_space<hbm>>
    %dma_start3A_299 = tpu.memref_squeeze %dma_start3A_298 : memref<1x128x128xf32, #tpu.memory_space<hbm>> -> memref<128x128xf32, #tpu.memory_space<hbm>>
    %dma_start3A_300 = arith.constant 0 : i32
    %dma_start3A_301 = tpu.memref_slice %arg3[%add3A_293, %mul3A_23, %dma_start3A_300] : memref<512x512x128xf32, #tpu.memory_space<hbm>> -> memref<1x128x128xf32, #tpu.memory_space<hbm>>
    %dma_start3A_302 = tpu.memref_squeeze %dma_start3A_301 : memref<1x128x128xf32, #tpu.memory_space<hbm>> -> memref<128x128xf32, #tpu.memory_space<hbm>>
    %dma_start3A_303 = arith.constant 44 : i32
    %dma_start3A_304 = arith.constant 0 : i32
    %dma_start3A_305 = tpu.memref_slice %arg4[%dma_start3A_303, %dma_start3A_304] : memref<192x128xf32, #tpu.memory_space<vmem>> -> memref<128x128xf32, #tpu.memory_space<vmem>>
    tpu.enqueue_dma source(%dma_start3A_305 : memref<128x128xf32, #tpu.memory_space<vmem>>) target(%dma_start3A_302 : memref<128x128xf32, #tpu.memory_space<hbm>>) target_semaphore(%arg5 : memref<!tpu.dma_semaphore, #tpu.memory_space<semaphore_mem>>)
    %add3A_306 = arith.constant 20 : i32
    %add3A_307 = arith.addi %mul3A_21, %add3A_306 : i32
    %dma_start3A_308 = arith.constant 43 : i32
    %dma_start3A_309 = arith.constant 0 : i32
    %dma_start3A_310 = tpu.memref_slice %arg4[%dma_start3A_308, %dma_start3A_309] : memref<192x128xf32, #tpu.memory_space<vmem>> -> memref<128x128xf32, #tpu.memory_space<vmem>>
    %dma_start3A_311 = arith.constant 0 : i32
    %dma_start3A_312 = tpu.memref_slice %arg3[%add3A_307, %mul3A_23, %dma_start3A_311] : memref<512x512x128xf32, #tpu.memory_space<hbm>> -> memref<1x128x128xf32, #tpu.memory_space<hbm>>
    %dma_start3A_313 = tpu.memref_squeeze %dma_start3A_312 : memref<1x128x128xf32, #tpu.memory_space<hbm>> -> memref<128x128xf32, #tpu.memory_space<hbm>>
    %dma_start3A_314 = arith.constant 0 : i32
    %dma_start3A_315 = tpu.memref_slice %arg3[%add3A_307, %mul3A_23, %dma_start3A_314] : memref<512x512x128xf32, #tpu.memory_space<hbm>> -> memref<1x128x128xf32, #tpu.memory_space<hbm>>
    %dma_start3A_316 = tpu.memref_squeeze %dma_start3A_315 : memref<1x128x128xf32, #tpu.memory_space<hbm>> -> memref<128x128xf32, #tpu.memory_space<hbm>>
    %dma_start3A_317 = arith.constant 43 : i32
    %dma_start3A_318 = arith.constant 0 : i32
    %dma_start3A_319 = tpu.memref_slice %arg4[%dma_start3A_317, %dma_start3A_318] : memref<192x128xf32, #tpu.memory_space<vmem>> -> memref<128x128xf32, #tpu.memory_space<vmem>>
    tpu.enqueue_dma source(%dma_start3A_319 : memref<128x128xf32, #tpu.memory_space<vmem>>) target(%dma_start3A_316 : memref<128x128xf32, #tpu.memory_space<hbm>>) target_semaphore(%arg5 : memref<!tpu.dma_semaphore, #tpu.memory_space<semaphore_mem>>)
    %add3A_320 = arith.constant 21 : i32
    %add3A_321 = arith.addi %mul3A_21, %add3A_320 : i32
    %dma_start3A_322 = arith.constant 42 : i32
    %dma_start3A_323 = arith.constant 0 : i32
    %dma_start3A_324 = tpu.memref_slice %arg4[%dma_start3A_322, %dma_start3A_323] : memref<192x128xf32, #tpu.memory_space<vmem>> -> memref<128x128xf32, #tpu.memory_space<vmem>>
    %dma_start3A_325 = arith.constant 0 : i32
    %dma_start3A_326 = tpu.memref_slice %arg3[%add3A_321, %mul3A_23, %dma_start3A_325] : memref<512x512x128xf32, #tpu.memory_space<hbm>> -> memref<1x128x128xf32, #tpu.memory_space<hbm>>
    %dma_start3A_327 = tpu.memref_squeeze %dma_start3A_326 : memref<1x128x128xf32, #tpu.memory_space<hbm>> -> memref<128x128xf32, #tpu.memory_space<hbm>>
    %dma_start3A_328 = arith.constant 0 : i32
    %dma_start3A_329 = tpu.memref_slice %arg3[%add3A_321, %mul3A_23, %dma_start3A_328] : memref<512x512x128xf32, #tpu.memory_space<hbm>> -> memref<1x128x128xf32, #tpu.memory_space<hbm>>
    %dma_start3A_330 = tpu.memref_squeeze %dma_start3A_329 : memref<1x128x128xf32, #tpu.memory_space<hbm>> -> memref<128x128xf32, #tpu.memory_space<hbm>>
    %dma_start3A_331 = arith.constant 42 : i32
    %dma_start3A_332 = arith.constant 0 : i32
    %dma_start3A_333 = tpu.memref_slice %arg4[%dma_start3A_331, %dma_start3A_332] : memref<192x128xf32, #tpu.memory_space<vmem>> -> memref<128x128xf32, #tpu.memory_space<vmem>>
    tpu.enqueue_dma source(%dma_start3A_333 : memref<128x128xf32, #tpu.memory_space<vmem>>) target(%dma_start3A_330 : memref<128x128xf32, #tpu.memory_space<hbm>>) target_semaphore(%arg5 : memref<!tpu.dma_semaphore, #tpu.memory_space<semaphore_mem>>)
    %add3A_334 = arith.constant 22 : i32
    %add3A_335 = arith.addi %mul3A_21, %add3A_334 : i32
    %dma_start3A_336 = arith.constant 41 : i32
    %dma_start3A_337 = arith.constant 0 : i32
    %dma_start3A_338 = tpu.memref_slice %arg4[%dma_start3A_336, %dma_start3A_337] : memref<192x128xf32, #tpu.memory_space<vmem>> -> memref<128x128xf32, #tpu.memory_space<vmem>>
    %dma_start3A_339 = arith.constant 0 : i32
    %dma_start3A_340 = tpu.memref_slice %arg3[%add3A_335, %mul3A_23, %dma_start3A_339] : memref<512x512x128xf32, #tpu.memory_space<hbm>> -> memref<1x128x128xf32, #tpu.memory_space<hbm>>
    %dma_start3A_341 = tpu.memref_squeeze %dma_start3A_340 : memref<1x128x128xf32, #tpu.memory_space<hbm>> -> memref<128x128xf32, #tpu.memory_space<hbm>>
    %dma_start3A_342 = arith.constant 0 : i32
    %dma_start3A_343 = tpu.memref_slice %arg3[%add3A_335, %mul3A_23, %dma_start3A_342] : memref<512x512x128xf32, #tpu.memory_space<hbm>> -> memref<1x128x128xf32, #tpu.memory_space<hbm>>
    %dma_start3A_344 = tpu.memref_squeeze %dma_start3A_343 : memref<1x128x128xf32, #tpu.memory_space<hbm>> -> memref<128x128xf32, #tpu.memory_space<hbm>>
    %dma_start3A_345 = arith.constant 41 : i32
    %dma_start3A_346 = arith.constant 0 : i32
    %dma_start3A_347 = tpu.memref_slice %arg4[%dma_start3A_345, %dma_start3A_346] : memref<192x128xf32, #tpu.memory_space<vmem>> -> memref<128x128xf32, #tpu.memory_space<vmem>>
    tpu.enqueue_dma source(%dma_start3A_347 : memref<128x128xf32, #tpu.memory_space<vmem>>) target(%dma_start3A_344 : memref<128x128xf32, #tpu.memory_space<hbm>>) target_semaphore(%arg5 : memref<!tpu.dma_semaphore, #tpu.memory_space<semaphore_mem>>)
    %add3A_348 = arith.constant 23 : i32
    %add3A_349 = arith.addi %mul3A_21, %add3A_348 : i32
    %dma_start3A_350 = arith.constant 40 : i32
    %dma_start3A_351 = arith.constant 0 : i32
    %dma_start3A_352 = tpu.memref_slice %arg4[%dma_start3A_350, %dma_start3A_351] : memref<192x128xf32, #tpu.memory_space<vmem>> -> memref<128x128xf32, #tpu.memory_space<vmem>>
    %dma_start3A_353 = arith.constant 0 : i32
    %dma_start3A_354 = tpu.memref_slice %arg3[%add3A_349, %mul3A_23, %dma_start3A_353] : memref<512x512x128xf32, #tpu.memory_space<hbm>> -> memref<1x128x128xf32, #tpu.memory_space<hbm>>
    %dma_start3A_355 = tpu.memref_squeeze %dma_start3A_354 : memref<1x128x128xf32, #tpu.memory_space<hbm>> -> memref<128x128xf32, #tpu.memory_space<hbm>>
    %dma_start3A_356 = arith.constant 0 : i32
    %dma_start3A_357 = tpu.memref_slice %arg3[%add3A_349, %mul3A_23, %dma_start3A_356] : memref<512x512x128xf32, #tpu.memory_space<hbm>> -> memref<1x128x128xf32, #tpu.memory_space<hbm>>
    %dma_start3A_358 = tpu.memref_squeeze %dma_start3A_357 : memref<1x128x128xf32, #tpu.memory_space<hbm>> -> memref<128x128xf32, #tpu.memory_space<hbm>>
    %dma_start3A_359 = arith.constant 40 : i32
    %dma_start3A_360 = arith.constant 0 : i32
    %dma_start3A_361 = tpu.memref_slice %arg4[%dma_start3A_359, %dma_start3A_360] : memref<192x128xf32, #tpu.memory_space<vmem>> -> memref<128x128xf32, #tpu.memory_space<vmem>>
    tpu.enqueue_dma source(%dma_start3A_361 : memref<128x128xf32, #tpu.memory_space<vmem>>) target(%dma_start3A_358 : memref<128x128xf32, #tpu.memory_space<hbm>>) target_semaphore(%arg5 : memref<!tpu.dma_semaphore, #tpu.memory_space<semaphore_mem>>)
    %add3A_362 = arith.constant 24 : i32
    %add3A_363 = arith.addi %mul3A_21, %add3A_362 : i32
    %dma_start3A_364 = arith.constant 39 : i32
    %dma_start3A_365 = arith.constant 0 : i32
    %dma_start3A_366 = tpu.memref_slice %arg4[%dma_start3A_364, %dma_start3A_365] : memref<192x128xf32, #tpu.memory_space<vmem>> -> memref<128x128xf32, #tpu.memory_space<vmem>>
    %dma_start3A_367 = arith.constant 0 : i32
    %dma_start3A_368 = tpu.memref_slice %arg3[%add3A_363, %mul3A_23, %dma_start3A_367] : memref<512x512x128xf32, #tpu.memory_space<hbm>> -> memref<1x128x128xf32, #tpu.memory_space<hbm>>
    %dma_start3A_369 = tpu.memref_squeeze %dma_start3A_368 : memref<1x128x128xf32, #tpu.memory_space<hbm>> -> memref<128x128xf32, #tpu.memory_space<hbm>>
    %dma_start3A_370 = arith.constant 0 : i32
    %dma_start3A_371 = tpu.memref_slice %arg3[%add3A_363, %mul3A_23, %dma_start3A_370] : memref<512x512x128xf32, #tpu.memory_space<hbm>> -> memref<1x128x128xf32, #tpu.memory_space<hbm>>
    %dma_start3A_372 = tpu.memref_squeeze %dma_start3A_371 : memref<1x128x128xf32, #tpu.memory_space<hbm>> -> memref<128x128xf32, #tpu.memory_space<hbm>>
    %dma_start3A_373 = arith.constant 39 : i32
    %dma_start3A_374 = arith.constant 0 : i32
    %dma_start3A_375 = tpu.memref_slice %arg4[%dma_start3A_373, %dma_start3A_374] : memref<192x128xf32, #tpu.memory_space<vmem>> -> memref<128x128xf32, #tpu.memory_space<vmem>>
    tpu.enqueue_dma source(%dma_start3A_375 : memref<128x128xf32, #tpu.memory_space<vmem>>) target(%dma_start3A_372 : memref<128x128xf32, #tpu.memory_space<hbm>>) target_semaphore(%arg5 : memref<!tpu.dma_semaphore, #tpu.memory_space<semaphore_mem>>)
    %add3A_376 = arith.constant 25 : i32
    %add3A_377 = arith.addi %mul3A_21, %add3A_376 : i32
    %dma_start3A_378 = arith.constant 38 : i32
    %dma_start3A_379 = arith.constant 0 : i32
    %dma_start3A_380 = tpu.memref_slice %arg4[%dma_start3A_378, %dma_start3A_379] : memref<192x128xf32, #tpu.memory_space<vmem>> -> memref<128x128xf32, #tpu.memory_space<vmem>>
    %dma_start3A_381 = arith.constant 0 : i32
    %dma_start3A_382 = tpu.memref_slice %arg3[%add3A_377, %mul3A_23, %dma_start3A_381] : memref<512x512x128xf32, #tpu.memory_space<hbm>> -> memref<1x128x128xf32, #tpu.memory_space<hbm>>
    %dma_start3A_383 = tpu.memref_squeeze %dma_start3A_382 : memref<1x128x128xf32, #tpu.memory_space<hbm>> -> memref<128x128xf32, #tpu.memory_space<hbm>>
    %dma_start3A_384 = arith.constant 0 : i32
    %dma_start3A_385 = tpu.memref_slice %arg3[%add3A_377, %mul3A_23, %dma_start3A_384] : memref<512x512x128xf32, #tpu.memory_space<hbm>> -> memref<1x128x128xf32, #tpu.memory_space<hbm>>
    %dma_start3A_386 = tpu.memref_squeeze %dma_start3A_385 : memref<1x128x128xf32, #tpu.memory_space<hbm>> -> memref<128x128xf32, #tpu.memory_space<hbm>>
    %dma_start3A_387 = arith.constant 38 : i32
    %dma_start3A_388 = arith.constant 0 : i32
    %dma_start3A_389 = tpu.memref_slice %arg4[%dma_start3A_387, %dma_start3A_388] : memref<192x128xf32, #tpu.memory_space<vmem>> -> memref<128x128xf32, #tpu.memory_space<vmem>>
    tpu.enqueue_dma source(%dma_start3A_389 : memref<128x128xf32, #tpu.memory_space<vmem>>) target(%dma_start3A_386 : memref<128x128xf32, #tpu.memory_space<hbm>>) target_semaphore(%arg5 : memref<!tpu.dma_semaphore, #tpu.memory_space<semaphore_mem>>)
    %add3A_390 = arith.constant 26 : i32
    %add3A_391 = arith.addi %mul3A_21, %add3A_390 : i32
    %dma_start3A_392 = arith.constant 37 : i32
    %dma_start3A_393 = arith.constant 0 : i32
    %dma_start3A_394 = tpu.memref_slice %arg4[%dma_start3A_392, %dma_start3A_393] : memref<192x128xf32, #tpu.memory_space<vmem>> -> memref<128x128xf32, #tpu.memory_space<vmem>>
    %dma_start3A_395 = arith.constant 0 : i32
    %dma_start3A_396 = tpu.memref_slice %arg3[%add3A_391, %mul3A_23, %dma_start3A_395] : memref<512x512x128xf32, #tpu.memory_space<hbm>> -> memref<1x128x128xf32, #tpu.memory_space<hbm>>
    %dma_start3A_397 = tpu.memref_squeeze %dma_start3A_396 : memref<1x128x128xf32, #tpu.memory_space<hbm>> -> memref<128x128xf32, #tpu.memory_space<hbm>>
    %dma_start3A_398 = arith.constant 0 : i32
    %dma_start3A_399 = tpu.memref_slice %arg3[%add3A_391, %mul3A_23, %dma_start3A_398] : memref<512x512x128xf32, #tpu.memory_space<hbm>> -> memref<1x128x128xf32, #tpu.memory_space<hbm>>
    %dma_start3A_400 = tpu.memref_squeeze %dma_start3A_399 : memref<1x128x128xf32, #tpu.memory_space<hbm>> -> memref<128x128xf32, #tpu.memory_space<hbm>>
    %dma_start3A_401 = arith.constant 37 : i32
    %dma_start3A_402 = arith.constant 0 : i32
    %dma_start3A_403 = tpu.memref_slice %arg4[%dma_start3A_401, %dma_start3A_402] : memref<192x128xf32, #tpu.memory_space<vmem>> -> memref<128x128xf32, #tpu.memory_space<vmem>>
    tpu.enqueue_dma source(%dma_start3A_403 : memref<128x128xf32, #tpu.memory_space<vmem>>) target(%dma_start3A_400 : memref<128x128xf32, #tpu.memory_space<hbm>>) target_semaphore(%arg5 : memref<!tpu.dma_semaphore, #tpu.memory_space<semaphore_mem>>)
    %add3A_404 = arith.constant 27 : i32
    %add3A_405 = arith.addi %mul3A_21, %add3A_404 : i32
    %dma_start3A_406 = arith.constant 36 : i32
    %dma_start3A_407 = arith.constant 0 : i32
    %dma_start3A_408 = tpu.memref_slice %arg4[%dma_start3A_406, %dma_start3A_407] : memref<192x128xf32, #tpu.memory_space<vmem>> -> memref<128x128xf32, #tpu.memory_space<vmem>>
    %dma_start3A_409 = arith.constant 0 : i32
    %dma_start3A_410 = tpu.memref_slice %arg3[%add3A_405, %mul3A_23, %dma_start3A_409] : memref<512x512x128xf32, #tpu.memory_space<hbm>> -> memref<1x128x128xf32, #tpu.memory_space<hbm>>
    %dma_start3A_411 = tpu.memref_squeeze %dma_start3A_410 : memref<1x128x128xf32, #tpu.memory_space<hbm>> -> memref<128x128xf32, #tpu.memory_space<hbm>>
    %dma_start3A_412 = arith.constant 0 : i32
    %dma_start3A_413 = tpu.memref_slice %arg3[%add3A_405, %mul3A_23, %dma_start3A_412] : memref<512x512x128xf32, #tpu.memory_space<hbm>> -> memref<1x128x128xf32, #tpu.memory_space<hbm>>
    %dma_start3A_414 = tpu.memref_squeeze %dma_start3A_413 : memref<1x128x128xf32, #tpu.memory_space<hbm>> -> memref<128x128xf32, #tpu.memory_space<hbm>>
    %dma_start3A_415 = arith.constant 36 : i32
    %dma_start3A_416 = arith.constant 0 : i32
    %dma_start3A_417 = tpu.memref_slice %arg4[%dma_start3A_415, %dma_start3A_416] : memref<192x128xf32, #tpu.memory_space<vmem>> -> memref<128x128xf32, #tpu.memory_space<vmem>>
    tpu.enqueue_dma source(%dma_start3A_417 : memref<128x128xf32, #tpu.memory_space<vmem>>) target(%dma_start3A_414 : memref<128x128xf32, #tpu.memory_space<hbm>>) target_semaphore(%arg5 : memref<!tpu.dma_semaphore, #tpu.memory_space<semaphore_mem>>)
    %add3A_418 = arith.constant 28 : i32
    %add3A_419 = arith.addi %mul3A_21, %add3A_418 : i32
    %dma_start3A_420 = arith.constant 35 : i32
    %dma_start3A_421 = arith.constant 0 : i32
    %dma_start3A_422 = tpu.memref_slice %arg4[%dma_start3A_420, %dma_start3A_421] : memref<192x128xf32, #tpu.memory_space<vmem>> -> memref<128x128xf32, #tpu.memory_space<vmem>>
    %dma_start3A_423 = arith.constant 0 : i32
    %dma_start3A_424 = tpu.memref_slice %arg3[%add3A_419, %mul3A_23, %dma_start3A_423] : memref<512x512x128xf32, #tpu.memory_space<hbm>> -> memref<1x128x128xf32, #tpu.memory_space<hbm>>
    %dma_start3A_425 = tpu.memref_squeeze %dma_start3A_424 : memref<1x128x128xf32, #tpu.memory_space<hbm>> -> memref<128x128xf32, #tpu.memory_space<hbm>>
    %dma_start3A_426 = arith.constant 0 : i32
    %dma_start3A_427 = tpu.memref_slice %arg3[%add3A_419, %mul3A_23, %dma_start3A_426] : memref<512x512x128xf32, #tpu.memory_space<hbm>> -> memref<1x128x128xf32, #tpu.memory_space<hbm>>
    %dma_start3A_428 = tpu.memref_squeeze %dma_start3A_427 : memref<1x128x128xf32, #tpu.memory_space<hbm>> -> memref<128x128xf32, #tpu.memory_space<hbm>>
    %dma_start3A_429 = arith.constant 35 : i32
    %dma_start3A_430 = arith.constant 0 : i32
    %dma_start3A_431 = tpu.memref_slice %arg4[%dma_start3A_429, %dma_start3A_430] : memref<192x128xf32, #tpu.memory_space<vmem>> -> memref<128x128xf32, #tpu.memory_space<vmem>>
    tpu.enqueue_dma source(%dma_start3A_431 : memref<128x128xf32, #tpu.memory_space<vmem>>) target(%dma_start3A_428 : memref<128x128xf32, #tpu.memory_space<hbm>>) target_semaphore(%arg5 : memref<!tpu.dma_semaphore, #tpu.memory_space<semaphore_mem>>)
    %add3A_432 = arith.constant 29 : i32
    %add3A_433 = arith.addi %mul3A_21, %add3A_432 : i32
    %dma_start3A_434 = arith.constant 34 : i32
    %dma_start3A_435 = arith.constant 0 : i32
    %dma_start3A_436 = tpu.memref_slice %arg4[%dma_start3A_434, %dma_start3A_435] : memref<192x128xf32, #tpu.memory_space<vmem>> -> memref<128x128xf32, #tpu.memory_space<vmem>>
    %dma_start3A_437 = arith.constant 0 : i32
    %dma_start3A_438 = tpu.memref_slice %arg3[%add3A_433, %mul3A_23, %dma_start3A_437] : memref<512x512x128xf32, #tpu.memory_space<hbm>> -> memref<1x128x128xf32, #tpu.memory_space<hbm>>
    %dma_start3A_439 = tpu.memref_squeeze %dma_start3A_438 : memref<1x128x128xf32, #tpu.memory_space<hbm>> -> memref<128x128xf32, #tpu.memory_space<hbm>>
    %dma_start3A_440 = arith.constant 0 : i32
    %dma_start3A_441 = tpu.memref_slice %arg3[%add3A_433, %mul3A_23, %dma_start3A_440] : memref<512x512x128xf32, #tpu.memory_space<hbm>> -> memref<1x128x128xf32, #tpu.memory_space<hbm>>
    %dma_start3A_442 = tpu.memref_squeeze %dma_start3A_441 : memref<1x128x128xf32, #tpu.memory_space<hbm>> -> memref<128x128xf32, #tpu.memory_space<hbm>>
    %dma_start3A_443 = arith.constant 34 : i32
    %dma_start3A_444 = arith.constant 0 : i32
    %dma_start3A_445 = tpu.memref_slice %arg4[%dma_start3A_443, %dma_start3A_444] : memref<192x128xf32, #tpu.memory_space<vmem>> -> memref<128x128xf32, #tpu.memory_space<vmem>>
    tpu.enqueue_dma source(%dma_start3A_445 : memref<128x128xf32, #tpu.memory_space<vmem>>) target(%dma_start3A_442 : memref<128x128xf32, #tpu.memory_space<hbm>>) target_semaphore(%arg5 : memref<!tpu.dma_semaphore, #tpu.memory_space<semaphore_mem>>)
    %add3A_446 = arith.constant 30 : i32
    %add3A_447 = arith.addi %mul3A_21, %add3A_446 : i32
    %dma_start3A_448 = arith.constant 33 : i32
    %dma_start3A_449 = arith.constant 0 : i32
    %dma_start3A_450 = tpu.memref_slice %arg4[%dma_start3A_448, %dma_start3A_449] : memref<192x128xf32, #tpu.memory_space<vmem>> -> memref<128x128xf32, #tpu.memory_space<vmem>>
    %dma_start3A_451 = arith.constant 0 : i32
    %dma_start3A_452 = tpu.memref_slice %arg3[%add3A_447, %mul3A_23, %dma_start3A_451] : memref<512x512x128xf32, #tpu.memory_space<hbm>> -> memref<1x128x128xf32, #tpu.memory_space<hbm>>
    %dma_start3A_453 = tpu.memref_squeeze %dma_start3A_452 : memref<1x128x128xf32, #tpu.memory_space<hbm>> -> memref<128x128xf32, #tpu.memory_space<hbm>>
    %dma_start3A_454 = arith.constant 0 : i32
    %dma_start3A_455 = tpu.memref_slice %arg3[%add3A_447, %mul3A_23, %dma_start3A_454] : memref<512x512x128xf32, #tpu.memory_space<hbm>> -> memref<1x128x128xf32, #tpu.memory_space<hbm>>
    %dma_start3A_456 = tpu.memref_squeeze %dma_start3A_455 : memref<1x128x128xf32, #tpu.memory_space<hbm>> -> memref<128x128xf32, #tpu.memory_space<hbm>>
    %dma_start3A_457 = arith.constant 33 : i32
    %dma_start3A_458 = arith.constant 0 : i32
    %dma_start3A_459 = tpu.memref_slice %arg4[%dma_start3A_457, %dma_start3A_458] : memref<192x128xf32, #tpu.memory_space<vmem>> -> memref<128x128xf32, #tpu.memory_space<vmem>>
    tpu.enqueue_dma source(%dma_start3A_459 : memref<128x128xf32, #tpu.memory_space<vmem>>) target(%dma_start3A_456 : memref<128x128xf32, #tpu.memory_space<hbm>>) target_semaphore(%arg5 : memref<!tpu.dma_semaphore, #tpu.memory_space<semaphore_mem>>)
    %add3A_460 = arith.constant 31 : i32
    %add3A_461 = arith.addi %mul3A_21, %add3A_460 : i32
    %dma_start3A_462 = arith.constant 32 : i32
    %dma_start3A_463 = arith.constant 0 : i32
    %dma_start3A_464 = tpu.memref_slice %arg4[%dma_start3A_462, %dma_start3A_463] : memref<192x128xf32, #tpu.memory_space<vmem>> -> memref<128x128xf32, #tpu.memory_space<vmem>>
    %dma_start3A_465 = arith.constant 0 : i32
    %dma_start3A_466 = tpu.memref_slice %arg3[%add3A_461, %mul3A_23, %dma_start3A_465] : memref<512x512x128xf32, #tpu.memory_space<hbm>> -> memref<1x128x128xf32, #tpu.memory_space<hbm>>
    %dma_start3A_467 = tpu.memref_squeeze %dma_start3A_466 : memref<1x128x128xf32, #tpu.memory_space<hbm>> -> memref<128x128xf32, #tpu.memory_space<hbm>>
    %dma_start3A_468 = arith.constant 0 : i32
    %dma_start3A_469 = tpu.memref_slice %arg3[%add3A_461, %mul3A_23, %dma_start3A_468] : memref<512x512x128xf32, #tpu.memory_space<hbm>> -> memref<1x128x128xf32, #tpu.memory_space<hbm>>
    %dma_start3A_470 = tpu.memref_squeeze %dma_start3A_469 : memref<1x128x128xf32, #tpu.memory_space<hbm>> -> memref<128x128xf32, #tpu.memory_space<hbm>>
    %dma_start3A_471 = arith.constant 32 : i32
    %dma_start3A_472 = arith.constant 0 : i32
    %dma_start3A_473 = tpu.memref_slice %arg4[%dma_start3A_471, %dma_start3A_472] : memref<192x128xf32, #tpu.memory_space<vmem>> -> memref<128x128xf32, #tpu.memory_space<vmem>>
    tpu.enqueue_dma source(%dma_start3A_473 : memref<128x128xf32, #tpu.memory_space<vmem>>) target(%dma_start3A_470 : memref<128x128xf32, #tpu.memory_space<hbm>>) target_semaphore(%arg5 : memref<!tpu.dma_semaphore, #tpu.memory_space<semaphore_mem>>)
    %add3A_474 = arith.constant 32 : i32
    %add3A_475 = arith.addi %mul3A_21, %add3A_474 : i32
    %dma_start3A_476 = arith.constant 31 : i32
    %dma_start3A_477 = arith.constant 0 : i32
    %dma_start3A_478 = tpu.memref_slice %arg4[%dma_start3A_476, %dma_start3A_477] : memref<192x128xf32, #tpu.memory_space<vmem>> -> memref<128x128xf32, #tpu.memory_space<vmem>>
    %dma_start3A_479 = arith.constant 0 : i32
    %dma_start3A_480 = tpu.memref_slice %arg3[%add3A_475, %mul3A_23, %dma_start3A_479] : memref<512x512x128xf32, #tpu.memory_space<hbm>> -> memref<1x128x128xf32, #tpu.memory_space<hbm>>
    %dma_start3A_481 = tpu.memref_squeeze %dma_start3A_480 : memref<1x128x128xf32, #tpu.memory_space<hbm>> -> memref<128x128xf32, #tpu.memory_space<hbm>>
    %dma_start3A_482 = arith.constant 0 : i32
    %dma_start3A_483 = tpu.memref_slice %arg3[%add3A_475, %mul3A_23, %dma_start3A_482] : memref<512x512x128xf32, #tpu.memory_space<hbm>> -> memref<1x128x128xf32, #tpu.memory_space<hbm>>
    %dma_start3A_484 = tpu.memref_squeeze %dma_start3A_483 : memref<1x128x128xf32, #tpu.memory_space<hbm>> -> memref<128x128xf32, #tpu.memory_space<hbm>>
    %dma_start3A_485 = arith.constant 31 : i32
    %dma_start3A_486 = arith.constant 0 : i32
    %dma_start3A_487 = tpu.memref_slice %arg4[%dma_start3A_485, %dma_start3A_486] : memref<192x128xf32, #tpu.memory_space<vmem>> -> memref<128x128xf32, #tpu.memory_space<vmem>>
    tpu.enqueue_dma source(%dma_start3A_487 : memref<128x128xf32, #tpu.memory_space<vmem>>) target(%dma_start3A_484 : memref<128x128xf32, #tpu.memory_space<hbm>>) target_semaphore(%arg5 : memref<!tpu.dma_semaphore, #tpu.memory_space<semaphore_mem>>)
    %add3A_488 = arith.constant 33 : i32
    %add3A_489 = arith.addi %mul3A_21, %add3A_488 : i32
    %dma_start3A_490 = arith.constant 30 : i32
    %dma_start3A_491 = arith.constant 0 : i32
    %dma_start3A_492 = tpu.memref_slice %arg4[%dma_start3A_490, %dma_start3A_491] : memref<192x128xf32, #tpu.memory_space<vmem>> -> memref<128x128xf32, #tpu.memory_space<vmem>>
    %dma_start3A_493 = arith.constant 0 : i32
    %dma_start3A_494 = tpu.memref_slice %arg3[%add3A_489, %mul3A_23, %dma_start3A_493] : memref<512x512x128xf32, #tpu.memory_space<hbm>> -> memref<1x128x128xf32, #tpu.memory_space<hbm>>
    %dma_start3A_495 = tpu.memref_squeeze %dma_start3A_494 : memref<1x128x128xf32, #tpu.memory_space<hbm>> -> memref<128x128xf32, #tpu.memory_space<hbm>>
    %dma_start3A_496 = arith.constant 0 : i32
    %dma_start3A_497 = tpu.memref_slice %arg3[%add3A_489, %mul3A_23, %dma_start3A_496] : memref<512x512x128xf32, #tpu.memory_space<hbm>> -> memref<1x128x128xf32, #tpu.memory_space<hbm>>
    %dma_start3A_498 = tpu.memref_squeeze %dma_start3A_497 : memref<1x128x128xf32, #tpu.memory_space<hbm>> -> memref<128x128xf32, #tpu.memory_space<hbm>>
    %dma_start3A_499 = arith.constant 30 : i32
    %dma_start3A_500 = arith.constant 0 : i32
    %dma_start3A_501 = tpu.memref_slice %arg4[%dma_start3A_499, %dma_start3A_500] : memref<192x128xf32, #tpu.memory_space<vmem>> -> memref<128x128xf32, #tpu.memory_space<vmem>>
    tpu.enqueue_dma source(%dma_start3A_501 : memref<128x128xf32, #tpu.memory_space<vmem>>) target(%dma_start3A_498 : memref<128x128xf32, #tpu.memory_space<hbm>>) target_semaphore(%arg5 : memref<!tpu.dma_semaphore, #tpu.memory_space<semaphore_mem>>)
    %add3A_502 = arith.constant 34 : i32
    %add3A_503 = arith.addi %mul3A_21, %add3A_502 : i32
    %dma_start3A_504 = arith.constant 29 : i32
    %dma_start3A_505 = arith.constant 0 : i32
    %dma_start3A_506 = tpu.memref_slice %arg4[%dma_start3A_504, %dma_start3A_505] : memref<192x128xf32, #tpu.memory_space<vmem>> -> memref<128x128xf32, #tpu.memory_space<vmem>>
    %dma_start3A_507 = arith.constant 0 : i32
    %dma_start3A_508 = tpu.memref_slice %arg3[%add3A_503, %mul3A_23, %dma_start3A_507] : memref<512x512x128xf32, #tpu.memory_space<hbm>> -> memref<1x128x128xf32, #tpu.memory_space<hbm>>
    %dma_start3A_509 = tpu.memref_squeeze %dma_start3A_508 : memref<1x128x128xf32, #tpu.memory_space<hbm>> -> memref<128x128xf32, #tpu.memory_space<hbm>>
    %dma_start3A_510 = arith.constant 0 : i32
    %dma_start3A_511 = tpu.memref_slice %arg3[%add3A_503, %mul3A_23, %dma_start3A_510] : memref<512x512x128xf32, #tpu.memory_space<hbm>> -> memref<1x128x128xf32, #tpu.memory_space<hbm>>
    %dma_start3A_512 = tpu.memref_squeeze %dma_start3A_511 : memref<1x128x128xf32, #tpu.memory_space<hbm>> -> memref<128x128xf32, #tpu.memory_space<hbm>>
    %dma_start3A_513 = arith.constant 29 : i32
    %dma_start3A_514 = arith.constant 0 : i32
    %dma_start3A_515 = tpu.memref_slice %arg4[%dma_start3A_513, %dma_start3A_514] : memref<192x128xf32, #tpu.memory_space<vmem>> -> memref<128x128xf32, #tpu.memory_space<vmem>>
    tpu.enqueue_dma source(%dma_start3A_515 : memref<128x128xf32, #tpu.memory_space<vmem>>) target(%dma_start3A_512 : memref<128x128xf32, #tpu.memory_space<hbm>>) target_semaphore(%arg5 : memref<!tpu.dma_semaphore, #tpu.memory_space<semaphore_mem>>)
    %add3A_516 = arith.constant 35 : i32
    %add3A_517 = arith.addi %mul3A_21, %add3A_516 : i32
    %dma_start3A_518 = arith.constant 28 : i32
    %dma_start3A_519 = arith.constant 0 : i32
    %dma_start3A_520 = tpu.memref_slice %arg4[%dma_start3A_518, %dma_start3A_519] : memref<192x128xf32, #tpu.memory_space<vmem>> -> memref<128x128xf32, #tpu.memory_space<vmem>>
    %dma_start3A_521 = arith.constant 0 : i32
    %dma_start3A_522 = tpu.memref_slice %arg3[%add3A_517, %mul3A_23, %dma_start3A_521] : memref<512x512x128xf32, #tpu.memory_space<hbm>> -> memref<1x128x128xf32, #tpu.memory_space<hbm>>
    %dma_start3A_523 = tpu.memref_squeeze %dma_start3A_522 : memref<1x128x128xf32, #tpu.memory_space<hbm>> -> memref<128x128xf32, #tpu.memory_space<hbm>>
    %dma_start3A_524 = arith.constant 0 : i32
    %dma_start3A_525 = tpu.memref_slice %arg3[%add3A_517, %mul3A_23, %dma_start3A_524] : memref<512x512x128xf32, #tpu.memory_space<hbm>> -> memref<1x128x128xf32, #tpu.memory_space<hbm>>
    %dma_start3A_526 = tpu.memref_squeeze %dma_start3A_525 : memref<1x128x128xf32, #tpu.memory_space<hbm>> -> memref<128x128xf32, #tpu.memory_space<hbm>>
    %dma_start3A_527 = arith.constant 28 : i32
    %dma_start3A_528 = arith.constant 0 : i32
    %dma_start3A_529 = tpu.memref_slice %arg4[%dma_start3A_527, %dma_start3A_528] : memref<192x128xf32, #tpu.memory_space<vmem>> -> memref<128x128xf32, #tpu.memory_space<vmem>>
    tpu.enqueue_dma source(%dma_start3A_529 : memref<128x128xf32, #tpu.memory_space<vmem>>) target(%dma_start3A_526 : memref<128x128xf32, #tpu.memory_space<hbm>>) target_semaphore(%arg5 : memref<!tpu.dma_semaphore, #tpu.memory_space<semaphore_mem>>)
    %add3A_530 = arith.constant 36 : i32
    %add3A_531 = arith.addi %mul3A_21, %add3A_530 : i32
    %dma_start3A_532 = arith.constant 27 : i32
    %dma_start3A_533 = arith.constant 0 : i32
    %dma_start3A_534 = tpu.memref_slice %arg4[%dma_start3A_532, %dma_start3A_533] : memref<192x128xf32, #tpu.memory_space<vmem>> -> memref<128x128xf32, #tpu.memory_space<vmem>>
    %dma_start3A_535 = arith.constant 0 : i32
    %dma_start3A_536 = tpu.memref_slice %arg3[%add3A_531, %mul3A_23, %dma_start3A_535] : memref<512x512x128xf32, #tpu.memory_space<hbm>> -> memref<1x128x128xf32, #tpu.memory_space<hbm>>
    %dma_start3A_537 = tpu.memref_squeeze %dma_start3A_536 : memref<1x128x128xf32, #tpu.memory_space<hbm>> -> memref<128x128xf32, #tpu.memory_space<hbm>>
    %dma_start3A_538 = arith.constant 0 : i32
    %dma_start3A_539 = tpu.memref_slice %arg3[%add3A_531, %mul3A_23, %dma_start3A_538] : memref<512x512x128xf32, #tpu.memory_space<hbm>> -> memref<1x128x128xf32, #tpu.memory_space<hbm>>
    %dma_start3A_540 = tpu.memref_squeeze %dma_start3A_539 : memref<1x128x128xf32, #tpu.memory_space<hbm>> -> memref<128x128xf32, #tpu.memory_space<hbm>>
    %dma_start3A_541 = arith.constant 27 : i32
    %dma_start3A_542 = arith.constant 0 : i32
    %dma_start3A_543 = tpu.memref_slice %arg4[%dma_start3A_541, %dma_start3A_542] : memref<192x128xf32, #tpu.memory_space<vmem>> -> memref<128x128xf32, #tpu.memory_space<vmem>>
    tpu.enqueue_dma source(%dma_start3A_543 : memref<128x128xf32, #tpu.memory_space<vmem>>) target(%dma_start3A_540 : memref<128x128xf32, #tpu.memory_space<hbm>>) target_semaphore(%arg5 : memref<!tpu.dma_semaphore, #tpu.memory_space<semaphore_mem>>)
    %add3A_544 = arith.constant 37 : i32
    %add3A_545 = arith.addi %mul3A_21, %add3A_544 : i32
    %dma_start3A_546 = arith.constant 26 : i32
    %dma_start3A_547 = arith.constant 0 : i32
    %dma_start3A_548 = tpu.memref_slice %arg4[%dma_start3A_546, %dma_start3A_547] : memref<192x128xf32, #tpu.memory_space<vmem>> -> memref<128x128xf32, #tpu.memory_space<vmem>>
    %dma_start3A_549 = arith.constant 0 : i32
    %dma_start3A_550 = tpu.memref_slice %arg3[%add3A_545, %mul3A_23, %dma_start3A_549] : memref<512x512x128xf32, #tpu.memory_space<hbm>> -> memref<1x128x128xf32, #tpu.memory_space<hbm>>
    %dma_start3A_551 = tpu.memref_squeeze %dma_start3A_550 : memref<1x128x128xf32, #tpu.memory_space<hbm>> -> memref<128x128xf32, #tpu.memory_space<hbm>>
    %dma_start3A_552 = arith.constant 0 : i32
    %dma_start3A_553 = tpu.memref_slice %arg3[%add3A_545, %mul3A_23, %dma_start3A_552] : memref<512x512x128xf32, #tpu.memory_space<hbm>> -> memref<1x128x128xf32, #tpu.memory_space<hbm>>
    %dma_start3A_554 = tpu.memref_squeeze %dma_start3A_553 : memref<1x128x128xf32, #tpu.memory_space<hbm>> -> memref<128x128xf32, #tpu.memory_space<hbm>>
    %dma_start3A_555 = arith.constant 26 : i32
    %dma_start3A_556 = arith.constant 0 : i32
    %dma_start3A_557 = tpu.memref_slice %arg4[%dma_start3A_555, %dma_start3A_556] : memref<192x128xf32, #tpu.memory_space<vmem>> -> memref<128x128xf32, #tpu.memory_space<vmem>>
    tpu.enqueue_dma source(%dma_start3A_557 : memref<128x128xf32, #tpu.memory_space<vmem>>) target(%dma_start3A_554 : memref<128x128xf32, #tpu.memory_space<hbm>>) target_semaphore(%arg5 : memref<!tpu.dma_semaphore, #tpu.memory_space<semaphore_mem>>)
    %add3A_558 = arith.constant 38 : i32
    %add3A_559 = arith.addi %mul3A_21, %add3A_558 : i32
    %dma_start3A_560 = arith.constant 25 : i32
    %dma_start3A_561 = arith.constant 0 : i32
    %dma_start3A_562 = tpu.memref_slice %arg4[%dma_start3A_560, %dma_start3A_561] : memref<192x128xf32, #tpu.memory_space<vmem>> -> memref<128x128xf32, #tpu.memory_space<vmem>>
    %dma_start3A_563 = arith.constant 0 : i32
    %dma_start3A_564 = tpu.memref_slice %arg3[%add3A_559, %mul3A_23, %dma_start3A_563] : memref<512x512x128xf32, #tpu.memory_space<hbm>> -> memref<1x128x128xf32, #tpu.memory_space<hbm>>
    %dma_start3A_565 = tpu.memref_squeeze %dma_start3A_564 : memref<1x128x128xf32, #tpu.memory_space<hbm>> -> memref<128x128xf32, #tpu.memory_space<hbm>>
    %dma_start3A_566 = arith.constant 0 : i32
    %dma_start3A_567 = tpu.memref_slice %arg3[%add3A_559, %mul3A_23, %dma_start3A_566] : memref<512x512x128xf32, #tpu.memory_space<hbm>> -> memref<1x128x128xf32, #tpu.memory_space<hbm>>
    %dma_start3A_568 = tpu.memref_squeeze %dma_start3A_567 : memref<1x128x128xf32, #tpu.memory_space<hbm>> -> memref<128x128xf32, #tpu.memory_space<hbm>>
    %dma_start3A_569 = arith.constant 25 : i32
    %dma_start3A_570 = arith.constant 0 : i32
    %dma_start3A_571 = tpu.memref_slice %arg4[%dma_start3A_569, %dma_start3A_570] : memref<192x128xf32, #tpu.memory_space<vmem>> -> memref<128x128xf32, #tpu.memory_space<vmem>>
    tpu.enqueue_dma source(%dma_start3A_571 : memref<128x128xf32, #tpu.memory_space<vmem>>) target(%dma_start3A_568 : memref<128x128xf32, #tpu.memory_space<hbm>>) target_semaphore(%arg5 : memref<!tpu.dma_semaphore, #tpu.memory_space<semaphore_mem>>)
    %add3A_572 = arith.constant 39 : i32
    %add3A_573 = arith.addi %mul3A_21, %add3A_572 : i32
    %dma_start3A_574 = arith.constant 24 : i32
    %dma_start3A_575 = arith.constant 0 : i32
    %dma_start3A_576 = tpu.memref_slice %arg4[%dma_start3A_574, %dma_start3A_575] : memref<192x128xf32, #tpu.memory_space<vmem>> -> memref<128x128xf32, #tpu.memory_space<vmem>>
    %dma_start3A_577 = arith.constant 0 : i32
    %dma_start3A_578 = tpu.memref_slice %arg3[%add3A_573, %mul3A_23, %dma_start3A_577] : memref<512x512x128xf32, #tpu.memory_space<hbm>> -> memref<1x128x128xf32, #tpu.memory_space<hbm>>
    %dma_start3A_579 = tpu.memref_squeeze %dma_start3A_578 : memref<1x128x128xf32, #tpu.memory_space<hbm>> -> memref<128x128xf32, #tpu.memory_space<hbm>>
    %dma_start3A_580 = arith.constant 0 : i32
    %dma_start3A_581 = tpu.memref_slice %arg3[%add3A_573, %mul3A_23, %dma_start3A_580] : memref<512x512x128xf32, #tpu.memory_space<hbm>> -> memref<1x128x128xf32, #tpu.memory_space<hbm>>
    %dma_start3A_582 = tpu.memref_squeeze %dma_start3A_581 : memref<1x128x128xf32, #tpu.memory_space<hbm>> -> memref<128x128xf32, #tpu.memory_space<hbm>>
    %dma_start3A_583 = arith.constant 24 : i32
    %dma_start3A_584 = arith.constant 0 : i32
    %dma_start3A_585 = tpu.memref_slice %arg4[%dma_start3A_583, %dma_start3A_584] : memref<192x128xf32, #tpu.memory_space<vmem>> -> memref<128x128xf32, #tpu.memory_space<vmem>>
    tpu.enqueue_dma source(%dma_start3A_585 : memref<128x128xf32, #tpu.memory_space<vmem>>) target(%dma_start3A_582 : memref<128x128xf32, #tpu.memory_space<hbm>>) target_semaphore(%arg5 : memref<!tpu.dma_semaphore, #tpu.memory_space<semaphore_mem>>)
    %add3A_586 = arith.constant 40 : i32
    %add3A_587 = arith.addi %mul3A_21, %add3A_586 : i32
    %dma_start3A_588 = arith.constant 23 : i32
    %dma_start3A_589 = arith.constant 0 : i32
    %dma_start3A_590 = tpu.memref_slice %arg4[%dma_start3A_588, %dma_start3A_589] : memref<192x128xf32, #tpu.memory_space<vmem>> -> memref<128x128xf32, #tpu.memory_space<vmem>>
    %dma_start3A_591 = arith.constant 0 : i32
    %dma_start3A_592 = tpu.memref_slice %arg3[%add3A_587, %mul3A_23, %dma_start3A_591] : memref<512x512x128xf32, #tpu.memory_space<hbm>> -> memref<1x128x128xf32, #tpu.memory_space<hbm>>
    %dma_start3A_593 = tpu.memref_squeeze %dma_start3A_592 : memref<1x128x128xf32, #tpu.memory_space<hbm>> -> memref<128x128xf32, #tpu.memory_space<hbm>>
    %dma_start3A_594 = arith.constant 0 : i32
    %dma_start3A_595 = tpu.memref_slice %arg3[%add3A_587, %mul3A_23, %dma_start3A_594] : memref<512x512x128xf32, #tpu.memory_space<hbm>> -> memref<1x128x128xf32, #tpu.memory_space<hbm>>
    %dma_start3A_596 = tpu.memref_squeeze %dma_start3A_595 : memref<1x128x128xf32, #tpu.memory_space<hbm>> -> memref<128x128xf32, #tpu.memory_space<hbm>>
    %dma_start3A_597 = arith.constant 23 : i32
    %dma_start3A_598 = arith.constant 0 : i32
    %dma_start3A_599 = tpu.memref_slice %arg4[%dma_start3A_597, %dma_start3A_598] : memref<192x128xf32, #tpu.memory_space<vmem>> -> memref<128x128xf32, #tpu.memory_space<vmem>>
    tpu.enqueue_dma source(%dma_start3A_599 : memref<128x128xf32, #tpu.memory_space<vmem>>) target(%dma_start3A_596 : memref<128x128xf32, #tpu.memory_space<hbm>>) target_semaphore(%arg5 : memref<!tpu.dma_semaphore, #tpu.memory_space<semaphore_mem>>)
    %add3A_600 = arith.constant 41 : i32
    %add3A_601 = arith.addi %mul3A_21, %add3A_600 : i32
    %dma_start3A_602 = arith.constant 22 : i32
    %dma_start3A_603 = arith.constant 0 : i32
    %dma_start3A_604 = tpu.memref_slice %arg4[%dma_start3A_602, %dma_start3A_603] : memref<192x128xf32, #tpu.memory_space<vmem>> -> memref<128x128xf32, #tpu.memory_space<vmem>>
    %dma_start3A_605 = arith.constant 0 : i32
    %dma_start3A_606 = tpu.memref_slice %arg3[%add3A_601, %mul3A_23, %dma_start3A_605] : memref<512x512x128xf32, #tpu.memory_space<hbm>> -> memref<1x128x128xf32, #tpu.memory_space<hbm>>
    %dma_start3A_607 = tpu.memref_squeeze %dma_start3A_606 : memref<1x128x128xf32, #tpu.memory_space<hbm>> -> memref<128x128xf32, #tpu.memory_space<hbm>>
    %dma_start3A_608 = arith.constant 0 : i32
    %dma_start3A_609 = tpu.memref_slice %arg3[%add3A_601, %mul3A_23, %dma_start3A_608] : memref<512x512x128xf32, #tpu.memory_space<hbm>> -> memref<1x128x128xf32, #tpu.memory_space<hbm>>
    %dma_start3A_610 = tpu.memref_squeeze %dma_start3A_609 : memref<1x128x128xf32, #tpu.memory_space<hbm>> -> memref<128x128xf32, #tpu.memory_space<hbm>>
    %dma_start3A_611 = arith.constant 22 : i32
    %dma_start3A_612 = arith.constant 0 : i32
    %dma_start3A_613 = tpu.memref_slice %arg4[%dma_start3A_611, %dma_start3A_612] : memref<192x128xf32, #tpu.memory_space<vmem>> -> memref<128x128xf32, #tpu.memory_space<vmem>>
    tpu.enqueue_dma source(%dma_start3A_613 : memref<128x128xf32, #tpu.memory_space<vmem>>) target(%dma_start3A_610 : memref<128x128xf32, #tpu.memory_space<hbm>>) target_semaphore(%arg5 : memref<!tpu.dma_semaphore, #tpu.memory_space<semaphore_mem>>)
    %add3A_614 = arith.constant 42 : i32
    %add3A_615 = arith.addi %mul3A_21, %add3A_614 : i32
    %dma_start3A_616 = arith.constant 21 : i32
    %dma_start3A_617 = arith.constant 0 : i32
    %dma_start3A_618 = tpu.memref_slice %arg4[%dma_start3A_616, %dma_start3A_617] : memref<192x128xf32, #tpu.memory_space<vmem>> -> memref<128x128xf32, #tpu.memory_space<vmem>>
    %dma_start3A_619 = arith.constant 0 : i32
    %dma_start3A_620 = tpu.memref_slice %arg3[%add3A_615, %mul3A_23, %dma_start3A_619] : memref<512x512x128xf32, #tpu.memory_space<hbm>> -> memref<1x128x128xf32, #tpu.memory_space<hbm>>
    %dma_start3A_621 = tpu.memref_squeeze %dma_start3A_620 : memref<1x128x128xf32, #tpu.memory_space<hbm>> -> memref<128x128xf32, #tpu.memory_space<hbm>>
    %dma_start3A_622 = arith.constant 0 : i32
    %dma_start3A_623 = tpu.memref_slice %arg3[%add3A_615, %mul3A_23, %dma_start3A_622] : memref<512x512x128xf32, #tpu.memory_space<hbm>> -> memref<1x128x128xf32, #tpu.memory_space<hbm>>
    %dma_start3A_624 = tpu.memref_squeeze %dma_start3A_623 : memref<1x128x128xf32, #tpu.memory_space<hbm>> -> memref<128x128xf32, #tpu.memory_space<hbm>>
    %dma_start3A_625 = arith.constant 21 : i32
    %dma_start3A_626 = arith.constant 0 : i32
    %dma_start3A_627 = tpu.memref_slice %arg4[%dma_start3A_625, %dma_start3A_626] : memref<192x128xf32, #tpu.memory_space<vmem>> -> memref<128x128xf32, #tpu.memory_space<vmem>>
    tpu.enqueue_dma source(%dma_start3A_627 : memref<128x128xf32, #tpu.memory_space<vmem>>) target(%dma_start3A_624 : memref<128x128xf32, #tpu.memory_space<hbm>>) target_semaphore(%arg5 : memref<!tpu.dma_semaphore, #tpu.memory_space<semaphore_mem>>)
    %add3A_628 = arith.constant 43 : i32
    %add3A_629 = arith.addi %mul3A_21, %add3A_628 : i32
    %dma_start3A_630 = arith.constant 20 : i32
    %dma_start3A_631 = arith.constant 0 : i32
    %dma_start3A_632 = tpu.memref_slice %arg4[%dma_start3A_630, %dma_start3A_631] : memref<192x128xf32, #tpu.memory_space<vmem>> -> memref<128x128xf32, #tpu.memory_space<vmem>>
    %dma_start3A_633 = arith.constant 0 : i32
    %dma_start3A_634 = tpu.memref_slice %arg3[%add3A_629, %mul3A_23, %dma_start3A_633] : memref<512x512x128xf32, #tpu.memory_space<hbm>> -> memref<1x128x128xf32, #tpu.memory_space<hbm>>
    %dma_start3A_635 = tpu.memref_squeeze %dma_start3A_634 : memref<1x128x128xf32, #tpu.memory_space<hbm>> -> memref<128x128xf32, #tpu.memory_space<hbm>>
    %dma_start3A_636 = arith.constant 0 : i32
    %dma_start3A_637 = tpu.memref_slice %arg3[%add3A_629, %mul3A_23, %dma_start3A_636] : memref<512x512x128xf32, #tpu.memory_space<hbm>> -> memref<1x128x128xf32, #tpu.memory_space<hbm>>
    %dma_start3A_638 = tpu.memref_squeeze %dma_start3A_637 : memref<1x128x128xf32, #tpu.memory_space<hbm>> -> memref<128x128xf32, #tpu.memory_space<hbm>>
    %dma_start3A_639 = arith.constant 20 : i32
    %dma_start3A_640 = arith.constant 0 : i32
    %dma_start3A_641 = tpu.memref_slice %arg4[%dma_start3A_639, %dma_start3A_640] : memref<192x128xf32, #tpu.memory_space<vmem>> -> memref<128x128xf32, #tpu.memory_space<vmem>>
    tpu.enqueue_dma source(%dma_start3A_641 : memref<128x128xf32, #tpu.memory_space<vmem>>) target(%dma_start3A_638 : memref<128x128xf32, #tpu.memory_space<hbm>>) target_semaphore(%arg5 : memref<!tpu.dma_semaphore, #tpu.memory_space<semaphore_mem>>)
    %add3A_642 = arith.constant 44 : i32
    %add3A_643 = arith.addi %mul3A_21, %add3A_642 : i32
    %dma_start3A_644 = arith.constant 19 : i32
    %dma_start3A_645 = arith.constant 0 : i32
    %dma_start3A_646 = tpu.memref_slice %arg4[%dma_start3A_644, %dma_start3A_645] : memref<192x128xf32, #tpu.memory_space<vmem>> -> memref<128x128xf32, #tpu.memory_space<vmem>>
    %dma_start3A_647 = arith.constant 0 : i32
    %dma_start3A_648 = tpu.memref_slice %arg3[%add3A_643, %mul3A_23, %dma_start3A_647] : memref<512x512x128xf32, #tpu.memory_space<hbm>> -> memref<1x128x128xf32, #tpu.memory_space<hbm>>
    %dma_start3A_649 = tpu.memref_squeeze %dma_start3A_648 : memref<1x128x128xf32, #tpu.memory_space<hbm>> -> memref<128x128xf32, #tpu.memory_space<hbm>>
    %dma_start3A_650 = arith.constant 0 : i32
    %dma_start3A_651 = tpu.memref_slice %arg3[%add3A_643, %mul3A_23, %dma_start3A_650] : memref<512x512x128xf32, #tpu.memory_space<hbm>> -> memref<1x128x128xf32, #tpu.memory_space<hbm>>
    %dma_start3A_652 = tpu.memref_squeeze %dma_start3A_651 : memref<1x128x128xf32, #tpu.memory_space<hbm>> -> memref<128x128xf32, #tpu.memory_space<hbm>>
    %dma_start3A_653 = arith.constant 19 : i32
    %dma_start3A_654 = arith.constant 0 : i32
    %dma_start3A_655 = tpu.memref_slice %arg4[%dma_start3A_653, %dma_start3A_654] : memref<192x128xf32, #tpu.memory_space<vmem>> -> memref<128x128xf32, #tpu.memory_space<vmem>>
    tpu.enqueue_dma source(%dma_start3A_655 : memref<128x128xf32, #tpu.memory_space<vmem>>) target(%dma_start3A_652 : memref<128x128xf32, #tpu.memory_space<hbm>>) target_semaphore(%arg5 : memref<!tpu.dma_semaphore, #tpu.memory_space<semaphore_mem>>)
    %add3A_656 = arith.constant 45 : i32
    %add3A_657 = arith.addi %mul3A_21, %add3A_656 : i32
    %dma_start3A_658 = arith.constant 18 : i32
    %dma_start3A_659 = arith.constant 0 : i32
    %dma_start3A_660 = tpu.memref_slice %arg4[%dma_start3A_658, %dma_start3A_659] : memref<192x128xf32, #tpu.memory_space<vmem>> -> memref<128x128xf32, #tpu.memory_space<vmem>>
    %dma_start3A_661 = arith.constant 0 : i32
    %dma_start3A_662 = tpu.memref_slice %arg3[%add3A_657, %mul3A_23, %dma_start3A_661] : memref<512x512x128xf32, #tpu.memory_space<hbm>> -> memref<1x128x128xf32, #tpu.memory_space<hbm>>
    %dma_start3A_663 = tpu.memref_squeeze %dma_start3A_662 : memref<1x128x128xf32, #tpu.memory_space<hbm>> -> memref<128x128xf32, #tpu.memory_space<hbm>>
    %dma_start3A_664 = arith.constant 0 : i32
    %dma_start3A_665 = tpu.memref_slice %arg3[%add3A_657, %mul3A_23, %dma_start3A_664] : memref<512x512x128xf32, #tpu.memory_space<hbm>> -> memref<1x128x128xf32, #tpu.memory_space<hbm>>
    %dma_start3A_666 = tpu.memref_squeeze %dma_start3A_665 : memref<1x128x128xf32, #tpu.memory_space<hbm>> -> memref<128x128xf32, #tpu.memory_space<hbm>>
    %dma_start3A_667 = arith.constant 18 : i32
    %dma_start3A_668 = arith.constant 0 : i32
    %dma_start3A_669 = tpu.memref_slice %arg4[%dma_start3A_667, %dma_start3A_668] : memref<192x128xf32, #tpu.memory_space<vmem>> -> memref<128x128xf32, #tpu.memory_space<vmem>>
    tpu.enqueue_dma source(%dma_start3A_669 : memref<128x128xf32, #tpu.memory_space<vmem>>) target(%dma_start3A_666 : memref<128x128xf32, #tpu.memory_space<hbm>>) target_semaphore(%arg5 : memref<!tpu.dma_semaphore, #tpu.memory_space<semaphore_mem>>)
    %add3A_670 = arith.constant 46 : i32
    %add3A_671 = arith.addi %mul3A_21, %add3A_670 : i32
    %dma_start3A_672 = arith.constant 17 : i32
    %dma_start3A_673 = arith.constant 0 : i32
    %dma_start3A_674 = tpu.memref_slice %arg4[%dma_start3A_672, %dma_start3A_673] : memref<192x128xf32, #tpu.memory_space<vmem>> -> memref<128x128xf32, #tpu.memory_space<vmem>>
    %dma_start3A_675 = arith.constant 0 : i32
    %dma_start3A_676 = tpu.memref_slice %arg3[%add3A_671, %mul3A_23, %dma_start3A_675] : memref<512x512x128xf32, #tpu.memory_space<hbm>> -> memref<1x128x128xf32, #tpu.memory_space<hbm>>
    %dma_start3A_677 = tpu.memref_squeeze %dma_start3A_676 : memref<1x128x128xf32, #tpu.memory_space<hbm>> -> memref<128x128xf32, #tpu.memory_space<hbm>>
    %dma_start3A_678 = arith.constant 0 : i32
    %dma_start3A_679 = tpu.memref_slice %arg3[%add3A_671, %mul3A_23, %dma_start3A_678] : memref<512x512x128xf32, #tpu.memory_space<hbm>> -> memref<1x128x128xf32, #tpu.memory_space<hbm>>
    %dma_start3A_680 = tpu.memref_squeeze %dma_start3A_679 : memref<1x128x128xf32, #tpu.memory_space<hbm>> -> memref<128x128xf32, #tpu.memory_space<hbm>>
    %dma_start3A_681 = arith.constant 17 : i32
    %dma_start3A_682 = arith.constant 0 : i32
    %dma_start3A_683 = tpu.memref_slice %arg4[%dma_start3A_681, %dma_start3A_682] : memref<192x128xf32, #tpu.memory_space<vmem>> -> memref<128x128xf32, #tpu.memory_space<vmem>>
    tpu.enqueue_dma source(%dma_start3A_683 : memref<128x128xf32, #tpu.memory_space<vmem>>) target(%dma_start3A_680 : memref<128x128xf32, #tpu.memory_space<hbm>>) target_semaphore(%arg5 : memref<!tpu.dma_semaphore, #tpu.memory_space<semaphore_mem>>)
    %add3A_684 = arith.constant 47 : i32
    %add3A_685 = arith.addi %mul3A_21, %add3A_684 : i32
    %dma_start3A_686 = arith.constant 16 : i32
    %dma_start3A_687 = arith.constant 0 : i32
    %dma_start3A_688 = tpu.memref_slice %arg4[%dma_start3A_686, %dma_start3A_687] : memref<192x128xf32, #tpu.memory_space<vmem>> -> memref<128x128xf32, #tpu.memory_space<vmem>>
    %dma_start3A_689 = arith.constant 0 : i32
    %dma_start3A_690 = tpu.memref_slice %arg3[%add3A_685, %mul3A_23, %dma_start3A_689] : memref<512x512x128xf32, #tpu.memory_space<hbm>> -> memref<1x128x128xf32, #tpu.memory_space<hbm>>
    %dma_start3A_691 = tpu.memref_squeeze %dma_start3A_690 : memref<1x128x128xf32, #tpu.memory_space<hbm>> -> memref<128x128xf32, #tpu.memory_space<hbm>>
    %dma_start3A_692 = arith.constant 0 : i32
    %dma_start3A_693 = tpu.memref_slice %arg3[%add3A_685, %mul3A_23, %dma_start3A_692] : memref<512x512x128xf32, #tpu.memory_space<hbm>> -> memref<1x128x128xf32, #tpu.memory_space<hbm>>
    %dma_start3A_694 = tpu.memref_squeeze %dma_start3A_693 : memref<1x128x128xf32, #tpu.memory_space<hbm>> -> memref<128x128xf32, #tpu.memory_space<hbm>>
    %dma_start3A_695 = arith.constant 16 : i32
    %dma_start3A_696 = arith.constant 0 : i32
    %dma_start3A_697 = tpu.memref_slice %arg4[%dma_start3A_695, %dma_start3A_696] : memref<192x128xf32, #tpu.memory_space<vmem>> -> memref<128x128xf32, #tpu.memory_space<vmem>>
    tpu.enqueue_dma source(%dma_start3A_697 : memref<128x128xf32, #tpu.memory_space<vmem>>) target(%dma_start3A_694 : memref<128x128xf32, #tpu.memory_space<hbm>>) target_semaphore(%arg5 : memref<!tpu.dma_semaphore, #tpu.memory_space<semaphore_mem>>)
    %add3A_698 = arith.constant 48 : i32
    %add3A_699 = arith.addi %mul3A_21, %add3A_698 : i32
    %dma_start3A_700 = arith.constant 15 : i32
    %dma_start3A_701 = arith.constant 0 : i32
    %dma_start3A_702 = tpu.memref_slice %arg4[%dma_start3A_700, %dma_start3A_701] : memref<192x128xf32, #tpu.memory_space<vmem>> -> memref<128x128xf32, #tpu.memory_space<vmem>>
    %dma_start3A_703 = arith.constant 0 : i32
    %dma_start3A_704 = tpu.memref_slice %arg3[%add3A_699, %mul3A_23, %dma_start3A_703] : memref<512x512x128xf32, #tpu.memory_space<hbm>> -> memref<1x128x128xf32, #tpu.memory_space<hbm>>
    %dma_start3A_705 = tpu.memref_squeeze %dma_start3A_704 : memref<1x128x128xf32, #tpu.memory_space<hbm>> -> memref<128x128xf32, #tpu.memory_space<hbm>>
    %dma_start3A_706 = arith.constant 0 : i32
    %dma_start3A_707 = tpu.memref_slice %arg3[%add3A_699, %mul3A_23, %dma_start3A_706] : memref<512x512x128xf32, #tpu.memory_space<hbm>> -> memref<1x128x128xf32, #tpu.memory_space<hbm>>
    %dma_start3A_708 = tpu.memref_squeeze %dma_start3A_707 : memref<1x128x128xf32, #tpu.memory_space<hbm>> -> memref<128x128xf32, #tpu.memory_space<hbm>>
    %dma_start3A_709 = arith.constant 15 : i32
    %dma_start3A_710 = arith.constant 0 : i32
    %dma_start3A_711 = tpu.memref_slice %arg4[%dma_start3A_709, %dma_start3A_710] : memref<192x128xf32, #tpu.memory_space<vmem>> -> memref<128x128xf32, #tpu.memory_space<vmem>>
    tpu.enqueue_dma source(%dma_start3A_711 : memref<128x128xf32, #tpu.memory_space<vmem>>) target(%dma_start3A_708 : memref<128x128xf32, #tpu.memory_space<hbm>>) target_semaphore(%arg5 : memref<!tpu.dma_semaphore, #tpu.memory_space<semaphore_mem>>)
    %add3A_712 = arith.constant 49 : i32
    %add3A_713 = arith.addi %mul3A_21, %add3A_712 : i32
    %dma_start3A_714 = arith.constant 14 : i32
    %dma_start3A_715 = arith.constant 0 : i32
    %dma_start3A_716 = tpu.memref_slice %arg4[%dma_start3A_714, %dma_start3A_715] : memref<192x128xf32, #tpu.memory_space<vmem>> -> memref<128x128xf32, #tpu.memory_space<vmem>>
    %dma_start3A_717 = arith.constant 0 : i32
    %dma_start3A_718 = tpu.memref_slice %arg3[%add3A_713, %mul3A_23, %dma_start3A_717] : memref<512x512x128xf32, #tpu.memory_space<hbm>> -> memref<1x128x128xf32, #tpu.memory_space<hbm>>
    %dma_start3A_719 = tpu.memref_squeeze %dma_start3A_718 : memref<1x128x128xf32, #tpu.memory_space<hbm>> -> memref<128x128xf32, #tpu.memory_space<hbm>>
    %dma_start3A_720 = arith.constant 0 : i32
    %dma_start3A_721 = tpu.memref_slice %arg3[%add3A_713, %mul3A_23, %dma_start3A_720] : memref<512x512x128xf32, #tpu.memory_space<hbm>> -> memref<1x128x128xf32, #tpu.memory_space<hbm>>
    %dma_start3A_722 = tpu.memref_squeeze %dma_start3A_721 : memref<1x128x128xf32, #tpu.memory_space<hbm>> -> memref<128x128xf32, #tpu.memory_space<hbm>>
    %dma_start3A_723 = arith.constant 14 : i32
    %dma_start3A_724 = arith.constant 0 : i32
    %dma_start3A_725 = tpu.memref_slice %arg4[%dma_start3A_723, %dma_start3A_724] : memref<192x128xf32, #tpu.memory_space<vmem>> -> memref<128x128xf32, #tpu.memory_space<vmem>>
    tpu.enqueue_dma source(%dma_start3A_725 : memref<128x128xf32, #tpu.memory_space<vmem>>) target(%dma_start3A_722 : memref<128x128xf32, #tpu.memory_space<hbm>>) target_semaphore(%arg5 : memref<!tpu.dma_semaphore, #tpu.memory_space<semaphore_mem>>)
    %add3A_726 = arith.constant 50 : i32
    %add3A_727 = arith.addi %mul3A_21, %add3A_726 : i32
    %dma_start3A_728 = arith.constant 13 : i32
    %dma_start3A_729 = arith.constant 0 : i32
    %dma_start3A_730 = tpu.memref_slice %arg4[%dma_start3A_728, %dma_start3A_729] : memref<192x128xf32, #tpu.memory_space<vmem>> -> memref<128x128xf32, #tpu.memory_space<vmem>>
    %dma_start3A_731 = arith.constant 0 : i32
    %dma_start3A_732 = tpu.memref_slice %arg3[%add3A_727, %mul3A_23, %dma_start3A_731] : memref<512x512x128xf32, #tpu.memory_space<hbm>> -> memref<1x128x128xf32, #tpu.memory_space<hbm>>
    %dma_start3A_733 = tpu.memref_squeeze %dma_start3A_732 : memref<1x128x128xf32, #tpu.memory_space<hbm>> -> memref<128x128xf32, #tpu.memory_space<hbm>>
    %dma_start3A_734 = arith.constant 0 : i32
    %dma_start3A_735 = tpu.memref_slice %arg3[%add3A_727, %mul3A_23, %dma_start3A_734] : memref<512x512x128xf32, #tpu.memory_space<hbm>> -> memref<1x128x128xf32, #tpu.memory_space<hbm>>
    %dma_start3A_736 = tpu.memref_squeeze %dma_start3A_735 : memref<1x128x128xf32, #tpu.memory_space<hbm>> -> memref<128x128xf32, #tpu.memory_space<hbm>>
    %dma_start3A_737 = arith.constant 13 : i32
    %dma_start3A_738 = arith.constant 0 : i32
    %dma_start3A_739 = tpu.memref_slice %arg4[%dma_start3A_737, %dma_start3A_738] : memref<192x128xf32, #tpu.memory_space<vmem>> -> memref<128x128xf32, #tpu.memory_space<vmem>>
    tpu.enqueue_dma source(%dma_start3A_739 : memref<128x128xf32, #tpu.memory_space<vmem>>) target(%dma_start3A_736 : memref<128x128xf32, #tpu.memory_space<hbm>>) target_semaphore(%arg5 : memref<!tpu.dma_semaphore, #tpu.memory_space<semaphore_mem>>)
    %add3A_740 = arith.constant 51 : i32
    %add3A_741 = arith.addi %mul3A_21, %add3A_740 : i32
    %dma_start3A_742 = arith.constant 12 : i32
    %dma_start3A_743 = arith.constant 0 : i32
    %dma_start3A_744 = tpu.memref_slice %arg4[%dma_start3A_742, %dma_start3A_743] : memref<192x128xf32, #tpu.memory_space<vmem>> -> memref<128x128xf32, #tpu.memory_space<vmem>>
    %dma_start3A_745 = arith.constant 0 : i32
    %dma_start3A_746 = tpu.memref_slice %arg3[%add3A_741, %mul3A_23, %dma_start3A_745] : memref<512x512x128xf32, #tpu.memory_space<hbm>> -> memref<1x128x128xf32, #tpu.memory_space<hbm>>
    %dma_start3A_747 = tpu.memref_squeeze %dma_start3A_746 : memref<1x128x128xf32, #tpu.memory_space<hbm>> -> memref<128x128xf32, #tpu.memory_space<hbm>>
    %dma_start3A_748 = arith.constant 0 : i32
    %dma_start3A_749 = tpu.memref_slice %arg3[%add3A_741, %mul3A_23, %dma_start3A_748] : memref<512x512x128xf32, #tpu.memory_space<hbm>> -> memref<1x128x128xf32, #tpu.memory_space<hbm>>
    %dma_start3A_750 = tpu.memref_squeeze %dma_start3A_749 : memref<1x128x128xf32, #tpu.memory_space<hbm>> -> memref<128x128xf32, #tpu.memory_space<hbm>>
    %dma_start3A_751 = arith.constant 12 : i32
    %dma_start3A_752 = arith.constant 0 : i32
    %dma_start3A_753 = tpu.memref_slice %arg4[%dma_start3A_751, %dma_start3A_752] : memref<192x128xf32, #tpu.memory_space<vmem>> -> memref<128x128xf32, #tpu.memory_space<vmem>>
    tpu.enqueue_dma source(%dma_start3A_753 : memref<128x128xf32, #tpu.memory_space<vmem>>) target(%dma_start3A_750 : memref<128x128xf32, #tpu.memory_space<hbm>>) target_semaphore(%arg5 : memref<!tpu.dma_semaphore, #tpu.memory_space<semaphore_mem>>)
    %add3A_754 = arith.constant 52 : i32
    %add3A_755 = arith.addi %mul3A_21, %add3A_754 : i32
    %dma_start3A_756 = arith.constant 11 : i32
    %dma_start3A_757 = arith.constant 0 : i32
    %dma_start3A_758 = tpu.memref_slice %arg4[%dma_start3A_756, %dma_start3A_757] : memref<192x128xf32, #tpu.memory_space<vmem>> -> memref<128x128xf32, #tpu.memory_space<vmem>>
    %dma_start3A_759 = arith.constant 0 : i32
    %dma_start3A_760 = tpu.memref_slice %arg3[%add3A_755, %mul3A_23, %dma_start3A_759] : memref<512x512x128xf32, #tpu.memory_space<hbm>> -> memref<1x128x128xf32, #tpu.memory_space<hbm>>
    %dma_start3A_761 = tpu.memref_squeeze %dma_start3A_760 : memref<1x128x128xf32, #tpu.memory_space<hbm>> -> memref<128x128xf32, #tpu.memory_space<hbm>>
    %dma_start3A_762 = arith.constant 0 : i32
    %dma_start3A_763 = tpu.memref_slice %arg3[%add3A_755, %mul3A_23, %dma_start3A_762] : memref<512x512x128xf32, #tpu.memory_space<hbm>> -> memref<1x128x128xf32, #tpu.memory_space<hbm>>
    %dma_start3A_764 = tpu.memref_squeeze %dma_start3A_763 : memref<1x128x128xf32, #tpu.memory_space<hbm>> -> memref<128x128xf32, #tpu.memory_space<hbm>>
    %dma_start3A_765 = arith.constant 11 : i32
    %dma_start3A_766 = arith.constant 0 : i32
    %dma_start3A_767 = tpu.memref_slice %arg4[%dma_start3A_765, %dma_start3A_766] : memref<192x128xf32, #tpu.memory_space<vmem>> -> memref<128x128xf32, #tpu.memory_space<vmem>>
    tpu.enqueue_dma source(%dma_start3A_767 : memref<128x128xf32, #tpu.memory_space<vmem>>) target(%dma_start3A_764 : memref<128x128xf32, #tpu.memory_space<hbm>>) target_semaphore(%arg5 : memref<!tpu.dma_semaphore, #tpu.memory_space<semaphore_mem>>)
    %add3A_768 = arith.constant 53 : i32
    %add3A_769 = arith.addi %mul3A_21, %add3A_768 : i32
    %dma_start3A_770 = arith.constant 10 : i32
    %dma_start3A_771 = arith.constant 0 : i32
    %dma_start3A_772 = tpu.memref_slice %arg4[%dma_start3A_770, %dma_start3A_771] : memref<192x128xf32, #tpu.memory_space<vmem>> -> memref<128x128xf32, #tpu.memory_space<vmem>>
    %dma_start3A_773 = arith.constant 0 : i32
    %dma_start3A_774 = tpu.memref_slice %arg3[%add3A_769, %mul3A_23, %dma_start3A_773] : memref<512x512x128xf32, #tpu.memory_space<hbm>> -> memref<1x128x128xf32, #tpu.memory_space<hbm>>
    %dma_start3A_775 = tpu.memref_squeeze %dma_start3A_774 : memref<1x128x128xf32, #tpu.memory_space<hbm>> -> memref<128x128xf32, #tpu.memory_space<hbm>>
    %dma_start3A_776 = arith.constant 0 : i32
    %dma_start3A_777 = tpu.memref_slice %arg3[%add3A_769, %mul3A_23, %dma_start3A_776] : memref<512x512x128xf32, #tpu.memory_space<hbm>> -> memref<1x128x128xf32, #tpu.memory_space<hbm>>
    %dma_start3A_778 = tpu.memref_squeeze %dma_start3A_777 : memref<1x128x128xf32, #tpu.memory_space<hbm>> -> memref<128x128xf32, #tpu.memory_space<hbm>>
    %dma_start3A_779 = arith.constant 10 : i32
    %dma_start3A_780 = arith.constant 0 : i32
    %dma_start3A_781 = tpu.memref_slice %arg4[%dma_start3A_779, %dma_start3A_780] : memref<192x128xf32, #tpu.memory_space<vmem>> -> memref<128x128xf32, #tpu.memory_space<vmem>>
    tpu.enqueue_dma source(%dma_start3A_781 : memref<128x128xf32, #tpu.memory_space<vmem>>) target(%dma_start3A_778 : memref<128x128xf32, #tpu.memory_space<hbm>>) target_semaphore(%arg5 : memref<!tpu.dma_semaphore, #tpu.memory_space<semaphore_mem>>)
    %add3A_782 = arith.constant 54 : i32
    %add3A_783 = arith.addi %mul3A_21, %add3A_782 : i32
    %dma_start3A_784 = arith.constant 9 : i32
    %dma_start3A_785 = arith.constant 0 : i32
    %dma_start3A_786 = tpu.memref_slice %arg4[%dma_start3A_784, %dma_start3A_785] : memref<192x128xf32, #tpu.memory_space<vmem>> -> memref<128x128xf32, #tpu.memory_space<vmem>>
    %dma_start3A_787 = arith.constant 0 : i32
    %dma_start3A_788 = tpu.memref_slice %arg3[%add3A_783, %mul3A_23, %dma_start3A_787] : memref<512x512x128xf32, #tpu.memory_space<hbm>> -> memref<1x128x128xf32, #tpu.memory_space<hbm>>
    %dma_start3A_789 = tpu.memref_squeeze %dma_start3A_788 : memref<1x128x128xf32, #tpu.memory_space<hbm>> -> memref<128x128xf32, #tpu.memory_space<hbm>>
    %dma_start3A_790 = arith.constant 0 : i32
    %dma_start3A_791 = tpu.memref_slice %arg3[%add3A_783, %mul3A_23, %dma_start3A_790] : memref<512x512x128xf32, #tpu.memory_space<hbm>> -> memref<1x128x128xf32, #tpu.memory_space<hbm>>
    %dma_start3A_792 = tpu.memref_squeeze %dma_start3A_791 : memref<1x128x128xf32, #tpu.memory_space<hbm>> -> memref<128x128xf32, #tpu.memory_space<hbm>>
    %dma_start3A_793 = arith.constant 9 : i32
    %dma_start3A_794 = arith.constant 0 : i32
    %dma_start3A_795 = tpu.memref_slice %arg4[%dma_start3A_793, %dma_start3A_794] : memref<192x128xf32, #tpu.memory_space<vmem>> -> memref<128x128xf32, #tpu.memory_space<vmem>>
    tpu.enqueue_dma source(%dma_start3A_795 : memref<128x128xf32, #tpu.memory_space<vmem>>) target(%dma_start3A_792 : memref<128x128xf32, #tpu.memory_space<hbm>>) target_semaphore(%arg5 : memref<!tpu.dma_semaphore, #tpu.memory_space<semaphore_mem>>)
    %add3A_796 = arith.constant 55 : i32
    %add3A_797 = arith.addi %mul3A_21, %add3A_796 : i32
    %dma_start3A_798 = arith.constant 8 : i32
    %dma_start3A_799 = arith.constant 0 : i32
    %dma_start3A_800 = tpu.memref_slice %arg4[%dma_start3A_798, %dma_start3A_799] : memref<192x128xf32, #tpu.memory_space<vmem>> -> memref<128x128xf32, #tpu.memory_space<vmem>>
    %dma_start3A_801 = arith.constant 0 : i32
    %dma_start3A_802 = tpu.memref_slice %arg3[%add3A_797, %mul3A_23, %dma_start3A_801] : memref<512x512x128xf32, #tpu.memory_space<hbm>> -> memref<1x128x128xf32, #tpu.memory_space<hbm>>
    %dma_start3A_803 = tpu.memref_squeeze %dma_start3A_802 : memref<1x128x128xf32, #tpu.memory_space<hbm>> -> memref<128x128xf32, #tpu.memory_space<hbm>>
    %dma_start3A_804 = arith.constant 0 : i32
    %dma_start3A_805 = tpu.memref_slice %arg3[%add3A_797, %mul3A_23, %dma_start3A_804] : memref<512x512x128xf32, #tpu.memory_space<hbm>> -> memref<1x128x128xf32, #tpu.memory_space<hbm>>
    %dma_start3A_806 = tpu.memref_squeeze %dma_start3A_805 : memref<1x128x128xf32, #tpu.memory_space<hbm>> -> memref<128x128xf32, #tpu.memory_space<hbm>>
    %dma_start3A_807 = arith.constant 8 : i32
    %dma_start3A_808 = arith.constant 0 : i32
    %dma_start3A_809 = tpu.memref_slice %arg4[%dma_start3A_807, %dma_start3A_808] : memref<192x128xf32, #tpu.memory_space<vmem>> -> memref<128x128xf32, #tpu.memory_space<vmem>>
    tpu.enqueue_dma source(%dma_start3A_809 : memref<128x128xf32, #tpu.memory_space<vmem>>) target(%dma_start3A_806 : memref<128x128xf32, #tpu.memory_space<hbm>>) target_semaphore(%arg5 : memref<!tpu.dma_semaphore, #tpu.memory_space<semaphore_mem>>)
    %add3A_810 = arith.constant 56 : i32
    %add3A_811 = arith.addi %mul3A_21, %add3A_810 : i32
    %dma_start3A_812 = arith.constant 7 : i32
    %dma_start3A_813 = arith.constant 0 : i32
    %dma_start3A_814 = tpu.memref_slice %arg4[%dma_start3A_812, %dma_start3A_813] : memref<192x128xf32, #tpu.memory_space<vmem>> -> memref<128x128xf32, #tpu.memory_space<vmem>>
    %dma_start3A_815 = arith.constant 0 : i32
    %dma_start3A_816 = tpu.memref_slice %arg3[%add3A_811, %mul3A_23, %dma_start3A_815] : memref<512x512x128xf32, #tpu.memory_space<hbm>> -> memref<1x128x128xf32, #tpu.memory_space<hbm>>
    %dma_start3A_817 = tpu.memref_squeeze %dma_start3A_816 : memref<1x128x128xf32, #tpu.memory_space<hbm>> -> memref<128x128xf32, #tpu.memory_space<hbm>>
    %dma_start3A_818 = arith.constant 0 : i32
    %dma_start3A_819 = tpu.memref_slice %arg3[%add3A_811, %mul3A_23, %dma_start3A_818] : memref<512x512x128xf32, #tpu.memory_space<hbm>> -> memref<1x128x128xf32, #tpu.memory_space<hbm>>
    %dma_start3A_820 = tpu.memref_squeeze %dma_start3A_819 : memref<1x128x128xf32, #tpu.memory_space<hbm>> -> memref<128x128xf32, #tpu.memory_space<hbm>>
    %dma_start3A_821 = arith.constant 7 : i32
    %dma_start3A_822 = arith.constant 0 : i32
    %dma_start3A_823 = tpu.memref_slice %arg4[%dma_start3A_821, %dma_start3A_822] : memref<192x128xf32, #tpu.memory_space<vmem>> -> memref<128x128xf32, #tpu.memory_space<vmem>>
    tpu.enqueue_dma source(%dma_start3A_823 : memref<128x128xf32, #tpu.memory_space<vmem>>) target(%dma_start3A_820 : memref<128x128xf32, #tpu.memory_space<hbm>>) target_semaphore(%arg5 : memref<!tpu.dma_semaphore, #tpu.memory_space<semaphore_mem>>)
    %add3A_824 = arith.constant 57 : i32
    %add3A_825 = arith.addi %mul3A_21, %add3A_824 : i32
    %dma_start3A_826 = arith.constant 6 : i32
    %dma_start3A_827 = arith.constant 0 : i32
    %dma_start3A_828 = tpu.memref_slice %arg4[%dma_start3A_826, %dma_start3A_827] : memref<192x128xf32, #tpu.memory_space<vmem>> -> memref<128x128xf32, #tpu.memory_space<vmem>>
    %dma_start3A_829 = arith.constant 0 : i32
    %dma_start3A_830 = tpu.memref_slice %arg3[%add3A_825, %mul3A_23, %dma_start3A_829] : memref<512x512x128xf32, #tpu.memory_space<hbm>> -> memref<1x128x128xf32, #tpu.memory_space<hbm>>
    %dma_start3A_831 = tpu.memref_squeeze %dma_start3A_830 : memref<1x128x128xf32, #tpu.memory_space<hbm>> -> memref<128x128xf32, #tpu.memory_space<hbm>>
    %dma_start3A_832 = arith.constant 0 : i32
    %dma_start3A_833 = tpu.memref_slice %arg3[%add3A_825, %mul3A_23, %dma_start3A_832] : memref<512x512x128xf32, #tpu.memory_space<hbm>> -> memref<1x128x128xf32, #tpu.memory_space<hbm>>
    %dma_start3A_834 = tpu.memref_squeeze %dma_start3A_833 : memref<1x128x128xf32, #tpu.memory_space<hbm>> -> memref<128x128xf32, #tpu.memory_space<hbm>>
    %dma_start3A_835 = arith.constant 6 : i32
    %dma_start3A_836 = arith.constant 0 : i32
    %dma_start3A_837 = tpu.memref_slice %arg4[%dma_start3A_835, %dma_start3A_836] : memref<192x128xf32, #tpu.memory_space<vmem>> -> memref<128x128xf32, #tpu.memory_space<vmem>>
    tpu.enqueue_dma source(%dma_start3A_837 : memref<128x128xf32, #tpu.memory_space<vmem>>) target(%dma_start3A_834 : memref<128x128xf32, #tpu.memory_space<hbm>>) target_semaphore(%arg5 : memref<!tpu.dma_semaphore, #tpu.memory_space<semaphore_mem>>)
    %add3A_838 = arith.constant 58 : i32
    %add3A_839 = arith.addi %mul3A_21, %add3A_838 : i32
    %dma_start3A_840 = arith.constant 5 : i32
    %dma_start3A_841 = arith.constant 0 : i32
    %dma_start3A_842 = tpu.memref_slice %arg4[%dma_start3A_840, %dma_start3A_841] : memref<192x128xf32, #tpu.memory_space<vmem>> -> memref<128x128xf32, #tpu.memory_space<vmem>>
    %dma_start3A_843 = arith.constant 0 : i32
    %dma_start3A_844 = tpu.memref_slice %arg3[%add3A_839, %mul3A_23, %dma_start3A_843] : memref<512x512x128xf32, #tpu.memory_space<hbm>> -> memref<1x128x128xf32, #tpu.memory_space<hbm>>
    %dma_start3A_845 = tpu.memref_squeeze %dma_start3A_844 : memref<1x128x128xf32, #tpu.memory_space<hbm>> -> memref<128x128xf32, #tpu.memory_space<hbm>>
    %dma_start3A_846 = arith.constant 0 : i32
    %dma_start3A_847 = tpu.memref_slice %arg3[%add3A_839, %mul3A_23, %dma_start3A_846] : memref<512x512x128xf32, #tpu.memory_space<hbm>> -> memref<1x128x128xf32, #tpu.memory_space<hbm>>
    %dma_start3A_848 = tpu.memref_squeeze %dma_start3A_847 : memref<1x128x128xf32, #tpu.memory_space<hbm>> -> memref<128x128xf32, #tpu.memory_space<hbm>>
    %dma_start3A_849 = arith.constant 5 : i32
    %dma_start3A_850 = arith.constant 0 : i32
    %dma_start3A_851 = tpu.memref_slice %arg4[%dma_start3A_849, %dma_start3A_850] : memref<192x128xf32, #tpu.memory_space<vmem>> -> memref<128x128xf32, #tpu.memory_space<vmem>>
    tpu.enqueue_dma source(%dma_start3A_851 : memref<128x128xf32, #tpu.memory_space<vmem>>) target(%dma_start3A_848 : memref<128x128xf32, #tpu.memory_space<hbm>>) target_semaphore(%arg5 : memref<!tpu.dma_semaphore, #tpu.memory_space<semaphore_mem>>)
    %add3A_852 = arith.constant 59 : i32
    %add3A_853 = arith.addi %mul3A_21, %add3A_852 : i32
    %dma_start3A_854 = arith.constant 4 : i32
    %dma_start3A_855 = arith.constant 0 : i32
    %dma_start3A_856 = tpu.memref_slice %arg4[%dma_start3A_854, %dma_start3A_855] : memref<192x128xf32, #tpu.memory_space<vmem>> -> memref<128x128xf32, #tpu.memory_space<vmem>>
    %dma_start3A_857 = arith.constant 0 : i32
    %dma_start3A_858 = tpu.memref_slice %arg3[%add3A_853, %mul3A_23, %dma_start3A_857] : memref<512x512x128xf32, #tpu.memory_space<hbm>> -> memref<1x128x128xf32, #tpu.memory_space<hbm>>
    %dma_start3A_859 = tpu.memref_squeeze %dma_start3A_858 : memref<1x128x128xf32, #tpu.memory_space<hbm>> -> memref<128x128xf32, #tpu.memory_space<hbm>>
    %dma_start3A_860 = arith.constant 0 : i32
    %dma_start3A_861 = tpu.memref_slice %arg3[%add3A_853, %mul3A_23, %dma_start3A_860] : memref<512x512x128xf32, #tpu.memory_space<hbm>> -> memref<1x128x128xf32, #tpu.memory_space<hbm>>
    %dma_start3A_862 = tpu.memref_squeeze %dma_start3A_861 : memref<1x128x128xf32, #tpu.memory_space<hbm>> -> memref<128x128xf32, #tpu.memory_space<hbm>>
    %dma_start3A_863 = arith.constant 4 : i32
    %dma_start3A_864 = arith.constant 0 : i32
    %dma_start3A_865 = tpu.memref_slice %arg4[%dma_start3A_863, %dma_start3A_864] : memref<192x128xf32, #tpu.memory_space<vmem>> -> memref<128x128xf32, #tpu.memory_space<vmem>>
    tpu.enqueue_dma source(%dma_start3A_865 : memref<128x128xf32, #tpu.memory_space<vmem>>) target(%dma_start3A_862 : memref<128x128xf32, #tpu.memory_space<hbm>>) target_semaphore(%arg5 : memref<!tpu.dma_semaphore, #tpu.memory_space<semaphore_mem>>)
    %add3A_866 = arith.constant 60 : i32
    %add3A_867 = arith.addi %mul3A_21, %add3A_866 : i32
    %dma_start3A_868 = arith.constant 3 : i32
    %dma_start3A_869 = arith.constant 0 : i32
    %dma_start3A_870 = tpu.memref_slice %arg4[%dma_start3A_868, %dma_start3A_869] : memref<192x128xf32, #tpu.memory_space<vmem>> -> memref<128x128xf32, #tpu.memory_space<vmem>>
    %dma_start3A_871 = arith.constant 0 : i32
    %dma_start3A_872 = tpu.memref_slice %arg3[%add3A_867, %mul3A_23, %dma_start3A_871] : memref<512x512x128xf32, #tpu.memory_space<hbm>> -> memref<1x128x128xf32, #tpu.memory_space<hbm>>
    %dma_start3A_873 = tpu.memref_squeeze %dma_start3A_872 : memref<1x128x128xf32, #tpu.memory_space<hbm>> -> memref<128x128xf32, #tpu.memory_space<hbm>>
    %dma_start3A_874 = arith.constant 0 : i32
    %dma_start3A_875 = tpu.memref_slice %arg3[%add3A_867, %mul3A_23, %dma_start3A_874] : memref<512x512x128xf32, #tpu.memory_space<hbm>> -> memref<1x128x128xf32, #tpu.memory_space<hbm>>
    %dma_start3A_876 = tpu.memref_squeeze %dma_start3A_875 : memref<1x128x128xf32, #tpu.memory_space<hbm>> -> memref<128x128xf32, #tpu.memory_space<hbm>>
    %dma_start3A_877 = arith.constant 3 : i32
    %dma_start3A_878 = arith.constant 0 : i32
    %dma_start3A_879 = tpu.memref_slice %arg4[%dma_start3A_877, %dma_start3A_878] : memref<192x128xf32, #tpu.memory_space<vmem>> -> memref<128x128xf32, #tpu.memory_space<vmem>>
    tpu.enqueue_dma source(%dma_start3A_879 : memref<128x128xf32, #tpu.memory_space<vmem>>) target(%dma_start3A_876 : memref<128x128xf32, #tpu.memory_space<hbm>>) target_semaphore(%arg5 : memref<!tpu.dma_semaphore, #tpu.memory_space<semaphore_mem>>)
    %add3A_880 = arith.constant 61 : i32
    %add3A_881 = arith.addi %mul3A_21, %add3A_880 : i32
    %dma_start3A_882 = arith.constant 2 : i32
    %dma_start3A_883 = arith.constant 0 : i32
    %dma_start3A_884 = tpu.memref_slice %arg4[%dma_start3A_882, %dma_start3A_883] : memref<192x128xf32, #tpu.memory_space<vmem>> -> memref<128x128xf32, #tpu.memory_space<vmem>>
    %dma_start3A_885 = arith.constant 0 : i32
    %dma_start3A_886 = tpu.memref_slice %arg3[%add3A_881, %mul3A_23, %dma_start3A_885] : memref<512x512x128xf32, #tpu.memory_space<hbm>> -> memref<1x128x128xf32, #tpu.memory_space<hbm>>
    %dma_start3A_887 = tpu.memref_squeeze %dma_start3A_886 : memref<1x128x128xf32, #tpu.memory_space<hbm>> -> memref<128x128xf32, #tpu.memory_space<hbm>>
    %dma_start3A_888 = arith.constant 0 : i32
    %dma_start3A_889 = tpu.memref_slice %arg3[%add3A_881, %mul3A_23, %dma_start3A_888] : memref<512x512x128xf32, #tpu.memory_space<hbm>> -> memref<1x128x128xf32, #tpu.memory_space<hbm>>
    %dma_start3A_890 = tpu.memref_squeeze %dma_start3A_889 : memref<1x128x128xf32, #tpu.memory_space<hbm>> -> memref<128x128xf32, #tpu.memory_space<hbm>>
    %dma_start3A_891 = arith.constant 2 : i32
    %dma_start3A_892 = arith.constant 0 : i32
    %dma_start3A_893 = tpu.memref_slice %arg4[%dma_start3A_891, %dma_start3A_892] : memref<192x128xf32, #tpu.memory_space<vmem>> -> memref<128x128xf32, #tpu.memory_space<vmem>>
    tpu.enqueue_dma source(%dma_start3A_893 : memref<128x128xf32, #tpu.memory_space<vmem>>) target(%dma_start3A_890 : memref<128x128xf32, #tpu.memory_space<hbm>>) target_semaphore(%arg5 : memref<!tpu.dma_semaphore, #tpu.memory_space<semaphore_mem>>)
    %add3A_894 = arith.constant 62 : i32
    %add3A_895 = arith.addi %mul3A_21, %add3A_894 : i32
    %dma_start3A_896 = arith.constant 1 : i32
    %dma_start3A_897 = arith.constant 0 : i32
    %dma_start3A_898 = tpu.memref_slice %arg4[%dma_start3A_896, %dma_start3A_897] : memref<192x128xf32, #tpu.memory_space<vmem>> -> memref<128x128xf32, #tpu.memory_space<vmem>>
    %dma_start3A_899 = arith.constant 0 : i32
    %dma_start3A_900 = tpu.memref_slice %arg3[%add3A_895, %mul3A_23, %dma_start3A_899] : memref<512x512x128xf32, #tpu.memory_space<hbm>> -> memref<1x128x128xf32, #tpu.memory_space<hbm>>
    %dma_start3A_901 = tpu.memref_squeeze %dma_start3A_900 : memref<1x128x128xf32, #tpu.memory_space<hbm>> -> memref<128x128xf32, #tpu.memory_space<hbm>>
    %dma_start3A_902 = arith.constant 0 : i32
    %dma_start3A_903 = tpu.memref_slice %arg3[%add3A_895, %mul3A_23, %dma_start3A_902] : memref<512x512x128xf32, #tpu.memory_space<hbm>> -> memref<1x128x128xf32, #tpu.memory_space<hbm>>
    %dma_start3A_904 = tpu.memref_squeeze %dma_start3A_903 : memref<1x128x128xf32, #tpu.memory_space<hbm>> -> memref<128x128xf32, #tpu.memory_space<hbm>>
    %dma_start3A_905 = arith.constant 1 : i32
    %dma_start3A_906 = arith.constant 0 : i32
    %dma_start3A_907 = tpu.memref_slice %arg4[%dma_start3A_905, %dma_start3A_906] : memref<192x128xf32, #tpu.memory_space<vmem>> -> memref<128x128xf32, #tpu.memory_space<vmem>>
    tpu.enqueue_dma source(%dma_start3A_907 : memref<128x128xf32, #tpu.memory_space<vmem>>) target(%dma_start3A_904 : memref<128x128xf32, #tpu.memory_space<hbm>>) target_semaphore(%arg5 : memref<!tpu.dma_semaphore, #tpu.memory_space<semaphore_mem>>)
    %add3A_908 = arith.constant 63 : i32
    %add3A_909 = arith.addi %mul3A_21, %add3A_908 : i32
    %dma_start3A_910 = arith.constant 0 : i32
    %dma_start3A_911 = arith.constant 0 : i32
    %dma_start3A_912 = tpu.memref_slice %arg4[%dma_start3A_910, %dma_start3A_911] : memref<192x128xf32, #tpu.memory_space<vmem>> -> memref<128x128xf32, #tpu.memory_space<vmem>>
    %dma_start3A_913 = arith.constant 0 : i32
    %dma_start3A_914 = tpu.memref_slice %arg3[%add3A_909, %mul3A_23, %dma_start3A_913] : memref<512x512x128xf32, #tpu.memory_space<hbm>> -> memref<1x128x128xf32, #tpu.memory_space<hbm>>
    %dma_start3A_915 = tpu.memref_squeeze %dma_start3A_914 : memref<1x128x128xf32, #tpu.memory_space<hbm>> -> memref<128x128xf32, #tpu.memory_space<hbm>>
    %dma_start3A_916 = arith.constant 0 : i32
    %dma_start3A_917 = tpu.memref_slice %arg3[%add3A_909, %mul3A_23, %dma_start3A_916] : memref<512x512x128xf32, #tpu.memory_space<hbm>> -> memref<1x128x128xf32, #tpu.memory_space<hbm>>
    %dma_start3A_918 = tpu.memref_squeeze %dma_start3A_917 : memref<1x128x128xf32, #tpu.memory_space<hbm>> -> memref<128x128xf32, #tpu.memory_space<hbm>>
    %dma_start3A_919 = arith.constant 0 : i32
    %dma_start3A_920 = arith.constant 0 : i32
    %dma_start3A_921 = tpu.memref_slice %arg4[%dma_start3A_919, %dma_start3A_920] : memref<192x128xf32, #tpu.memory_space<vmem>> -> memref<128x128xf32, #tpu.memory_space<vmem>>
    tpu.enqueue_dma source(%dma_start3A_921 : memref<128x128xf32, #tpu.memory_space<vmem>>) target(%dma_start3A_918 : memref<128x128xf32, #tpu.memory_space<hbm>>) target_semaphore(%arg5 : memref<!tpu.dma_semaphore, #tpu.memory_space<semaphore_mem>>)
    %dma_wait3A = arith.constant 63 : i32
    %dma_wait3A_922 = arith.constant 0 : i32
    %dma_wait3A_923 = tpu.memref_slice %arg4[%dma_wait3A, %dma_wait3A_922] : memref<192x128xf32, #tpu.memory_space<vmem>> -> memref<128x128xf32, #tpu.memory_space<vmem>>
    %dma_wait3A_924 = arith.constant 0 : i32
    %dma_wait3A_925 = tpu.memref_slice %arg3[%add3A_28, %mul3A_23, %dma_wait3A_924] : memref<512x512x128xf32, #tpu.memory_space<hbm>> -> memref<1x128x128xf32, #tpu.memory_space<hbm>>
    %dma_wait3A_926 = tpu.memref_squeeze %dma_wait3A_925 : memref<1x128x128xf32, #tpu.memory_space<hbm>> -> memref<128x128xf32, #tpu.memory_space<hbm>>
    %dma_wait3A_927 = arith.constant 0 : i32
    %dma_wait3A_928 = tpu.memref_slice %arg3[%add3A_28, %mul3A_23, %dma_wait3A_927] : memref<512x512x128xf32, #tpu.memory_space<hbm>> -> memref<1x128x128xf32, #tpu.memory_space<hbm>>
    %dma_wait3A_929 = tpu.memref_squeeze %dma_wait3A_928 : memref<1x128x128xf32, #tpu.memory_space<hbm>> -> memref<128x128xf32, #tpu.memory_space<hbm>>
    %dma_wait3A_930 = arith.constant 63 : i32
    %dma_wait3A_931 = arith.constant 0 : i32
    %dma_wait3A_932 = tpu.memref_slice %arg4[%dma_wait3A_930, %dma_wait3A_931] : memref<192x128xf32, #tpu.memory_space<vmem>> -> memref<128x128xf32, #tpu.memory_space<vmem>>
    tpu.wait_dma2 semaphore(%arg5 : memref<!tpu.dma_semaphore, #tpu.memory_space<semaphore_mem>>) src(%dma_wait3A_932 : memref<128x128xf32, #tpu.memory_space<vmem>>) dst(%dma_wait3A_929 : memref<128x128xf32, #tpu.memory_space<hbm>>)
    %dma_wait3A_933 = arith.constant 62 : i32
    %dma_wait3A_934 = arith.constant 0 : i32
    %dma_wait3A_935 = tpu.memref_slice %arg4[%dma_wait3A_933, %dma_wait3A_934] : memref<192x128xf32, #tpu.memory_space<vmem>> -> memref<128x128xf32, #tpu.memory_space<vmem>>
    %dma_wait3A_936 = arith.constant 0 : i32
    %dma_wait3A_937 = tpu.memref_slice %arg3[%add3A_41, %mul3A_23, %dma_wait3A_936] : memref<512x512x128xf32, #tpu.memory_space<hbm>> -> memref<1x128x128xf32, #tpu.memory_space<hbm>>
    %dma_wait3A_938 = tpu.memref_squeeze %dma_wait3A_937 : memref<1x128x128xf32, #tpu.memory_space<hbm>> -> memref<128x128xf32, #tpu.memory_space<hbm>>
    %dma_wait3A_939 = arith.constant 0 : i32
    %dma_wait3A_940 = tpu.memref_slice %arg3[%add3A_41, %mul3A_23, %dma_wait3A_939] : memref<512x512x128xf32, #tpu.memory_space<hbm>> -> memref<1x128x128xf32, #tpu.memory_space<hbm>>
    %dma_wait3A_941 = tpu.memref_squeeze %dma_wait3A_940 : memref<1x128x128xf32, #tpu.memory_space<hbm>> -> memref<128x128xf32, #tpu.memory_space<hbm>>
    %dma_wait3A_942 = arith.constant 62 : i32
    %dma_wait3A_943 = arith.constant 0 : i32
    %dma_wait3A_944 = tpu.memref_slice %arg4[%dma_wait3A_942, %dma_wait3A_943] : memref<192x128xf32, #tpu.memory_space<vmem>> -> memref<128x128xf32, #tpu.memory_space<vmem>>
    tpu.wait_dma2 semaphore(%arg5 : memref<!tpu.dma_semaphore, #tpu.memory_space<semaphore_mem>>) src(%dma_wait3A_944 : memref<128x128xf32, #tpu.memory_space<vmem>>) dst(%dma_wait3A_941 : memref<128x128xf32, #tpu.memory_space<hbm>>)
    %dma_wait3A_945 = arith.constant 61 : i32
    %dma_wait3A_946 = arith.constant 0 : i32
    %dma_wait3A_947 = tpu.memref_slice %arg4[%dma_wait3A_945, %dma_wait3A_946] : memref<192x128xf32, #tpu.memory_space<vmem>> -> memref<128x128xf32, #tpu.memory_space<vmem>>
    %dma_wait3A_948 = arith.constant 0 : i32
    %dma_wait3A_949 = tpu.memref_slice %arg3[%add3A_55, %mul3A_23, %dma_wait3A_948] : memref<512x512x128xf32, #tpu.memory_space<hbm>> -> memref<1x128x128xf32, #tpu.memory_space<hbm>>
    %dma_wait3A_950 = tpu.memref_squeeze %dma_wait3A_949 : memref<1x128x128xf32, #tpu.memory_space<hbm>> -> memref<128x128xf32, #tpu.memory_space<hbm>>
    %dma_wait3A_951 = arith.constant 0 : i32
    %dma_wait3A_952 = tpu.memref_slice %arg3[%add3A_55, %mul3A_23, %dma_wait3A_951] : memref<512x512x128xf32, #tpu.memory_space<hbm>> -> memref<1x128x128xf32, #tpu.memory_space<hbm>>
    %dma_wait3A_953 = tpu.memref_squeeze %dma_wait3A_952 : memref<1x128x128xf32, #tpu.memory_space<hbm>> -> memref<128x128xf32, #tpu.memory_space<hbm>>
    %dma_wait3A_954 = arith.constant 61 : i32
    %dma_wait3A_955 = arith.constant 0 : i32
    %dma_wait3A_956 = tpu.memref_slice %arg4[%dma_wait3A_954, %dma_wait3A_955] : memref<192x128xf32, #tpu.memory_space<vmem>> -> memref<128x128xf32, #tpu.memory_space<vmem>>
    tpu.wait_dma2 semaphore(%arg5 : memref<!tpu.dma_semaphore, #tpu.memory_space<semaphore_mem>>) src(%dma_wait3A_956 : memref<128x128xf32, #tpu.memory_space<vmem>>) dst(%dma_wait3A_953 : memref<128x128xf32, #tpu.memory_space<hbm>>)
    %dma_wait3A_957 = arith.constant 60 : i32
    %dma_wait3A_958 = arith.constant 0 : i32
    %dma_wait3A_959 = tpu.memref_slice %arg4[%dma_wait3A_957, %dma_wait3A_958] : memref<192x128xf32, #tpu.memory_space<vmem>> -> memref<128x128xf32, #tpu.memory_space<vmem>>
    %dma_wait3A_960 = arith.constant 0 : i32
    %dma_wait3A_961 = tpu.memref_slice %arg3[%add3A_69, %mul3A_23, %dma_wait3A_960] : memref<512x512x128xf32, #tpu.memory_space<hbm>> -> memref<1x128x128xf32, #tpu.memory_space<hbm>>
    %dma_wait3A_962 = tpu.memref_squeeze %dma_wait3A_961 : memref<1x128x128xf32, #tpu.memory_space<hbm>> -> memref<128x128xf32, #tpu.memory_space<hbm>>
    %dma_wait3A_963 = arith.constant 0 : i32
    %dma_wait3A_964 = tpu.memref_slice %arg3[%add3A_69, %mul3A_23, %dma_wait3A_963] : memref<512x512x128xf32, #tpu.memory_space<hbm>> -> memref<1x128x128xf32, #tpu.memory_space<hbm>>
    %dma_wait3A_965 = tpu.memref_squeeze %dma_wait3A_964 : memref<1x128x128xf32, #tpu.memory_space<hbm>> -> memref<128x128xf32, #tpu.memory_space<hbm>>
    %dma_wait3A_966 = arith.constant 60 : i32
    %dma_wait3A_967 = arith.constant 0 : i32
    %dma_wait3A_968 = tpu.memref_slice %arg4[%dma_wait3A_966, %dma_wait3A_967] : memref<192x128xf32, #tpu.memory_space<vmem>> -> memref<128x128xf32, #tpu.memory_space<vmem>>
    tpu.wait_dma2 semaphore(%arg5 : memref<!tpu.dma_semaphore, #tpu.memory_space<semaphore_mem>>) src(%dma_wait3A_968 : memref<128x128xf32, #tpu.memory_space<vmem>>) dst(%dma_wait3A_965 : memref<128x128xf32, #tpu.memory_space<hbm>>)
    %dma_wait3A_969 = arith.constant 59 : i32
    %dma_wait3A_970 = arith.constant 0 : i32
    %dma_wait3A_971 = tpu.memref_slice %arg4[%dma_wait3A_969, %dma_wait3A_970] : memref<192x128xf32, #tpu.memory_space<vmem>> -> memref<128x128xf32, #tpu.memory_space<vmem>>
    %dma_wait3A_972 = arith.constant 0 : i32
    %dma_wait3A_973 = tpu.memref_slice %arg3[%add3A_83, %mul3A_23, %dma_wait3A_972] : memref<512x512x128xf32, #tpu.memory_space<hbm>> -> memref<1x128x128xf32, #tpu.memory_space<hbm>>
    %dma_wait3A_974 = tpu.memref_squeeze %dma_wait3A_973 : memref<1x128x128xf32, #tpu.memory_space<hbm>> -> memref<128x128xf32, #tpu.memory_space<hbm>>
    %dma_wait3A_975 = arith.constant 0 : i32
    %dma_wait3A_976 = tpu.memref_slice %arg3[%add3A_83, %mul3A_23, %dma_wait3A_975] : memref<512x512x128xf32, #tpu.memory_space<hbm>> -> memref<1x128x128xf32, #tpu.memory_space<hbm>>
    %dma_wait3A_977 = tpu.memref_squeeze %dma_wait3A_976 : memref<1x128x128xf32, #tpu.memory_space<hbm>> -> memref<128x128xf32, #tpu.memory_space<hbm>>
    %dma_wait3A_978 = arith.constant 59 : i32
    %dma_wait3A_979 = arith.constant 0 : i32
    %dma_wait3A_980 = tpu.memref_slice %arg4[%dma_wait3A_978, %dma_wait3A_979] : memref<192x128xf32, #tpu.memory_space<vmem>> -> memref<128x128xf32, #tpu.memory_space<vmem>>
    tpu.wait_dma2 semaphore(%arg5 : memref<!tpu.dma_semaphore, #tpu.memory_space<semaphore_mem>>) src(%dma_wait3A_980 : memref<128x128xf32, #tpu.memory_space<vmem>>) dst(%dma_wait3A_977 : memref<128x128xf32, #tpu.memory_space<hbm>>)
    %dma_wait3A_981 = arith.constant 58 : i32
    %dma_wait3A_982 = arith.constant 0 : i32
    %dma_wait3A_983 = tpu.memref_slice %arg4[%dma_wait3A_981, %dma_wait3A_982] : memref<192x128xf32, #tpu.memory_space<vmem>> -> memref<128x128xf32, #tpu.memory_space<vmem>>
    %dma_wait3A_984 = arith.constant 0 : i32
    %dma_wait3A_985 = tpu.memref_slice %arg3[%add3A_97, %mul3A_23, %dma_wait3A_984] : memref<512x512x128xf32, #tpu.memory_space<hbm>> -> memref<1x128x128xf32, #tpu.memory_space<hbm>>
    %dma_wait3A_986 = tpu.memref_squeeze %dma_wait3A_985 : memref<1x128x128xf32, #tpu.memory_space<hbm>> -> memref<128x128xf32, #tpu.memory_space<hbm>>
    %dma_wait3A_987 = arith.constant 0 : i32
    %dma_wait3A_988 = tpu.memref_slice %arg3[%add3A_97, %mul3A_23, %dma_wait3A_987] : memref<512x512x128xf32, #tpu.memory_space<hbm>> -> memref<1x128x128xf32, #tpu.memory_space<hbm>>
    %dma_wait3A_989 = tpu.memref_squeeze %dma_wait3A_988 : memref<1x128x128xf32, #tpu.memory_space<hbm>> -> memref<128x128xf32, #tpu.memory_space<hbm>>
    %dma_wait3A_990 = arith.constant 58 : i32
    %dma_wait3A_991 = arith.constant 0 : i32
    %dma_wait3A_992 = tpu.memref_slice %arg4[%dma_wait3A_990, %dma_wait3A_991] : memref<192x128xf32, #tpu.memory_space<vmem>> -> memref<128x128xf32, #tpu.memory_space<vmem>>
    tpu.wait_dma2 semaphore(%arg5 : memref<!tpu.dma_semaphore, #tpu.memory_space<semaphore_mem>>) src(%dma_wait3A_992 : memref<128x128xf32, #tpu.memory_space<vmem>>) dst(%dma_wait3A_989 : memref<128x128xf32, #tpu.memory_space<hbm>>)
    %dma_wait3A_993 = arith.constant 57 : i32
    %dma_wait3A_994 = arith.constant 0 : i32
    %dma_wait3A_995 = tpu.memref_slice %arg4[%dma_wait3A_993, %dma_wait3A_994] : memref<192x128xf32, #tpu.memory_space<vmem>> -> memref<128x128xf32, #tpu.memory_space<vmem>>
    %dma_wait3A_996 = arith.constant 0 : i32
    %dma_wait3A_997 = tpu.memref_slice %arg3[%add3A_111, %mul3A_23, %dma_wait3A_996] : memref<512x512x128xf32, #tpu.memory_space<hbm>> -> memref<1x128x128xf32, #tpu.memory_space<hbm>>
    %dma_wait3A_998 = tpu.memref_squeeze %dma_wait3A_997 : memref<1x128x128xf32, #tpu.memory_space<hbm>> -> memref<128x128xf32, #tpu.memory_space<hbm>>
    %dma_wait3A_999 = arith.constant 0 : i32
    %dma_wait3A_1000 = tpu.memref_slice %arg3[%add3A_111, %mul3A_23, %dma_wait3A_999] : memref<512x512x128xf32, #tpu.memory_space<hbm>> -> memref<1x128x128xf32, #tpu.memory_space<hbm>>
    %dma_wait3A_1001 = tpu.memref_squeeze %dma_wait3A_1000 : memref<1x128x128xf32, #tpu.memory_space<hbm>> -> memref<128x128xf32, #tpu.memory_space<hbm>>
    %dma_wait3A_1002 = arith.constant 57 : i32
    %dma_wait3A_1003 = arith.constant 0 : i32
    %dma_wait3A_1004 = tpu.memref_slice %arg4[%dma_wait3A_1002, %dma_wait3A_1003] : memref<192x128xf32, #tpu.memory_space<vmem>> -> memref<128x128xf32, #tpu.memory_space<vmem>>
    tpu.wait_dma2 semaphore(%arg5 : memref<!tpu.dma_semaphore, #tpu.memory_space<semaphore_mem>>) src(%dma_wait3A_1004 : memref<128x128xf32, #tpu.memory_space<vmem>>) dst(%dma_wait3A_1001 : memref<128x128xf32, #tpu.memory_space<hbm>>)
    %dma_wait3A_1005 = arith.constant 56 : i32
    %dma_wait3A_1006 = arith.constant 0 : i32
    %dma_wait3A_1007 = tpu.memref_slice %arg4[%dma_wait3A_1005, %dma_wait3A_1006] : memref<192x128xf32, #tpu.memory_space<vmem>> -> memref<128x128xf32, #tpu.memory_space<vmem>>
    %dma_wait3A_1008 = arith.constant 0 : i32
    %dma_wait3A_1009 = tpu.memref_slice %arg3[%add3A_125, %mul3A_23, %dma_wait3A_1008] : memref<512x512x128xf32, #tpu.memory_space<hbm>> -> memref<1x128x128xf32, #tpu.memory_space<hbm>>
    %dma_wait3A_1010 = tpu.memref_squeeze %dma_wait3A_1009 : memref<1x128x128xf32, #tpu.memory_space<hbm>> -> memref<128x128xf32, #tpu.memory_space<hbm>>
    %dma_wait3A_1011 = arith.constant 0 : i32
    %dma_wait3A_1012 = tpu.memref_slice %arg3[%add3A_125, %mul3A_23, %dma_wait3A_1011] : memref<512x512x128xf32, #tpu.memory_space<hbm>> -> memref<1x128x128xf32, #tpu.memory_space<hbm>>
    %dma_wait3A_1013 = tpu.memref_squeeze %dma_wait3A_1012 : memref<1x128x128xf32, #tpu.memory_space<hbm>> -> memref<128x128xf32, #tpu.memory_space<hbm>>
    %dma_wait3A_1014 = arith.constant 56 : i32
    %dma_wait3A_1015 = arith.constant 0 : i32
    %dma_wait3A_1016 = tpu.memref_slice %arg4[%dma_wait3A_1014, %dma_wait3A_1015] : memref<192x128xf32, #tpu.memory_space<vmem>> -> memref<128x128xf32, #tpu.memory_space<vmem>>
    tpu.wait_dma2 semaphore(%arg5 : memref<!tpu.dma_semaphore, #tpu.memory_space<semaphore_mem>>) src(%dma_wait3A_1016 : memref<128x128xf32, #tpu.memory_space<vmem>>) dst(%dma_wait3A_1013 : memref<128x128xf32, #tpu.memory_space<hbm>>)
    %dma_wait3A_1017 = arith.constant 55 : i32
    %dma_wait3A_1018 = arith.constant 0 : i32
    %dma_wait3A_1019 = tpu.memref_slice %arg4[%dma_wait3A_1017, %dma_wait3A_1018] : memref<192x128xf32, #tpu.memory_space<vmem>> -> memref<128x128xf32, #tpu.memory_space<vmem>>
    %dma_wait3A_1020 = arith.constant 0 : i32
    %dma_wait3A_1021 = tpu.memref_slice %arg3[%add3A_139, %mul3A_23, %dma_wait3A_1020] : memref<512x512x128xf32, #tpu.memory_space<hbm>> -> memref<1x128x128xf32, #tpu.memory_space<hbm>>
    %dma_wait3A_1022 = tpu.memref_squeeze %dma_wait3A_1021 : memref<1x128x128xf32, #tpu.memory_space<hbm>> -> memref<128x128xf32, #tpu.memory_space<hbm>>
    %dma_wait3A_1023 = arith.constant 0 : i32
    %dma_wait3A_1024 = tpu.memref_slice %arg3[%add3A_139, %mul3A_23, %dma_wait3A_1023] : memref<512x512x128xf32, #tpu.memory_space<hbm>> -> memref<1x128x128xf32, #tpu.memory_space<hbm>>
    %dma_wait3A_1025 = tpu.memref_squeeze %dma_wait3A_1024 : memref<1x128x128xf32, #tpu.memory_space<hbm>> -> memref<128x128xf32, #tpu.memory_space<hbm>>
    %dma_wait3A_1026 = arith.constant 55 : i32
    %dma_wait3A_1027 = arith.constant 0 : i32
    %dma_wait3A_1028 = tpu.memref_slice %arg4[%dma_wait3A_1026, %dma_wait3A_1027] : memref<192x128xf32, #tpu.memory_space<vmem>> -> memref<128x128xf32, #tpu.memory_space<vmem>>
    tpu.wait_dma2 semaphore(%arg5 : memref<!tpu.dma_semaphore, #tpu.memory_space<semaphore_mem>>) src(%dma_wait3A_1028 : memref<128x128xf32, #tpu.memory_space<vmem>>) dst(%dma_wait3A_1025 : memref<128x128xf32, #tpu.memory_space<hbm>>)
    %dma_wait3A_1029 = arith.constant 54 : i32
    %dma_wait3A_1030 = arith.constant 0 : i32
    %dma_wait3A_1031 = tpu.memref_slice %arg4[%dma_wait3A_1029, %dma_wait3A_1030] : memref<192x128xf32, #tpu.memory_space<vmem>> -> memref<128x128xf32, #tpu.memory_space<vmem>>
    %dma_wait3A_1032 = arith.constant 0 : i32
    %dma_wait3A_1033 = tpu.memref_slice %arg3[%add3A_153, %mul3A_23, %dma_wait3A_1032] : memref<512x512x128xf32, #tpu.memory_space<hbm>> -> memref<1x128x128xf32, #tpu.memory_space<hbm>>
    %dma_wait3A_1034 = tpu.memref_squeeze %dma_wait3A_1033 : memref<1x128x128xf32, #tpu.memory_space<hbm>> -> memref<128x128xf32, #tpu.memory_space<hbm>>
    %dma_wait3A_1035 = arith.constant 0 : i32
    %dma_wait3A_1036 = tpu.memref_slice %arg3[%add3A_153, %mul3A_23, %dma_wait3A_1035] : memref<512x512x128xf32, #tpu.memory_space<hbm>> -> memref<1x128x128xf32, #tpu.memory_space<hbm>>
    %dma_wait3A_1037 = tpu.memref_squeeze %dma_wait3A_1036 : memref<1x128x128xf32, #tpu.memory_space<hbm>> -> memref<128x128xf32, #tpu.memory_space<hbm>>
    %dma_wait3A_1038 = arith.constant 54 : i32
    %dma_wait3A_1039 = arith.constant 0 : i32
    %dma_wait3A_1040 = tpu.memref_slice %arg4[%dma_wait3A_1038, %dma_wait3A_1039] : memref<192x128xf32, #tpu.memory_space<vmem>> -> memref<128x128xf32, #tpu.memory_space<vmem>>
    tpu.wait_dma2 semaphore(%arg5 : memref<!tpu.dma_semaphore, #tpu.memory_space<semaphore_mem>>) src(%dma_wait3A_1040 : memref<128x128xf32, #tpu.memory_space<vmem>>) dst(%dma_wait3A_1037 : memref<128x128xf32, #tpu.memory_space<hbm>>)
    %dma_wait3A_1041 = arith.constant 53 : i32
    %dma_wait3A_1042 = arith.constant 0 : i32
    %dma_wait3A_1043 = tpu.memref_slice %arg4[%dma_wait3A_1041, %dma_wait3A_1042] : memref<192x128xf32, #tpu.memory_space<vmem>> -> memref<128x128xf32, #tpu.memory_space<vmem>>
    %dma_wait3A_1044 = arith.constant 0 : i32
    %dma_wait3A_1045 = tpu.memref_slice %arg3[%add3A_167, %mul3A_23, %dma_wait3A_1044] : memref<512x512x128xf32, #tpu.memory_space<hbm>> -> memref<1x128x128xf32, #tpu.memory_space<hbm>>
    %dma_wait3A_1046 = tpu.memref_squeeze %dma_wait3A_1045 : memref<1x128x128xf32, #tpu.memory_space<hbm>> -> memref<128x128xf32, #tpu.memory_space<hbm>>
    %dma_wait3A_1047 = arith.constant 0 : i32
    %dma_wait3A_1048 = tpu.memref_slice %arg3[%add3A_167, %mul3A_23, %dma_wait3A_1047] : memref<512x512x128xf32, #tpu.memory_space<hbm>> -> memref<1x128x128xf32, #tpu.memory_space<hbm>>
    %dma_wait3A_1049 = tpu.memref_squeeze %dma_wait3A_1048 : memref<1x128x128xf32, #tpu.memory_space<hbm>> -> memref<128x128xf32, #tpu.memory_space<hbm>>
    %dma_wait3A_1050 = arith.constant 53 : i32
    %dma_wait3A_1051 = arith.constant 0 : i32
    %dma_wait3A_1052 = tpu.memref_slice %arg4[%dma_wait3A_1050, %dma_wait3A_1051] : memref<192x128xf32, #tpu.memory_space<vmem>> -> memref<128x128xf32, #tpu.memory_space<vmem>>
    tpu.wait_dma2 semaphore(%arg5 : memref<!tpu.dma_semaphore, #tpu.memory_space<semaphore_mem>>) src(%dma_wait3A_1052 : memref<128x128xf32, #tpu.memory_space<vmem>>) dst(%dma_wait3A_1049 : memref<128x128xf32, #tpu.memory_space<hbm>>)
    %dma_wait3A_1053 = arith.constant 52 : i32
    %dma_wait3A_1054 = arith.constant 0 : i32
    %dma_wait3A_1055 = tpu.memref_slice %arg4[%dma_wait3A_1053, %dma_wait3A_1054] : memref<192x128xf32, #tpu.memory_space<vmem>> -> memref<128x128xf32, #tpu.memory_space<vmem>>
    %dma_wait3A_1056 = arith.constant 0 : i32
    %dma_wait3A_1057 = tpu.memref_slice %arg3[%add3A_181, %mul3A_23, %dma_wait3A_1056] : memref<512x512x128xf32, #tpu.memory_space<hbm>> -> memref<1x128x128xf32, #tpu.memory_space<hbm>>
    %dma_wait3A_1058 = tpu.memref_squeeze %dma_wait3A_1057 : memref<1x128x128xf32, #tpu.memory_space<hbm>> -> memref<128x128xf32, #tpu.memory_space<hbm>>
    %dma_wait3A_1059 = arith.constant 0 : i32
    %dma_wait3A_1060 = tpu.memref_slice %arg3[%add3A_181, %mul3A_23, %dma_wait3A_1059] : memref<512x512x128xf32, #tpu.memory_space<hbm>> -> memref<1x128x128xf32, #tpu.memory_space<hbm>>
    %dma_wait3A_1061 = tpu.memref_squeeze %dma_wait3A_1060 : memref<1x128x128xf32, #tpu.memory_space<hbm>> -> memref<128x128xf32, #tpu.memory_space<hbm>>
    %dma_wait3A_1062 = arith.constant 52 : i32
    %dma_wait3A_1063 = arith.constant 0 : i32
    %dma_wait3A_1064 = tpu.memref_slice %arg4[%dma_wait3A_1062, %dma_wait3A_1063] : memref<192x128xf32, #tpu.memory_space<vmem>> -> memref<128x128xf32, #tpu.memory_space<vmem>>
    tpu.wait_dma2 semaphore(%arg5 : memref<!tpu.dma_semaphore, #tpu.memory_space<semaphore_mem>>) src(%dma_wait3A_1064 : memref<128x128xf32, #tpu.memory_space<vmem>>) dst(%dma_wait3A_1061 : memref<128x128xf32, #tpu.memory_space<hbm>>)
    %dma_wait3A_1065 = arith.constant 51 : i32
    %dma_wait3A_1066 = arith.constant 0 : i32
    %dma_wait3A_1067 = tpu.memref_slice %arg4[%dma_wait3A_1065, %dma_wait3A_1066] : memref<192x128xf32, #tpu.memory_space<vmem>> -> memref<128x128xf32, #tpu.memory_space<vmem>>
    %dma_wait3A_1068 = arith.constant 0 : i32
    %dma_wait3A_1069 = tpu.memref_slice %arg3[%add3A_195, %mul3A_23, %dma_wait3A_1068] : memref<512x512x128xf32, #tpu.memory_space<hbm>> -> memref<1x128x128xf32, #tpu.memory_space<hbm>>
    %dma_wait3A_1070 = tpu.memref_squeeze %dma_wait3A_1069 : memref<1x128x128xf32, #tpu.memory_space<hbm>> -> memref<128x128xf32, #tpu.memory_space<hbm>>
    %dma_wait3A_1071 = arith.constant 0 : i32
    %dma_wait3A_1072 = tpu.memref_slice %arg3[%add3A_195, %mul3A_23, %dma_wait3A_1071] : memref<512x512x128xf32, #tpu.memory_space<hbm>> -> memref<1x128x128xf32, #tpu.memory_space<hbm>>
    %dma_wait3A_1073 = tpu.memref_squeeze %dma_wait3A_1072 : memref<1x128x128xf32, #tpu.memory_space<hbm>> -> memref<128x128xf32, #tpu.memory_space<hbm>>
    %dma_wait3A_1074 = arith.constant 51 : i32
    %dma_wait3A_1075 = arith.constant 0 : i32
    %dma_wait3A_1076 = tpu.memref_slice %arg4[%dma_wait3A_1074, %dma_wait3A_1075] : memref<192x128xf32, #tpu.memory_space<vmem>> -> memref<128x128xf32, #tpu.memory_space<vmem>>
    tpu.wait_dma2 semaphore(%arg5 : memref<!tpu.dma_semaphore, #tpu.memory_space<semaphore_mem>>) src(%dma_wait3A_1076 : memref<128x128xf32, #tpu.memory_space<vmem>>) dst(%dma_wait3A_1073 : memref<128x128xf32, #tpu.memory_space<hbm>>)
    %dma_wait3A_1077 = arith.constant 50 : i32
    %dma_wait3A_1078 = arith.constant 0 : i32
    %dma_wait3A_1079 = tpu.memref_slice %arg4[%dma_wait3A_1077, %dma_wait3A_1078] : memref<192x128xf32, #tpu.memory_space<vmem>> -> memref<128x128xf32, #tpu.memory_space<vmem>>
    %dma_wait3A_1080 = arith.constant 0 : i32
    %dma_wait3A_1081 = tpu.memref_slice %arg3[%add3A_209, %mul3A_23, %dma_wait3A_1080] : memref<512x512x128xf32, #tpu.memory_space<hbm>> -> memref<1x128x128xf32, #tpu.memory_space<hbm>>
    %dma_wait3A_1082 = tpu.memref_squeeze %dma_wait3A_1081 : memref<1x128x128xf32, #tpu.memory_space<hbm>> -> memref<128x128xf32, #tpu.memory_space<hbm>>
    %dma_wait3A_1083 = arith.constant 0 : i32
    %dma_wait3A_1084 = tpu.memref_slice %arg3[%add3A_209, %mul3A_23, %dma_wait3A_1083] : memref<512x512x128xf32, #tpu.memory_space<hbm>> -> memref<1x128x128xf32, #tpu.memory_space<hbm>>
    %dma_wait3A_1085 = tpu.memref_squeeze %dma_wait3A_1084 : memref<1x128x128xf32, #tpu.memory_space<hbm>> -> memref<128x128xf32, #tpu.memory_space<hbm>>
    %dma_wait3A_1086 = arith.constant 50 : i32
    %dma_wait3A_1087 = arith.constant 0 : i32
    %dma_wait3A_1088 = tpu.memref_slice %arg4[%dma_wait3A_1086, %dma_wait3A_1087] : memref<192x128xf32, #tpu.memory_space<vmem>> -> memref<128x128xf32, #tpu.memory_space<vmem>>
    tpu.wait_dma2 semaphore(%arg5 : memref<!tpu.dma_semaphore, #tpu.memory_space<semaphore_mem>>) src(%dma_wait3A_1088 : memref<128x128xf32, #tpu.memory_space<vmem>>) dst(%dma_wait3A_1085 : memref<128x128xf32, #tpu.memory_space<hbm>>)
    %dma_wait3A_1089 = arith.constant 49 : i32
    %dma_wait3A_1090 = arith.constant 0 : i32
    %dma_wait3A_1091 = tpu.memref_slice %arg4[%dma_wait3A_1089, %dma_wait3A_1090] : memref<192x128xf32, #tpu.memory_space<vmem>> -> memref<128x128xf32, #tpu.memory_space<vmem>>
    %dma_wait3A_1092 = arith.constant 0 : i32
    %dma_wait3A_1093 = tpu.memref_slice %arg3[%add3A_223, %mul3A_23, %dma_wait3A_1092] : memref<512x512x128xf32, #tpu.memory_space<hbm>> -> memref<1x128x128xf32, #tpu.memory_space<hbm>>
    %dma_wait3A_1094 = tpu.memref_squeeze %dma_wait3A_1093 : memref<1x128x128xf32, #tpu.memory_space<hbm>> -> memref<128x128xf32, #tpu.memory_space<hbm>>
    %dma_wait3A_1095 = arith.constant 0 : i32
    %dma_wait3A_1096 = tpu.memref_slice %arg3[%add3A_223, %mul3A_23, %dma_wait3A_1095] : memref<512x512x128xf32, #tpu.memory_space<hbm>> -> memref<1x128x128xf32, #tpu.memory_space<hbm>>
    %dma_wait3A_1097 = tpu.memref_squeeze %dma_wait3A_1096 : memref<1x128x128xf32, #tpu.memory_space<hbm>> -> memref<128x128xf32, #tpu.memory_space<hbm>>
    %dma_wait3A_1098 = arith.constant 49 : i32
    %dma_wait3A_1099 = arith.constant 0 : i32
    %dma_wait3A_1100 = tpu.memref_slice %arg4[%dma_wait3A_1098, %dma_wait3A_1099] : memref<192x128xf32, #tpu.memory_space<vmem>> -> memref<128x128xf32, #tpu.memory_space<vmem>>
    tpu.wait_dma2 semaphore(%arg5 : memref<!tpu.dma_semaphore, #tpu.memory_space<semaphore_mem>>) src(%dma_wait3A_1100 : memref<128x128xf32, #tpu.memory_space<vmem>>) dst(%dma_wait3A_1097 : memref<128x128xf32, #tpu.memory_space<hbm>>)
    %dma_wait3A_1101 = arith.constant 48 : i32
    %dma_wait3A_1102 = arith.constant 0 : i32
    %dma_wait3A_1103 = tpu.memref_slice %arg4[%dma_wait3A_1101, %dma_wait3A_1102] : memref<192x128xf32, #tpu.memory_space<vmem>> -> memref<128x128xf32, #tpu.memory_space<vmem>>
    %dma_wait3A_1104 = arith.constant 0 : i32
    %dma_wait3A_1105 = tpu.memref_slice %arg3[%add3A_237, %mul3A_23, %dma_wait3A_1104] : memref<512x512x128xf32, #tpu.memory_space<hbm>> -> memref<1x128x128xf32, #tpu.memory_space<hbm>>
    %dma_wait3A_1106 = tpu.memref_squeeze %dma_wait3A_1105 : memref<1x128x128xf32, #tpu.memory_space<hbm>> -> memref<128x128xf32, #tpu.memory_space<hbm>>
    %dma_wait3A_1107 = arith.constant 0 : i32
    %dma_wait3A_1108 = tpu.memref_slice %arg3[%add3A_237, %mul3A_23, %dma_wait3A_1107] : memref<512x512x128xf32, #tpu.memory_space<hbm>> -> memref<1x128x128xf32, #tpu.memory_space<hbm>>
    %dma_wait3A_1109 = tpu.memref_squeeze %dma_wait3A_1108 : memref<1x128x128xf32, #tpu.memory_space<hbm>> -> memref<128x128xf32, #tpu.memory_space<hbm>>
    %dma_wait3A_1110 = arith.constant 48 : i32
    %dma_wait3A_1111 = arith.constant 0 : i32
    %dma_wait3A_1112 = tpu.memref_slice %arg4[%dma_wait3A_1110, %dma_wait3A_1111] : memref<192x128xf32, #tpu.memory_space<vmem>> -> memref<128x128xf32, #tpu.memory_space<vmem>>
    tpu.wait_dma2 semaphore(%arg5 : memref<!tpu.dma_semaphore, #tpu.memory_space<semaphore_mem>>) src(%dma_wait3A_1112 : memref<128x128xf32, #tpu.memory_space<vmem>>) dst(%dma_wait3A_1109 : memref<128x128xf32, #tpu.memory_space<hbm>>)
    %dma_wait3A_1113 = arith.constant 47 : i32
    %dma_wait3A_1114 = arith.constant 0 : i32
    %dma_wait3A_1115 = tpu.memref_slice %arg4[%dma_wait3A_1113, %dma_wait3A_1114] : memref<192x128xf32, #tpu.memory_space<vmem>> -> memref<128x128xf32, #tpu.memory_space<vmem>>
    %dma_wait3A_1116 = arith.constant 0 : i32
    %dma_wait3A_1117 = tpu.memref_slice %arg3[%add3A_251, %mul3A_23, %dma_wait3A_1116] : memref<512x512x128xf32, #tpu.memory_space<hbm>> -> memref<1x128x128xf32, #tpu.memory_space<hbm>>
    %dma_wait3A_1118 = tpu.memref_squeeze %dma_wait3A_1117 : memref<1x128x128xf32, #tpu.memory_space<hbm>> -> memref<128x128xf32, #tpu.memory_space<hbm>>
    %dma_wait3A_1119 = arith.constant 0 : i32
    %dma_wait3A_1120 = tpu.memref_slice %arg3[%add3A_251, %mul3A_23, %dma_wait3A_1119] : memref<512x512x128xf32, #tpu.memory_space<hbm>> -> memref<1x128x128xf32, #tpu.memory_space<hbm>>
    %dma_wait3A_1121 = tpu.memref_squeeze %dma_wait3A_1120 : memref<1x128x128xf32, #tpu.memory_space<hbm>> -> memref<128x128xf32, #tpu.memory_space<hbm>>
    %dma_wait3A_1122 = arith.constant 47 : i32
    %dma_wait3A_1123 = arith.constant 0 : i32
    %dma_wait3A_1124 = tpu.memref_slice %arg4[%dma_wait3A_1122, %dma_wait3A_1123] : memref<192x128xf32, #tpu.memory_space<vmem>> -> memref<128x128xf32, #tpu.memory_space<vmem>>
    tpu.wait_dma2 semaphore(%arg5 : memref<!tpu.dma_semaphore, #tpu.memory_space<semaphore_mem>>) src(%dma_wait3A_1124 : memref<128x128xf32, #tpu.memory_space<vmem>>) dst(%dma_wait3A_1121 : memref<128x128xf32, #tpu.memory_space<hbm>>)
    %dma_wait3A_1125 = arith.constant 46 : i32
    %dma_wait3A_1126 = arith.constant 0 : i32
    %dma_wait3A_1127 = tpu.memref_slice %arg4[%dma_wait3A_1125, %dma_wait3A_1126] : memref<192x128xf32, #tpu.memory_space<vmem>> -> memref<128x128xf32, #tpu.memory_space<vmem>>
    %dma_wait3A_1128 = arith.constant 0 : i32
    %dma_wait3A_1129 = tpu.memref_slice %arg3[%add3A_265, %mul3A_23, %dma_wait3A_1128] : memref<512x512x128xf32, #tpu.memory_space<hbm>> -> memref<1x128x128xf32, #tpu.memory_space<hbm>>
    %dma_wait3A_1130 = tpu.memref_squeeze %dma_wait3A_1129 : memref<1x128x128xf32, #tpu.memory_space<hbm>> -> memref<128x128xf32, #tpu.memory_space<hbm>>
    %dma_wait3A_1131 = arith.constant 0 : i32
    %dma_wait3A_1132 = tpu.memref_slice %arg3[%add3A_265, %mul3A_23, %dma_wait3A_1131] : memref<512x512x128xf32, #tpu.memory_space<hbm>> -> memref<1x128x128xf32, #tpu.memory_space<hbm>>
    %dma_wait3A_1133 = tpu.memref_squeeze %dma_wait3A_1132 : memref<1x128x128xf32, #tpu.memory_space<hbm>> -> memref<128x128xf32, #tpu.memory_space<hbm>>
    %dma_wait3A_1134 = arith.constant 46 : i32
    %dma_wait3A_1135 = arith.constant 0 : i32
    %dma_wait3A_1136 = tpu.memref_slice %arg4[%dma_wait3A_1134, %dma_wait3A_1135] : memref<192x128xf32, #tpu.memory_space<vmem>> -> memref<128x128xf32, #tpu.memory_space<vmem>>
    tpu.wait_dma2 semaphore(%arg5 : memref<!tpu.dma_semaphore, #tpu.memory_space<semaphore_mem>>) src(%dma_wait3A_1136 : memref<128x128xf32, #tpu.memory_space<vmem>>) dst(%dma_wait3A_1133 : memref<128x128xf32, #tpu.memory_space<hbm>>)
    %dma_wait3A_1137 = arith.constant 45 : i32
    %dma_wait3A_1138 = arith.constant 0 : i32
    %dma_wait3A_1139 = tpu.memref_slice %arg4[%dma_wait3A_1137, %dma_wait3A_1138] : memref<192x128xf32, #tpu.memory_space<vmem>> -> memref<128x128xf32, #tpu.memory_space<vmem>>
    %dma_wait3A_1140 = arith.constant 0 : i32
    %dma_wait3A_1141 = tpu.memref_slice %arg3[%add3A_279, %mul3A_23, %dma_wait3A_1140] : memref<512x512x128xf32, #tpu.memory_space<hbm>> -> memref<1x128x128xf32, #tpu.memory_space<hbm>>
    %dma_wait3A_1142 = tpu.memref_squeeze %dma_wait3A_1141 : memref<1x128x128xf32, #tpu.memory_space<hbm>> -> memref<128x128xf32, #tpu.memory_space<hbm>>
    %dma_wait3A_1143 = arith.constant 0 : i32
    %dma_wait3A_1144 = tpu.memref_slice %arg3[%add3A_279, %mul3A_23, %dma_wait3A_1143] : memref<512x512x128xf32, #tpu.memory_space<hbm>> -> memref<1x128x128xf32, #tpu.memory_space<hbm>>
    %dma_wait3A_1145 = tpu.memref_squeeze %dma_wait3A_1144 : memref<1x128x128xf32, #tpu.memory_space<hbm>> -> memref<128x128xf32, #tpu.memory_space<hbm>>
    %dma_wait3A_1146 = arith.constant 45 : i32
    %dma_wait3A_1147 = arith.constant 0 : i32
    %dma_wait3A_1148 = tpu.memref_slice %arg4[%dma_wait3A_1146, %dma_wait3A_1147] : memref<192x128xf32, #tpu.memory_space<vmem>> -> memref<128x128xf32, #tpu.memory_space<vmem>>
    tpu.wait_dma2 semaphore(%arg5 : memref<!tpu.dma_semaphore, #tpu.memory_space<semaphore_mem>>) src(%dma_wait3A_1148 : memref<128x128xf32, #tpu.memory_space<vmem>>) dst(%dma_wait3A_1145 : memref<128x128xf32, #tpu.memory_space<hbm>>)
    %dma_wait3A_1149 = arith.constant 44 : i32
    %dma_wait3A_1150 = arith.constant 0 : i32
    %dma_wait3A_1151 = tpu.memref_slice %arg4[%dma_wait3A_1149, %dma_wait3A_1150] : memref<192x128xf32, #tpu.memory_space<vmem>> -> memref<128x128xf32, #tpu.memory_space<vmem>>
    %dma_wait3A_1152 = arith.constant 0 : i32
    %dma_wait3A_1153 = tpu.memref_slice %arg3[%add3A_293, %mul3A_23, %dma_wait3A_1152] : memref<512x512x128xf32, #tpu.memory_space<hbm>> -> memref<1x128x128xf32, #tpu.memory_space<hbm>>
    %dma_wait3A_1154 = tpu.memref_squeeze %dma_wait3A_1153 : memref<1x128x128xf32, #tpu.memory_space<hbm>> -> memref<128x128xf32, #tpu.memory_space<hbm>>
    %dma_wait3A_1155 = arith.constant 0 : i32
    %dma_wait3A_1156 = tpu.memref_slice %arg3[%add3A_293, %mul3A_23, %dma_wait3A_1155] : memref<512x512x128xf32, #tpu.memory_space<hbm>> -> memref<1x128x128xf32, #tpu.memory_space<hbm>>
    %dma_wait3A_1157 = tpu.memref_squeeze %dma_wait3A_1156 : memref<1x128x128xf32, #tpu.memory_space<hbm>> -> memref<128x128xf32, #tpu.memory_space<hbm>>
    %dma_wait3A_1158 = arith.constant 44 : i32
    %dma_wait3A_1159 = arith.constant 0 : i32
    %dma_wait3A_1160 = tpu.memref_slice %arg4[%dma_wait3A_1158, %dma_wait3A_1159] : memref<192x128xf32, #tpu.memory_space<vmem>> -> memref<128x128xf32, #tpu.memory_space<vmem>>
    tpu.wait_dma2 semaphore(%arg5 : memref<!tpu.dma_semaphore, #tpu.memory_space<semaphore_mem>>) src(%dma_wait3A_1160 : memref<128x128xf32, #tpu.memory_space<vmem>>) dst(%dma_wait3A_1157 : memref<128x128xf32, #tpu.memory_space<hbm>>)
    %dma_wait3A_1161 = arith.constant 43 : i32
    %dma_wait3A_1162 = arith.constant 0 : i32
    %dma_wait3A_1163 = tpu.memref_slice %arg4[%dma_wait3A_1161, %dma_wait3A_1162] : memref<192x128xf32, #tpu.memory_space<vmem>> -> memref<128x128xf32, #tpu.memory_space<vmem>>
    %dma_wait3A_1164 = arith.constant 0 : i32
    %dma_wait3A_1165 = tpu.memref_slice %arg3[%add3A_307, %mul3A_23, %dma_wait3A_1164] : memref<512x512x128xf32, #tpu.memory_space<hbm>> -> memref<1x128x128xf32, #tpu.memory_space<hbm>>
    %dma_wait3A_1166 = tpu.memref_squeeze %dma_wait3A_1165 : memref<1x128x128xf32, #tpu.memory_space<hbm>> -> memref<128x128xf32, #tpu.memory_space<hbm>>
    %dma_wait3A_1167 = arith.constant 0 : i32
    %dma_wait3A_1168 = tpu.memref_slice %arg3[%add3A_307, %mul3A_23, %dma_wait3A_1167] : memref<512x512x128xf32, #tpu.memory_space<hbm>> -> memref<1x128x128xf32, #tpu.memory_space<hbm>>
    %dma_wait3A_1169 = tpu.memref_squeeze %dma_wait3A_1168 : memref<1x128x128xf32, #tpu.memory_space<hbm>> -> memref<128x128xf32, #tpu.memory_space<hbm>>
    %dma_wait3A_1170 = arith.constant 43 : i32
    %dma_wait3A_1171 = arith.constant 0 : i32
    %dma_wait3A_1172 = tpu.memref_slice %arg4[%dma_wait3A_1170, %dma_wait3A_1171] : memref<192x128xf32, #tpu.memory_space<vmem>> -> memref<128x128xf32, #tpu.memory_space<vmem>>
    tpu.wait_dma2 semaphore(%arg5 : memref<!tpu.dma_semaphore, #tpu.memory_space<semaphore_mem>>) src(%dma_wait3A_1172 : memref<128x128xf32, #tpu.memory_space<vmem>>) dst(%dma_wait3A_1169 : memref<128x128xf32, #tpu.memory_space<hbm>>)
    %dma_wait3A_1173 = arith.constant 42 : i32
    %dma_wait3A_1174 = arith.constant 0 : i32
    %dma_wait3A_1175 = tpu.memref_slice %arg4[%dma_wait3A_1173, %dma_wait3A_1174] : memref<192x128xf32, #tpu.memory_space<vmem>> -> memref<128x128xf32, #tpu.memory_space<vmem>>
    %dma_wait3A_1176 = arith.constant 0 : i32
    %dma_wait3A_1177 = tpu.memref_slice %arg3[%add3A_321, %mul3A_23, %dma_wait3A_1176] : memref<512x512x128xf32, #tpu.memory_space<hbm>> -> memref<1x128x128xf32, #tpu.memory_space<hbm>>
    %dma_wait3A_1178 = tpu.memref_squeeze %dma_wait3A_1177 : memref<1x128x128xf32, #tpu.memory_space<hbm>> -> memref<128x128xf32, #tpu.memory_space<hbm>>
    %dma_wait3A_1179 = arith.constant 0 : i32
    %dma_wait3A_1180 = tpu.memref_slice %arg3[%add3A_321, %mul3A_23, %dma_wait3A_1179] : memref<512x512x128xf32, #tpu.memory_space<hbm>> -> memref<1x128x128xf32, #tpu.memory_space<hbm>>
    %dma_wait3A_1181 = tpu.memref_squeeze %dma_wait3A_1180 : memref<1x128x128xf32, #tpu.memory_space<hbm>> -> memref<128x128xf32, #tpu.memory_space<hbm>>
    %dma_wait3A_1182 = arith.constant 42 : i32
    %dma_wait3A_1183 = arith.constant 0 : i32
    %dma_wait3A_1184 = tpu.memref_slice %arg4[%dma_wait3A_1182, %dma_wait3A_1183] : memref<192x128xf32, #tpu.memory_space<vmem>> -> memref<128x128xf32, #tpu.memory_space<vmem>>
    tpu.wait_dma2 semaphore(%arg5 : memref<!tpu.dma_semaphore, #tpu.memory_space<semaphore_mem>>) src(%dma_wait3A_1184 : memref<128x128xf32, #tpu.memory_space<vmem>>) dst(%dma_wait3A_1181 : memref<128x128xf32, #tpu.memory_space<hbm>>)
    %dma_wait3A_1185 = arith.constant 41 : i32
    %dma_wait3A_1186 = arith.constant 0 : i32
    %dma_wait3A_1187 = tpu.memref_slice %arg4[%dma_wait3A_1185, %dma_wait3A_1186] : memref<192x128xf32, #tpu.memory_space<vmem>> -> memref<128x128xf32, #tpu.memory_space<vmem>>
    %dma_wait3A_1188 = arith.constant 0 : i32
    %dma_wait3A_1189 = tpu.memref_slice %arg3[%add3A_335, %mul3A_23, %dma_wait3A_1188] : memref<512x512x128xf32, #tpu.memory_space<hbm>> -> memref<1x128x128xf32, #tpu.memory_space<hbm>>
    %dma_wait3A_1190 = tpu.memref_squeeze %dma_wait3A_1189 : memref<1x128x128xf32, #tpu.memory_space<hbm>> -> memref<128x128xf32, #tpu.memory_space<hbm>>
    %dma_wait3A_1191 = arith.constant 0 : i32
    %dma_wait3A_1192 = tpu.memref_slice %arg3[%add3A_335, %mul3A_23, %dma_wait3A_1191] : memref<512x512x128xf32, #tpu.memory_space<hbm>> -> memref<1x128x128xf32, #tpu.memory_space<hbm>>
    %dma_wait3A_1193 = tpu.memref_squeeze %dma_wait3A_1192 : memref<1x128x128xf32, #tpu.memory_space<hbm>> -> memref<128x128xf32, #tpu.memory_space<hbm>>
    %dma_wait3A_1194 = arith.constant 41 : i32
    %dma_wait3A_1195 = arith.constant 0 : i32
    %dma_wait3A_1196 = tpu.memref_slice %arg4[%dma_wait3A_1194, %dma_wait3A_1195] : memref<192x128xf32, #tpu.memory_space<vmem>> -> memref<128x128xf32, #tpu.memory_space<vmem>>
    tpu.wait_dma2 semaphore(%arg5 : memref<!tpu.dma_semaphore, #tpu.memory_space<semaphore_mem>>) src(%dma_wait3A_1196 : memref<128x128xf32, #tpu.memory_space<vmem>>) dst(%dma_wait3A_1193 : memref<128x128xf32, #tpu.memory_space<hbm>>)
    %dma_wait3A_1197 = arith.constant 40 : i32
    %dma_wait3A_1198 = arith.constant 0 : i32
    %dma_wait3A_1199 = tpu.memref_slice %arg4[%dma_wait3A_1197, %dma_wait3A_1198] : memref<192x128xf32, #tpu.memory_space<vmem>> -> memref<128x128xf32, #tpu.memory_space<vmem>>
    %dma_wait3A_1200 = arith.constant 0 : i32
    %dma_wait3A_1201 = tpu.memref_slice %arg3[%add3A_349, %mul3A_23, %dma_wait3A_1200] : memref<512x512x128xf32, #tpu.memory_space<hbm>> -> memref<1x128x128xf32, #tpu.memory_space<hbm>>
    %dma_wait3A_1202 = tpu.memref_squeeze %dma_wait3A_1201 : memref<1x128x128xf32, #tpu.memory_space<hbm>> -> memref<128x128xf32, #tpu.memory_space<hbm>>
    %dma_wait3A_1203 = arith.constant 0 : i32
    %dma_wait3A_1204 = tpu.memref_slice %arg3[%add3A_349, %mul3A_23, %dma_wait3A_1203] : memref<512x512x128xf32, #tpu.memory_space<hbm>> -> memref<1x128x128xf32, #tpu.memory_space<hbm>>
    %dma_wait3A_1205 = tpu.memref_squeeze %dma_wait3A_1204 : memref<1x128x128xf32, #tpu.memory_space<hbm>> -> memref<128x128xf32, #tpu.memory_space<hbm>>
    %dma_wait3A_1206 = arith.constant 40 : i32
    %dma_wait3A_1207 = arith.constant 0 : i32
    %dma_wait3A_1208 = tpu.memref_slice %arg4[%dma_wait3A_1206, %dma_wait3A_1207] : memref<192x128xf32, #tpu.memory_space<vmem>> -> memref<128x128xf32, #tpu.memory_space<vmem>>
    tpu.wait_dma2 semaphore(%arg5 : memref<!tpu.dma_semaphore, #tpu.memory_space<semaphore_mem>>) src(%dma_wait3A_1208 : memref<128x128xf32, #tpu.memory_space<vmem>>) dst(%dma_wait3A_1205 : memref<128x128xf32, #tpu.memory_space<hbm>>)
    %dma_wait3A_1209 = arith.constant 39 : i32
    %dma_wait3A_1210 = arith.constant 0 : i32
    %dma_wait3A_1211 = tpu.memref_slice %arg4[%dma_wait3A_1209, %dma_wait3A_1210] : memref<192x128xf32, #tpu.memory_space<vmem>> -> memref<128x128xf32, #tpu.memory_space<vmem>>
    %dma_wait3A_1212 = arith.constant 0 : i32
    %dma_wait3A_1213 = tpu.memref_slice %arg3[%add3A_363, %mul3A_23, %dma_wait3A_1212] : memref<512x512x128xf32, #tpu.memory_space<hbm>> -> memref<1x128x128xf32, #tpu.memory_space<hbm>>
    %dma_wait3A_1214 = tpu.memref_squeeze %dma_wait3A_1213 : memref<1x128x128xf32, #tpu.memory_space<hbm>> -> memref<128x128xf32, #tpu.memory_space<hbm>>
    %dma_wait3A_1215 = arith.constant 0 : i32
    %dma_wait3A_1216 = tpu.memref_slice %arg3[%add3A_363, %mul3A_23, %dma_wait3A_1215] : memref<512x512x128xf32, #tpu.memory_space<hbm>> -> memref<1x128x128xf32, #tpu.memory_space<hbm>>
    %dma_wait3A_1217 = tpu.memref_squeeze %dma_wait3A_1216 : memref<1x128x128xf32, #tpu.memory_space<hbm>> -> memref<128x128xf32, #tpu.memory_space<hbm>>
    %dma_wait3A_1218 = arith.constant 39 : i32
    %dma_wait3A_1219 = arith.constant 0 : i32
    %dma_wait3A_1220 = tpu.memref_slice %arg4[%dma_wait3A_1218, %dma_wait3A_1219] : memref<192x128xf32, #tpu.memory_space<vmem>> -> memref<128x128xf32, #tpu.memory_space<vmem>>
    tpu.wait_dma2 semaphore(%arg5 : memref<!tpu.dma_semaphore, #tpu.memory_space<semaphore_mem>>) src(%dma_wait3A_1220 : memref<128x128xf32, #tpu.memory_space<vmem>>) dst(%dma_wait3A_1217 : memref<128x128xf32, #tpu.memory_space<hbm>>)
    %dma_wait3A_1221 = arith.constant 38 : i32
    %dma_wait3A_1222 = arith.constant 0 : i32
    %dma_wait3A_1223 = tpu.memref_slice %arg4[%dma_wait3A_1221, %dma_wait3A_1222] : memref<192x128xf32, #tpu.memory_space<vmem>> -> memref<128x128xf32, #tpu.memory_space<vmem>>
    %dma_wait3A_1224 = arith.constant 0 : i32
    %dma_wait3A_1225 = tpu.memref_slice %arg3[%add3A_377, %mul3A_23, %dma_wait3A_1224] : memref<512x512x128xf32, #tpu.memory_space<hbm>> -> memref<1x128x128xf32, #tpu.memory_space<hbm>>
    %dma_wait3A_1226 = tpu.memref_squeeze %dma_wait3A_1225 : memref<1x128x128xf32, #tpu.memory_space<hbm>> -> memref<128x128xf32, #tpu.memory_space<hbm>>
    %dma_wait3A_1227 = arith.constant 0 : i32
    %dma_wait3A_1228 = tpu.memref_slice %arg3[%add3A_377, %mul3A_23, %dma_wait3A_1227] : memref<512x512x128xf32, #tpu.memory_space<hbm>> -> memref<1x128x128xf32, #tpu.memory_space<hbm>>
    %dma_wait3A_1229 = tpu.memref_squeeze %dma_wait3A_1228 : memref<1x128x128xf32, #tpu.memory_space<hbm>> -> memref<128x128xf32, #tpu.memory_space<hbm>>
    %dma_wait3A_1230 = arith.constant 38 : i32
    %dma_wait3A_1231 = arith.constant 0 : i32
    %dma_wait3A_1232 = tpu.memref_slice %arg4[%dma_wait3A_1230, %dma_wait3A_1231] : memref<192x128xf32, #tpu.memory_space<vmem>> -> memref<128x128xf32, #tpu.memory_space<vmem>>
    tpu.wait_dma2 semaphore(%arg5 : memref<!tpu.dma_semaphore, #tpu.memory_space<semaphore_mem>>) src(%dma_wait3A_1232 : memref<128x128xf32, #tpu.memory_space<vmem>>) dst(%dma_wait3A_1229 : memref<128x128xf32, #tpu.memory_space<hbm>>)
    %dma_wait3A_1233 = arith.constant 37 : i32
    %dma_wait3A_1234 = arith.constant 0 : i32
    %dma_wait3A_1235 = tpu.memref_slice %arg4[%dma_wait3A_1233, %dma_wait3A_1234] : memref<192x128xf32, #tpu.memory_space<vmem>> -> memref<128x128xf32, #tpu.memory_space<vmem>>
    %dma_wait3A_1236 = arith.constant 0 : i32
    %dma_wait3A_1237 = tpu.memref_slice %arg3[%add3A_391, %mul3A_23, %dma_wait3A_1236] : memref<512x512x128xf32, #tpu.memory_space<hbm>> -> memref<1x128x128xf32, #tpu.memory_space<hbm>>
    %dma_wait3A_1238 = tpu.memref_squeeze %dma_wait3A_1237 : memref<1x128x128xf32, #tpu.memory_space<hbm>> -> memref<128x128xf32, #tpu.memory_space<hbm>>
    %dma_wait3A_1239 = arith.constant 0 : i32
    %dma_wait3A_1240 = tpu.memref_slice %arg3[%add3A_391, %mul3A_23, %dma_wait3A_1239] : memref<512x512x128xf32, #tpu.memory_space<hbm>> -> memref<1x128x128xf32, #tpu.memory_space<hbm>>
    %dma_wait3A_1241 = tpu.memref_squeeze %dma_wait3A_1240 : memref<1x128x128xf32, #tpu.memory_space<hbm>> -> memref<128x128xf32, #tpu.memory_space<hbm>>
    %dma_wait3A_1242 = arith.constant 37 : i32
    %dma_wait3A_1243 = arith.constant 0 : i32
    %dma_wait3A_1244 = tpu.memref_slice %arg4[%dma_wait3A_1242, %dma_wait3A_1243] : memref<192x128xf32, #tpu.memory_space<vmem>> -> memref<128x128xf32, #tpu.memory_space<vmem>>
    tpu.wait_dma2 semaphore(%arg5 : memref<!tpu.dma_semaphore, #tpu.memory_space<semaphore_mem>>) src(%dma_wait3A_1244 : memref<128x128xf32, #tpu.memory_space<vmem>>) dst(%dma_wait3A_1241 : memref<128x128xf32, #tpu.memory_space<hbm>>)
    %dma_wait3A_1245 = arith.constant 36 : i32
    %dma_wait3A_1246 = arith.constant 0 : i32
    %dma_wait3A_1247 = tpu.memref_slice %arg4[%dma_wait3A_1245, %dma_wait3A_1246] : memref<192x128xf32, #tpu.memory_space<vmem>> -> memref<128x128xf32, #tpu.memory_space<vmem>>
    %dma_wait3A_1248 = arith.constant 0 : i32
    %dma_wait3A_1249 = tpu.memref_slice %arg3[%add3A_405, %mul3A_23, %dma_wait3A_1248] : memref<512x512x128xf32, #tpu.memory_space<hbm>> -> memref<1x128x128xf32, #tpu.memory_space<hbm>>
    %dma_wait3A_1250 = tpu.memref_squeeze %dma_wait3A_1249 : memref<1x128x128xf32, #tpu.memory_space<hbm>> -> memref<128x128xf32, #tpu.memory_space<hbm>>
    %dma_wait3A_1251 = arith.constant 0 : i32
    %dma_wait3A_1252 = tpu.memref_slice %arg3[%add3A_405, %mul3A_23, %dma_wait3A_1251] : memref<512x512x128xf32, #tpu.memory_space<hbm>> -> memref<1x128x128xf32, #tpu.memory_space<hbm>>
    %dma_wait3A_1253 = tpu.memref_squeeze %dma_wait3A_1252 : memref<1x128x128xf32, #tpu.memory_space<hbm>> -> memref<128x128xf32, #tpu.memory_space<hbm>>
    %dma_wait3A_1254 = arith.constant 36 : i32
    %dma_wait3A_1255 = arith.constant 0 : i32
    %dma_wait3A_1256 = tpu.memref_slice %arg4[%dma_wait3A_1254, %dma_wait3A_1255] : memref<192x128xf32, #tpu.memory_space<vmem>> -> memref<128x128xf32, #tpu.memory_space<vmem>>
    tpu.wait_dma2 semaphore(%arg5 : memref<!tpu.dma_semaphore, #tpu.memory_space<semaphore_mem>>) src(%dma_wait3A_1256 : memref<128x128xf32, #tpu.memory_space<vmem>>) dst(%dma_wait3A_1253 : memref<128x128xf32, #tpu.memory_space<hbm>>)
    %dma_wait3A_1257 = arith.constant 35 : i32
    %dma_wait3A_1258 = arith.constant 0 : i32
    %dma_wait3A_1259 = tpu.memref_slice %arg4[%dma_wait3A_1257, %dma_wait3A_1258] : memref<192x128xf32, #tpu.memory_space<vmem>> -> memref<128x128xf32, #tpu.memory_space<vmem>>
    %dma_wait3A_1260 = arith.constant 0 : i32
    %dma_wait3A_1261 = tpu.memref_slice %arg3[%add3A_419, %mul3A_23, %dma_wait3A_1260] : memref<512x512x128xf32, #tpu.memory_space<hbm>> -> memref<1x128x128xf32, #tpu.memory_space<hbm>>
    %dma_wait3A_1262 = tpu.memref_squeeze %dma_wait3A_1261 : memref<1x128x128xf32, #tpu.memory_space<hbm>> -> memref<128x128xf32, #tpu.memory_space<hbm>>
    %dma_wait3A_1263 = arith.constant 0 : i32
    %dma_wait3A_1264 = tpu.memref_slice %arg3[%add3A_419, %mul3A_23, %dma_wait3A_1263] : memref<512x512x128xf32, #tpu.memory_space<hbm>> -> memref<1x128x128xf32, #tpu.memory_space<hbm>>
    %dma_wait3A_1265 = tpu.memref_squeeze %dma_wait3A_1264 : memref<1x128x128xf32, #tpu.memory_space<hbm>> -> memref<128x128xf32, #tpu.memory_space<hbm>>
    %dma_wait3A_1266 = arith.constant 35 : i32
    %dma_wait3A_1267 = arith.constant 0 : i32
    %dma_wait3A_1268 = tpu.memref_slice %arg4[%dma_wait3A_1266, %dma_wait3A_1267] : memref<192x128xf32, #tpu.memory_space<vmem>> -> memref<128x128xf32, #tpu.memory_space<vmem>>
    tpu.wait_dma2 semaphore(%arg5 : memref<!tpu.dma_semaphore, #tpu.memory_space<semaphore_mem>>) src(%dma_wait3A_1268 : memref<128x128xf32, #tpu.memory_space<vmem>>) dst(%dma_wait3A_1265 : memref<128x128xf32, #tpu.memory_space<hbm>>)
    %dma_wait3A_1269 = arith.constant 34 : i32
    %dma_wait3A_1270 = arith.constant 0 : i32
    %dma_wait3A_1271 = tpu.memref_slice %arg4[%dma_wait3A_1269, %dma_wait3A_1270] : memref<192x128xf32, #tpu.memory_space<vmem>> -> memref<128x128xf32, #tpu.memory_space<vmem>>
    %dma_wait3A_1272 = arith.constant 0 : i32
    %dma_wait3A_1273 = tpu.memref_slice %arg3[%add3A_433, %mul3A_23, %dma_wait3A_1272] : memref<512x512x128xf32, #tpu.memory_space<hbm>> -> memref<1x128x128xf32, #tpu.memory_space<hbm>>
    %dma_wait3A_1274 = tpu.memref_squeeze %dma_wait3A_1273 : memref<1x128x128xf32, #tpu.memory_space<hbm>> -> memref<128x128xf32, #tpu.memory_space<hbm>>
    %dma_wait3A_1275 = arith.constant 0 : i32
    %dma_wait3A_1276 = tpu.memref_slice %arg3[%add3A_433, %mul3A_23, %dma_wait3A_1275] : memref<512x512x128xf32, #tpu.memory_space<hbm>> -> memref<1x128x128xf32, #tpu.memory_space<hbm>>
    %dma_wait3A_1277 = tpu.memref_squeeze %dma_wait3A_1276 : memref<1x128x128xf32, #tpu.memory_space<hbm>> -> memref<128x128xf32, #tpu.memory_space<hbm>>
    %dma_wait3A_1278 = arith.constant 34 : i32
    %dma_wait3A_1279 = arith.constant 0 : i32
    %dma_wait3A_1280 = tpu.memref_slice %arg4[%dma_wait3A_1278, %dma_wait3A_1279] : memref<192x128xf32, #tpu.memory_space<vmem>> -> memref<128x128xf32, #tpu.memory_space<vmem>>
    tpu.wait_dma2 semaphore(%arg5 : memref<!tpu.dma_semaphore, #tpu.memory_space<semaphore_mem>>) src(%dma_wait3A_1280 : memref<128x128xf32, #tpu.memory_space<vmem>>) dst(%dma_wait3A_1277 : memref<128x128xf32, #tpu.memory_space<hbm>>)
    %dma_wait3A_1281 = arith.constant 33 : i32
    %dma_wait3A_1282 = arith.constant 0 : i32
    %dma_wait3A_1283 = tpu.memref_slice %arg4[%dma_wait3A_1281, %dma_wait3A_1282] : memref<192x128xf32, #tpu.memory_space<vmem>> -> memref<128x128xf32, #tpu.memory_space<vmem>>
    %dma_wait3A_1284 = arith.constant 0 : i32
    %dma_wait3A_1285 = tpu.memref_slice %arg3[%add3A_447, %mul3A_23, %dma_wait3A_1284] : memref<512x512x128xf32, #tpu.memory_space<hbm>> -> memref<1x128x128xf32, #tpu.memory_space<hbm>>
    %dma_wait3A_1286 = tpu.memref_squeeze %dma_wait3A_1285 : memref<1x128x128xf32, #tpu.memory_space<hbm>> -> memref<128x128xf32, #tpu.memory_space<hbm>>
    %dma_wait3A_1287 = arith.constant 0 : i32
    %dma_wait3A_1288 = tpu.memref_slice %arg3[%add3A_447, %mul3A_23, %dma_wait3A_1287] : memref<512x512x128xf32, #tpu.memory_space<hbm>> -> memref<1x128x128xf32, #tpu.memory_space<hbm>>
    %dma_wait3A_1289 = tpu.memref_squeeze %dma_wait3A_1288 : memref<1x128x128xf32, #tpu.memory_space<hbm>> -> memref<128x128xf32, #tpu.memory_space<hbm>>
    %dma_wait3A_1290 = arith.constant 33 : i32
    %dma_wait3A_1291 = arith.constant 0 : i32
    %dma_wait3A_1292 = tpu.memref_slice %arg4[%dma_wait3A_1290, %dma_wait3A_1291] : memref<192x128xf32, #tpu.memory_space<vmem>> -> memref<128x128xf32, #tpu.memory_space<vmem>>
    tpu.wait_dma2 semaphore(%arg5 : memref<!tpu.dma_semaphore, #tpu.memory_space<semaphore_mem>>) src(%dma_wait3A_1292 : memref<128x128xf32, #tpu.memory_space<vmem>>) dst(%dma_wait3A_1289 : memref<128x128xf32, #tpu.memory_space<hbm>>)
    %dma_wait3A_1293 = arith.constant 32 : i32
    %dma_wait3A_1294 = arith.constant 0 : i32
    %dma_wait3A_1295 = tpu.memref_slice %arg4[%dma_wait3A_1293, %dma_wait3A_1294] : memref<192x128xf32, #tpu.memory_space<vmem>> -> memref<128x128xf32, #tpu.memory_space<vmem>>
    %dma_wait3A_1296 = arith.constant 0 : i32
    %dma_wait3A_1297 = tpu.memref_slice %arg3[%add3A_461, %mul3A_23, %dma_wait3A_1296] : memref<512x512x128xf32, #tpu.memory_space<hbm>> -> memref<1x128x128xf32, #tpu.memory_space<hbm>>
    %dma_wait3A_1298 = tpu.memref_squeeze %dma_wait3A_1297 : memref<1x128x128xf32, #tpu.memory_space<hbm>> -> memref<128x128xf32, #tpu.memory_space<hbm>>
    %dma_wait3A_1299 = arith.constant 0 : i32
    %dma_wait3A_1300 = tpu.memref_slice %arg3[%add3A_461, %mul3A_23, %dma_wait3A_1299] : memref<512x512x128xf32, #tpu.memory_space<hbm>> -> memref<1x128x128xf32, #tpu.memory_space<hbm>>
    %dma_wait3A_1301 = tpu.memref_squeeze %dma_wait3A_1300 : memref<1x128x128xf32, #tpu.memory_space<hbm>> -> memref<128x128xf32, #tpu.memory_space<hbm>>
    %dma_wait3A_1302 = arith.constant 32 : i32
    %dma_wait3A_1303 = arith.constant 0 : i32
    %dma_wait3A_1304 = tpu.memref_slice %arg4[%dma_wait3A_1302, %dma_wait3A_1303] : memref<192x128xf32, #tpu.memory_space<vmem>> -> memref<128x128xf32, #tpu.memory_space<vmem>>
    tpu.wait_dma2 semaphore(%arg5 : memref<!tpu.dma_semaphore, #tpu.memory_space<semaphore_mem>>) src(%dma_wait3A_1304 : memref<128x128xf32, #tpu.memory_space<vmem>>) dst(%dma_wait3A_1301 : memref<128x128xf32, #tpu.memory_space<hbm>>)
    %dma_wait3A_1305 = arith.constant 31 : i32
    %dma_wait3A_1306 = arith.constant 0 : i32
    %dma_wait3A_1307 = tpu.memref_slice %arg4[%dma_wait3A_1305, %dma_wait3A_1306] : memref<192x128xf32, #tpu.memory_space<vmem>> -> memref<128x128xf32, #tpu.memory_space<vmem>>
    %dma_wait3A_1308 = arith.constant 0 : i32
    %dma_wait3A_1309 = tpu.memref_slice %arg3[%add3A_475, %mul3A_23, %dma_wait3A_1308] : memref<512x512x128xf32, #tpu.memory_space<hbm>> -> memref<1x128x128xf32, #tpu.memory_space<hbm>>
    %dma_wait3A_1310 = tpu.memref_squeeze %dma_wait3A_1309 : memref<1x128x128xf32, #tpu.memory_space<hbm>> -> memref<128x128xf32, #tpu.memory_space<hbm>>
    %dma_wait3A_1311 = arith.constant 0 : i32
    %dma_wait3A_1312 = tpu.memref_slice %arg3[%add3A_475, %mul3A_23, %dma_wait3A_1311] : memref<512x512x128xf32, #tpu.memory_space<hbm>> -> memref<1x128x128xf32, #tpu.memory_space<hbm>>
    %dma_wait3A_1313 = tpu.memref_squeeze %dma_wait3A_1312 : memref<1x128x128xf32, #tpu.memory_space<hbm>> -> memref<128x128xf32, #tpu.memory_space<hbm>>
    %dma_wait3A_1314 = arith.constant 31 : i32
    %dma_wait3A_1315 = arith.constant 0 : i32
    %dma_wait3A_1316 = tpu.memref_slice %arg4[%dma_wait3A_1314, %dma_wait3A_1315] : memref<192x128xf32, #tpu.memory_space<vmem>> -> memref<128x128xf32, #tpu.memory_space<vmem>>
    tpu.wait_dma2 semaphore(%arg5 : memref<!tpu.dma_semaphore, #tpu.memory_space<semaphore_mem>>) src(%dma_wait3A_1316 : memref<128x128xf32, #tpu.memory_space<vmem>>) dst(%dma_wait3A_1313 : memref<128x128xf32, #tpu.memory_space<hbm>>)
    %dma_wait3A_1317 = arith.constant 30 : i32
    %dma_wait3A_1318 = arith.constant 0 : i32
    %dma_wait3A_1319 = tpu.memref_slice %arg4[%dma_wait3A_1317, %dma_wait3A_1318] : memref<192x128xf32, #tpu.memory_space<vmem>> -> memref<128x128xf32, #tpu.memory_space<vmem>>
    %dma_wait3A_1320 = arith.constant 0 : i32
    %dma_wait3A_1321 = tpu.memref_slice %arg3[%add3A_489, %mul3A_23, %dma_wait3A_1320] : memref<512x512x128xf32, #tpu.memory_space<hbm>> -> memref<1x128x128xf32, #tpu.memory_space<hbm>>
    %dma_wait3A_1322 = tpu.memref_squeeze %dma_wait3A_1321 : memref<1x128x128xf32, #tpu.memory_space<hbm>> -> memref<128x128xf32, #tpu.memory_space<hbm>>
    %dma_wait3A_1323 = arith.constant 0 : i32
    %dma_wait3A_1324 = tpu.memref_slice %arg3[%add3A_489, %mul3A_23, %dma_wait3A_1323] : memref<512x512x128xf32, #tpu.memory_space<hbm>> -> memref<1x128x128xf32, #tpu.memory_space<hbm>>
    %dma_wait3A_1325 = tpu.memref_squeeze %dma_wait3A_1324 : memref<1x128x128xf32, #tpu.memory_space<hbm>> -> memref<128x128xf32, #tpu.memory_space<hbm>>
    %dma_wait3A_1326 = arith.constant 30 : i32
    %dma_wait3A_1327 = arith.constant 0 : i32
    %dma_wait3A_1328 = tpu.memref_slice %arg4[%dma_wait3A_1326, %dma_wait3A_1327] : memref<192x128xf32, #tpu.memory_space<vmem>> -> memref<128x128xf32, #tpu.memory_space<vmem>>
    tpu.wait_dma2 semaphore(%arg5 : memref<!tpu.dma_semaphore, #tpu.memory_space<semaphore_mem>>) src(%dma_wait3A_1328 : memref<128x128xf32, #tpu.memory_space<vmem>>) dst(%dma_wait3A_1325 : memref<128x128xf32, #tpu.memory_space<hbm>>)
    %dma_wait3A_1329 = arith.constant 29 : i32
    %dma_wait3A_1330 = arith.constant 0 : i32
    %dma_wait3A_1331 = tpu.memref_slice %arg4[%dma_wait3A_1329, %dma_wait3A_1330] : memref<192x128xf32, #tpu.memory_space<vmem>> -> memref<128x128xf32, #tpu.memory_space<vmem>>
    %dma_wait3A_1332 = arith.constant 0 : i32
    %dma_wait3A_1333 = tpu.memref_slice %arg3[%add3A_503, %mul3A_23, %dma_wait3A_1332] : memref<512x512x128xf32, #tpu.memory_space<hbm>> -> memref<1x128x128xf32, #tpu.memory_space<hbm>>
    %dma_wait3A_1334 = tpu.memref_squeeze %dma_wait3A_1333 : memref<1x128x128xf32, #tpu.memory_space<hbm>> -> memref<128x128xf32, #tpu.memory_space<hbm>>
    %dma_wait3A_1335 = arith.constant 0 : i32
    %dma_wait3A_1336 = tpu.memref_slice %arg3[%add3A_503, %mul3A_23, %dma_wait3A_1335] : memref<512x512x128xf32, #tpu.memory_space<hbm>> -> memref<1x128x128xf32, #tpu.memory_space<hbm>>
    %dma_wait3A_1337 = tpu.memref_squeeze %dma_wait3A_1336 : memref<1x128x128xf32, #tpu.memory_space<hbm>> -> memref<128x128xf32, #tpu.memory_space<hbm>>
    %dma_wait3A_1338 = arith.constant 29 : i32
    %dma_wait3A_1339 = arith.constant 0 : i32
    %dma_wait3A_1340 = tpu.memref_slice %arg4[%dma_wait3A_1338, %dma_wait3A_1339] : memref<192x128xf32, #tpu.memory_space<vmem>> -> memref<128x128xf32, #tpu.memory_space<vmem>>
    tpu.wait_dma2 semaphore(%arg5 : memref<!tpu.dma_semaphore, #tpu.memory_space<semaphore_mem>>) src(%dma_wait3A_1340 : memref<128x128xf32, #tpu.memory_space<vmem>>) dst(%dma_wait3A_1337 : memref<128x128xf32, #tpu.memory_space<hbm>>)
    %dma_wait3A_1341 = arith.constant 28 : i32
    %dma_wait3A_1342 = arith.constant 0 : i32
    %dma_wait3A_1343 = tpu.memref_slice %arg4[%dma_wait3A_1341, %dma_wait3A_1342] : memref<192x128xf32, #tpu.memory_space<vmem>> -> memref<128x128xf32, #tpu.memory_space<vmem>>
    %dma_wait3A_1344 = arith.constant 0 : i32
    %dma_wait3A_1345 = tpu.memref_slice %arg3[%add3A_517, %mul3A_23, %dma_wait3A_1344] : memref<512x512x128xf32, #tpu.memory_space<hbm>> -> memref<1x128x128xf32, #tpu.memory_space<hbm>>
    %dma_wait3A_1346 = tpu.memref_squeeze %dma_wait3A_1345 : memref<1x128x128xf32, #tpu.memory_space<hbm>> -> memref<128x128xf32, #tpu.memory_space<hbm>>
    %dma_wait3A_1347 = arith.constant 0 : i32
    %dma_wait3A_1348 = tpu.memref_slice %arg3[%add3A_517, %mul3A_23, %dma_wait3A_1347] : memref<512x512x128xf32, #tpu.memory_space<hbm>> -> memref<1x128x128xf32, #tpu.memory_space<hbm>>
    %dma_wait3A_1349 = tpu.memref_squeeze %dma_wait3A_1348 : memref<1x128x128xf32, #tpu.memory_space<hbm>> -> memref<128x128xf32, #tpu.memory_space<hbm>>
    %dma_wait3A_1350 = arith.constant 28 : i32
    %dma_wait3A_1351 = arith.constant 0 : i32
    %dma_wait3A_1352 = tpu.memref_slice %arg4[%dma_wait3A_1350, %dma_wait3A_1351] : memref<192x128xf32, #tpu.memory_space<vmem>> -> memref<128x128xf32, #tpu.memory_space<vmem>>
    tpu.wait_dma2 semaphore(%arg5 : memref<!tpu.dma_semaphore, #tpu.memory_space<semaphore_mem>>) src(%dma_wait3A_1352 : memref<128x128xf32, #tpu.memory_space<vmem>>) dst(%dma_wait3A_1349 : memref<128x128xf32, #tpu.memory_space<hbm>>)
    %dma_wait3A_1353 = arith.constant 27 : i32
    %dma_wait3A_1354 = arith.constant 0 : i32
    %dma_wait3A_1355 = tpu.memref_slice %arg4[%dma_wait3A_1353, %dma_wait3A_1354] : memref<192x128xf32, #tpu.memory_space<vmem>> -> memref<128x128xf32, #tpu.memory_space<vmem>>
    %dma_wait3A_1356 = arith.constant 0 : i32
    %dma_wait3A_1357 = tpu.memref_slice %arg3[%add3A_531, %mul3A_23, %dma_wait3A_1356] : memref<512x512x128xf32, #tpu.memory_space<hbm>> -> memref<1x128x128xf32, #tpu.memory_space<hbm>>
    %dma_wait3A_1358 = tpu.memref_squeeze %dma_wait3A_1357 : memref<1x128x128xf32, #tpu.memory_space<hbm>> -> memref<128x128xf32, #tpu.memory_space<hbm>>
    %dma_wait3A_1359 = arith.constant 0 : i32
    %dma_wait3A_1360 = tpu.memref_slice %arg3[%add3A_531, %mul3A_23, %dma_wait3A_1359] : memref<512x512x128xf32, #tpu.memory_space<hbm>> -> memref<1x128x128xf32, #tpu.memory_space<hbm>>
    %dma_wait3A_1361 = tpu.memref_squeeze %dma_wait3A_1360 : memref<1x128x128xf32, #tpu.memory_space<hbm>> -> memref<128x128xf32, #tpu.memory_space<hbm>>
    %dma_wait3A_1362 = arith.constant 27 : i32
    %dma_wait3A_1363 = arith.constant 0 : i32
    %dma_wait3A_1364 = tpu.memref_slice %arg4[%dma_wait3A_1362, %dma_wait3A_1363] : memref<192x128xf32, #tpu.memory_space<vmem>> -> memref<128x128xf32, #tpu.memory_space<vmem>>
    tpu.wait_dma2 semaphore(%arg5 : memref<!tpu.dma_semaphore, #tpu.memory_space<semaphore_mem>>) src(%dma_wait3A_1364 : memref<128x128xf32, #tpu.memory_space<vmem>>) dst(%dma_wait3A_1361 : memref<128x128xf32, #tpu.memory_space<hbm>>)
    %dma_wait3A_1365 = arith.constant 26 : i32
    %dma_wait3A_1366 = arith.constant 0 : i32
    %dma_wait3A_1367 = tpu.memref_slice %arg4[%dma_wait3A_1365, %dma_wait3A_1366] : memref<192x128xf32, #tpu.memory_space<vmem>> -> memref<128x128xf32, #tpu.memory_space<vmem>>
    %dma_wait3A_1368 = arith.constant 0 : i32
    %dma_wait3A_1369 = tpu.memref_slice %arg3[%add3A_545, %mul3A_23, %dma_wait3A_1368] : memref<512x512x128xf32, #tpu.memory_space<hbm>> -> memref<1x128x128xf32, #tpu.memory_space<hbm>>
    %dma_wait3A_1370 = tpu.memref_squeeze %dma_wait3A_1369 : memref<1x128x128xf32, #tpu.memory_space<hbm>> -> memref<128x128xf32, #tpu.memory_space<hbm>>
    %dma_wait3A_1371 = arith.constant 0 : i32
    %dma_wait3A_1372 = tpu.memref_slice %arg3[%add3A_545, %mul3A_23, %dma_wait3A_1371] : memref<512x512x128xf32, #tpu.memory_space<hbm>> -> memref<1x128x128xf32, #tpu.memory_space<hbm>>
    %dma_wait3A_1373 = tpu.memref_squeeze %dma_wait3A_1372 : memref<1x128x128xf32, #tpu.memory_space<hbm>> -> memref<128x128xf32, #tpu.memory_space<hbm>>
    %dma_wait3A_1374 = arith.constant 26 : i32
    %dma_wait3A_1375 = arith.constant 0 : i32
    %dma_wait3A_1376 = tpu.memref_slice %arg4[%dma_wait3A_1374, %dma_wait3A_1375] : memref<192x128xf32, #tpu.memory_space<vmem>> -> memref<128x128xf32, #tpu.memory_space<vmem>>
    tpu.wait_dma2 semaphore(%arg5 : memref<!tpu.dma_semaphore, #tpu.memory_space<semaphore_mem>>) src(%dma_wait3A_1376 : memref<128x128xf32, #tpu.memory_space<vmem>>) dst(%dma_wait3A_1373 : memref<128x128xf32, #tpu.memory_space<hbm>>)
    %dma_wait3A_1377 = arith.constant 25 : i32
    %dma_wait3A_1378 = arith.constant 0 : i32
    %dma_wait3A_1379 = tpu.memref_slice %arg4[%dma_wait3A_1377, %dma_wait3A_1378] : memref<192x128xf32, #tpu.memory_space<vmem>> -> memref<128x128xf32, #tpu.memory_space<vmem>>
    %dma_wait3A_1380 = arith.constant 0 : i32
    %dma_wait3A_1381 = tpu.memref_slice %arg3[%add3A_559, %mul3A_23, %dma_wait3A_1380] : memref<512x512x128xf32, #tpu.memory_space<hbm>> -> memref<1x128x128xf32, #tpu.memory_space<hbm>>
    %dma_wait3A_1382 = tpu.memref_squeeze %dma_wait3A_1381 : memref<1x128x128xf32, #tpu.memory_space<hbm>> -> memref<128x128xf32, #tpu.memory_space<hbm>>
    %dma_wait3A_1383 = arith.constant 0 : i32
    %dma_wait3A_1384 = tpu.memref_slice %arg3[%add3A_559, %mul3A_23, %dma_wait3A_1383] : memref<512x512x128xf32, #tpu.memory_space<hbm>> -> memref<1x128x128xf32, #tpu.memory_space<hbm>>
    %dma_wait3A_1385 = tpu.memref_squeeze %dma_wait3A_1384 : memref<1x128x128xf32, #tpu.memory_space<hbm>> -> memref<128x128xf32, #tpu.memory_space<hbm>>
    %dma_wait3A_1386 = arith.constant 25 : i32
    %dma_wait3A_1387 = arith.constant 0 : i32
    %dma_wait3A_1388 = tpu.memref_slice %arg4[%dma_wait3A_1386, %dma_wait3A_1387] : memref<192x128xf32, #tpu.memory_space<vmem>> -> memref<128x128xf32, #tpu.memory_space<vmem>>
    tpu.wait_dma2 semaphore(%arg5 : memref<!tpu.dma_semaphore, #tpu.memory_space<semaphore_mem>>) src(%dma_wait3A_1388 : memref<128x128xf32, #tpu.memory_space<vmem>>) dst(%dma_wait3A_1385 : memref<128x128xf32, #tpu.memory_space<hbm>>)
    %dma_wait3A_1389 = arith.constant 24 : i32
    %dma_wait3A_1390 = arith.constant 0 : i32
    %dma_wait3A_1391 = tpu.memref_slice %arg4[%dma_wait3A_1389, %dma_wait3A_1390] : memref<192x128xf32, #tpu.memory_space<vmem>> -> memref<128x128xf32, #tpu.memory_space<vmem>>
    %dma_wait3A_1392 = arith.constant 0 : i32
    %dma_wait3A_1393 = tpu.memref_slice %arg3[%add3A_573, %mul3A_23, %dma_wait3A_1392] : memref<512x512x128xf32, #tpu.memory_space<hbm>> -> memref<1x128x128xf32, #tpu.memory_space<hbm>>
    %dma_wait3A_1394 = tpu.memref_squeeze %dma_wait3A_1393 : memref<1x128x128xf32, #tpu.memory_space<hbm>> -> memref<128x128xf32, #tpu.memory_space<hbm>>
    %dma_wait3A_1395 = arith.constant 0 : i32
    %dma_wait3A_1396 = tpu.memref_slice %arg3[%add3A_573, %mul3A_23, %dma_wait3A_1395] : memref<512x512x128xf32, #tpu.memory_space<hbm>> -> memref<1x128x128xf32, #tpu.memory_space<hbm>>
    %dma_wait3A_1397 = tpu.memref_squeeze %dma_wait3A_1396 : memref<1x128x128xf32, #tpu.memory_space<hbm>> -> memref<128x128xf32, #tpu.memory_space<hbm>>
    %dma_wait3A_1398 = arith.constant 24 : i32
    %dma_wait3A_1399 = arith.constant 0 : i32
    %dma_wait3A_1400 = tpu.memref_slice %arg4[%dma_wait3A_1398, %dma_wait3A_1399] : memref<192x128xf32, #tpu.memory_space<vmem>> -> memref<128x128xf32, #tpu.memory_space<vmem>>
    tpu.wait_dma2 semaphore(%arg5 : memref<!tpu.dma_semaphore, #tpu.memory_space<semaphore_mem>>) src(%dma_wait3A_1400 : memref<128x128xf32, #tpu.memory_space<vmem>>) dst(%dma_wait3A_1397 : memref<128x128xf32, #tpu.memory_space<hbm>>)
    %dma_wait3A_1401 = arith.constant 23 : i32
    %dma_wait3A_1402 = arith.constant 0 : i32
    %dma_wait3A_1403 = tpu.memref_slice %arg4[%dma_wait3A_1401, %dma_wait3A_1402] : memref<192x128xf32, #tpu.memory_space<vmem>> -> memref<128x128xf32, #tpu.memory_space<vmem>>
    %dma_wait3A_1404 = arith.constant 0 : i32
    %dma_wait3A_1405 = tpu.memref_slice %arg3[%add3A_587, %mul3A_23, %dma_wait3A_1404] : memref<512x512x128xf32, #tpu.memory_space<hbm>> -> memref<1x128x128xf32, #tpu.memory_space<hbm>>
    %dma_wait3A_1406 = tpu.memref_squeeze %dma_wait3A_1405 : memref<1x128x128xf32, #tpu.memory_space<hbm>> -> memref<128x128xf32, #tpu.memory_space<hbm>>
    %dma_wait3A_1407 = arith.constant 0 : i32
    %dma_wait3A_1408 = tpu.memref_slice %arg3[%add3A_587, %mul3A_23, %dma_wait3A_1407] : memref<512x512x128xf32, #tpu.memory_space<hbm>> -> memref<1x128x128xf32, #tpu.memory_space<hbm>>
    %dma_wait3A_1409 = tpu.memref_squeeze %dma_wait3A_1408 : memref<1x128x128xf32, #tpu.memory_space<hbm>> -> memref<128x128xf32, #tpu.memory_space<hbm>>
    %dma_wait3A_1410 = arith.constant 23 : i32
    %dma_wait3A_1411 = arith.constant 0 : i32
    %dma_wait3A_1412 = tpu.memref_slice %arg4[%dma_wait3A_1410, %dma_wait3A_1411] : memref<192x128xf32, #tpu.memory_space<vmem>> -> memref<128x128xf32, #tpu.memory_space<vmem>>
    tpu.wait_dma2 semaphore(%arg5 : memref<!tpu.dma_semaphore, #tpu.memory_space<semaphore_mem>>) src(%dma_wait3A_1412 : memref<128x128xf32, #tpu.memory_space<vmem>>) dst(%dma_wait3A_1409 : memref<128x128xf32, #tpu.memory_space<hbm>>)
    %dma_wait3A_1413 = arith.constant 22 : i32
    %dma_wait3A_1414 = arith.constant 0 : i32
    %dma_wait3A_1415 = tpu.memref_slice %arg4[%dma_wait3A_1413, %dma_wait3A_1414] : memref<192x128xf32, #tpu.memory_space<vmem>> -> memref<128x128xf32, #tpu.memory_space<vmem>>
    %dma_wait3A_1416 = arith.constant 0 : i32
    %dma_wait3A_1417 = tpu.memref_slice %arg3[%add3A_601, %mul3A_23, %dma_wait3A_1416] : memref<512x512x128xf32, #tpu.memory_space<hbm>> -> memref<1x128x128xf32, #tpu.memory_space<hbm>>
    %dma_wait3A_1418 = tpu.memref_squeeze %dma_wait3A_1417 : memref<1x128x128xf32, #tpu.memory_space<hbm>> -> memref<128x128xf32, #tpu.memory_space<hbm>>
    %dma_wait3A_1419 = arith.constant 0 : i32
    %dma_wait3A_1420 = tpu.memref_slice %arg3[%add3A_601, %mul3A_23, %dma_wait3A_1419] : memref<512x512x128xf32, #tpu.memory_space<hbm>> -> memref<1x128x128xf32, #tpu.memory_space<hbm>>
    %dma_wait3A_1421 = tpu.memref_squeeze %dma_wait3A_1420 : memref<1x128x128xf32, #tpu.memory_space<hbm>> -> memref<128x128xf32, #tpu.memory_space<hbm>>
    %dma_wait3A_1422 = arith.constant 22 : i32
    %dma_wait3A_1423 = arith.constant 0 : i32
    %dma_wait3A_1424 = tpu.memref_slice %arg4[%dma_wait3A_1422, %dma_wait3A_1423] : memref<192x128xf32, #tpu.memory_space<vmem>> -> memref<128x128xf32, #tpu.memory_space<vmem>>
    tpu.wait_dma2 semaphore(%arg5 : memref<!tpu.dma_semaphore, #tpu.memory_space<semaphore_mem>>) src(%dma_wait3A_1424 : memref<128x128xf32, #tpu.memory_space<vmem>>) dst(%dma_wait3A_1421 : memref<128x128xf32, #tpu.memory_space<hbm>>)
    %dma_wait3A_1425 = arith.constant 21 : i32
    %dma_wait3A_1426 = arith.constant 0 : i32
    %dma_wait3A_1427 = tpu.memref_slice %arg4[%dma_wait3A_1425, %dma_wait3A_1426] : memref<192x128xf32, #tpu.memory_space<vmem>> -> memref<128x128xf32, #tpu.memory_space<vmem>>
    %dma_wait3A_1428 = arith.constant 0 : i32
    %dma_wait3A_1429 = tpu.memref_slice %arg3[%add3A_615, %mul3A_23, %dma_wait3A_1428] : memref<512x512x128xf32, #tpu.memory_space<hbm>> -> memref<1x128x128xf32, #tpu.memory_space<hbm>>
    %dma_wait3A_1430 = tpu.memref_squeeze %dma_wait3A_1429 : memref<1x128x128xf32, #tpu.memory_space<hbm>> -> memref<128x128xf32, #tpu.memory_space<hbm>>
    %dma_wait3A_1431 = arith.constant 0 : i32
    %dma_wait3A_1432 = tpu.memref_slice %arg3[%add3A_615, %mul3A_23, %dma_wait3A_1431] : memref<512x512x128xf32, #tpu.memory_space<hbm>> -> memref<1x128x128xf32, #tpu.memory_space<hbm>>
    %dma_wait3A_1433 = tpu.memref_squeeze %dma_wait3A_1432 : memref<1x128x128xf32, #tpu.memory_space<hbm>> -> memref<128x128xf32, #tpu.memory_space<hbm>>
    %dma_wait3A_1434 = arith.constant 21 : i32
    %dma_wait3A_1435 = arith.constant 0 : i32
    %dma_wait3A_1436 = tpu.memref_slice %arg4[%dma_wait3A_1434, %dma_wait3A_1435] : memref<192x128xf32, #tpu.memory_space<vmem>> -> memref<128x128xf32, #tpu.memory_space<vmem>>
    tpu.wait_dma2 semaphore(%arg5 : memref<!tpu.dma_semaphore, #tpu.memory_space<semaphore_mem>>) src(%dma_wait3A_1436 : memref<128x128xf32, #tpu.memory_space<vmem>>) dst(%dma_wait3A_1433 : memref<128x128xf32, #tpu.memory_space<hbm>>)
    %dma_wait3A_1437 = arith.constant 20 : i32
    %dma_wait3A_1438 = arith.constant 0 : i32
    %dma_wait3A_1439 = tpu.memref_slice %arg4[%dma_wait3A_1437, %dma_wait3A_1438] : memref<192x128xf32, #tpu.memory_space<vmem>> -> memref<128x128xf32, #tpu.memory_space<vmem>>
    %dma_wait3A_1440 = arith.constant 0 : i32
    %dma_wait3A_1441 = tpu.memref_slice %arg3[%add3A_629, %mul3A_23, %dma_wait3A_1440] : memref<512x512x128xf32, #tpu.memory_space<hbm>> -> memref<1x128x128xf32, #tpu.memory_space<hbm>>
    %dma_wait3A_1442 = tpu.memref_squeeze %dma_wait3A_1441 : memref<1x128x128xf32, #tpu.memory_space<hbm>> -> memref<128x128xf32, #tpu.memory_space<hbm>>
    %dma_wait3A_1443 = arith.constant 0 : i32
    %dma_wait3A_1444 = tpu.memref_slice %arg3[%add3A_629, %mul3A_23, %dma_wait3A_1443] : memref<512x512x128xf32, #tpu.memory_space<hbm>> -> memref<1x128x128xf32, #tpu.memory_space<hbm>>
    %dma_wait3A_1445 = tpu.memref_squeeze %dma_wait3A_1444 : memref<1x128x128xf32, #tpu.memory_space<hbm>> -> memref<128x128xf32, #tpu.memory_space<hbm>>
    %dma_wait3A_1446 = arith.constant 20 : i32
    %dma_wait3A_1447 = arith.constant 0 : i32
    %dma_wait3A_1448 = tpu.memref_slice %arg4[%dma_wait3A_1446, %dma_wait3A_1447] : memref<192x128xf32, #tpu.memory_space<vmem>> -> memref<128x128xf32, #tpu.memory_space<vmem>>
    tpu.wait_dma2 semaphore(%arg5 : memref<!tpu.dma_semaphore, #tpu.memory_space<semaphore_mem>>) src(%dma_wait3A_1448 : memref<128x128xf32, #tpu.memory_space<vmem>>) dst(%dma_wait3A_1445 : memref<128x128xf32, #tpu.memory_space<hbm>>)
    %dma_wait3A_1449 = arith.constant 19 : i32
    %dma_wait3A_1450 = arith.constant 0 : i32
    %dma_wait3A_1451 = tpu.memref_slice %arg4[%dma_wait3A_1449, %dma_wait3A_1450] : memref<192x128xf32, #tpu.memory_space<vmem>> -> memref<128x128xf32, #tpu.memory_space<vmem>>
    %dma_wait3A_1452 = arith.constant 0 : i32
    %dma_wait3A_1453 = tpu.memref_slice %arg3[%add3A_643, %mul3A_23, %dma_wait3A_1452] : memref<512x512x128xf32, #tpu.memory_space<hbm>> -> memref<1x128x128xf32, #tpu.memory_space<hbm>>
    %dma_wait3A_1454 = tpu.memref_squeeze %dma_wait3A_1453 : memref<1x128x128xf32, #tpu.memory_space<hbm>> -> memref<128x128xf32, #tpu.memory_space<hbm>>
    %dma_wait3A_1455 = arith.constant 0 : i32
    %dma_wait3A_1456 = tpu.memref_slice %arg3[%add3A_643, %mul3A_23, %dma_wait3A_1455] : memref<512x512x128xf32, #tpu.memory_space<hbm>> -> memref<1x128x128xf32, #tpu.memory_space<hbm>>
    %dma_wait3A_1457 = tpu.memref_squeeze %dma_wait3A_1456 : memref<1x128x128xf32, #tpu.memory_space<hbm>> -> memref<128x128xf32, #tpu.memory_space<hbm>>
    %dma_wait3A_1458 = arith.constant 19 : i32
    %dma_wait3A_1459 = arith.constant 0 : i32
    %dma_wait3A_1460 = tpu.memref_slice %arg4[%dma_wait3A_1458, %dma_wait3A_1459] : memref<192x128xf32, #tpu.memory_space<vmem>> -> memref<128x128xf32, #tpu.memory_space<vmem>>
    tpu.wait_dma2 semaphore(%arg5 : memref<!tpu.dma_semaphore, #tpu.memory_space<semaphore_mem>>) src(%dma_wait3A_1460 : memref<128x128xf32, #tpu.memory_space<vmem>>) dst(%dma_wait3A_1457 : memref<128x128xf32, #tpu.memory_space<hbm>>)
    %dma_wait3A_1461 = arith.constant 18 : i32
    %dma_wait3A_1462 = arith.constant 0 : i32
    %dma_wait3A_1463 = tpu.memref_slice %arg4[%dma_wait3A_1461, %dma_wait3A_1462] : memref<192x128xf32, #tpu.memory_space<vmem>> -> memref<128x128xf32, #tpu.memory_space<vmem>>
    %dma_wait3A_1464 = arith.constant 0 : i32
    %dma_wait3A_1465 = tpu.memref_slice %arg3[%add3A_657, %mul3A_23, %dma_wait3A_1464] : memref<512x512x128xf32, #tpu.memory_space<hbm>> -> memref<1x128x128xf32, #tpu.memory_space<hbm>>
    %dma_wait3A_1466 = tpu.memref_squeeze %dma_wait3A_1465 : memref<1x128x128xf32, #tpu.memory_space<hbm>> -> memref<128x128xf32, #tpu.memory_space<hbm>>
    %dma_wait3A_1467 = arith.constant 0 : i32
    %dma_wait3A_1468 = tpu.memref_slice %arg3[%add3A_657, %mul3A_23, %dma_wait3A_1467] : memref<512x512x128xf32, #tpu.memory_space<hbm>> -> memref<1x128x128xf32, #tpu.memory_space<hbm>>
    %dma_wait3A_1469 = tpu.memref_squeeze %dma_wait3A_1468 : memref<1x128x128xf32, #tpu.memory_space<hbm>> -> memref<128x128xf32, #tpu.memory_space<hbm>>
    %dma_wait3A_1470 = arith.constant 18 : i32
    %dma_wait3A_1471 = arith.constant 0 : i32
    %dma_wait3A_1472 = tpu.memref_slice %arg4[%dma_wait3A_1470, %dma_wait3A_1471] : memref<192x128xf32, #tpu.memory_space<vmem>> -> memref<128x128xf32, #tpu.memory_space<vmem>>
    tpu.wait_dma2 semaphore(%arg5 : memref<!tpu.dma_semaphore, #tpu.memory_space<semaphore_mem>>) src(%dma_wait3A_1472 : memref<128x128xf32, #tpu.memory_space<vmem>>) dst(%dma_wait3A_1469 : memref<128x128xf32, #tpu.memory_space<hbm>>)
    %dma_wait3A_1473 = arith.constant 17 : i32
    %dma_wait3A_1474 = arith.constant 0 : i32
    %dma_wait3A_1475 = tpu.memref_slice %arg4[%dma_wait3A_1473, %dma_wait3A_1474] : memref<192x128xf32, #tpu.memory_space<vmem>> -> memref<128x128xf32, #tpu.memory_space<vmem>>
    %dma_wait3A_1476 = arith.constant 0 : i32
    %dma_wait3A_1477 = tpu.memref_slice %arg3[%add3A_671, %mul3A_23, %dma_wait3A_1476] : memref<512x512x128xf32, #tpu.memory_space<hbm>> -> memref<1x128x128xf32, #tpu.memory_space<hbm>>
    %dma_wait3A_1478 = tpu.memref_squeeze %dma_wait3A_1477 : memref<1x128x128xf32, #tpu.memory_space<hbm>> -> memref<128x128xf32, #tpu.memory_space<hbm>>
    %dma_wait3A_1479 = arith.constant 0 : i32
    %dma_wait3A_1480 = tpu.memref_slice %arg3[%add3A_671, %mul3A_23, %dma_wait3A_1479] : memref<512x512x128xf32, #tpu.memory_space<hbm>> -> memref<1x128x128xf32, #tpu.memory_space<hbm>>
    %dma_wait3A_1481 = tpu.memref_squeeze %dma_wait3A_1480 : memref<1x128x128xf32, #tpu.memory_space<hbm>> -> memref<128x128xf32, #tpu.memory_space<hbm>>
    %dma_wait3A_1482 = arith.constant 17 : i32
    %dma_wait3A_1483 = arith.constant 0 : i32
    %dma_wait3A_1484 = tpu.memref_slice %arg4[%dma_wait3A_1482, %dma_wait3A_1483] : memref<192x128xf32, #tpu.memory_space<vmem>> -> memref<128x128xf32, #tpu.memory_space<vmem>>
    tpu.wait_dma2 semaphore(%arg5 : memref<!tpu.dma_semaphore, #tpu.memory_space<semaphore_mem>>) src(%dma_wait3A_1484 : memref<128x128xf32, #tpu.memory_space<vmem>>) dst(%dma_wait3A_1481 : memref<128x128xf32, #tpu.memory_space<hbm>>)
    %dma_wait3A_1485 = arith.constant 16 : i32
    %dma_wait3A_1486 = arith.constant 0 : i32
    %dma_wait3A_1487 = tpu.memref_slice %arg4[%dma_wait3A_1485, %dma_wait3A_1486] : memref<192x128xf32, #tpu.memory_space<vmem>> -> memref<128x128xf32, #tpu.memory_space<vmem>>
    %dma_wait3A_1488 = arith.constant 0 : i32
    %dma_wait3A_1489 = tpu.memref_slice %arg3[%add3A_685, %mul3A_23, %dma_wait3A_1488] : memref<512x512x128xf32, #tpu.memory_space<hbm>> -> memref<1x128x128xf32, #tpu.memory_space<hbm>>
    %dma_wait3A_1490 = tpu.memref_squeeze %dma_wait3A_1489 : memref<1x128x128xf32, #tpu.memory_space<hbm>> -> memref<128x128xf32, #tpu.memory_space<hbm>>
    %dma_wait3A_1491 = arith.constant 0 : i32
    %dma_wait3A_1492 = tpu.memref_slice %arg3[%add3A_685, %mul3A_23, %dma_wait3A_1491] : memref<512x512x128xf32, #tpu.memory_space<hbm>> -> memref<1x128x128xf32, #tpu.memory_space<hbm>>
    %dma_wait3A_1493 = tpu.memref_squeeze %dma_wait3A_1492 : memref<1x128x128xf32, #tpu.memory_space<hbm>> -> memref<128x128xf32, #tpu.memory_space<hbm>>
    %dma_wait3A_1494 = arith.constant 16 : i32
    %dma_wait3A_1495 = arith.constant 0 : i32
    %dma_wait3A_1496 = tpu.memref_slice %arg4[%dma_wait3A_1494, %dma_wait3A_1495] : memref<192x128xf32, #tpu.memory_space<vmem>> -> memref<128x128xf32, #tpu.memory_space<vmem>>
    tpu.wait_dma2 semaphore(%arg5 : memref<!tpu.dma_semaphore, #tpu.memory_space<semaphore_mem>>) src(%dma_wait3A_1496 : memref<128x128xf32, #tpu.memory_space<vmem>>) dst(%dma_wait3A_1493 : memref<128x128xf32, #tpu.memory_space<hbm>>)
    %dma_wait3A_1497 = arith.constant 15 : i32
    %dma_wait3A_1498 = arith.constant 0 : i32
    %dma_wait3A_1499 = tpu.memref_slice %arg4[%dma_wait3A_1497, %dma_wait3A_1498] : memref<192x128xf32, #tpu.memory_space<vmem>> -> memref<128x128xf32, #tpu.memory_space<vmem>>
    %dma_wait3A_1500 = arith.constant 0 : i32
    %dma_wait3A_1501 = tpu.memref_slice %arg3[%add3A_699, %mul3A_23, %dma_wait3A_1500] : memref<512x512x128xf32, #tpu.memory_space<hbm>> -> memref<1x128x128xf32, #tpu.memory_space<hbm>>
    %dma_wait3A_1502 = tpu.memref_squeeze %dma_wait3A_1501 : memref<1x128x128xf32, #tpu.memory_space<hbm>> -> memref<128x128xf32, #tpu.memory_space<hbm>>
    %dma_wait3A_1503 = arith.constant 0 : i32
    %dma_wait3A_1504 = tpu.memref_slice %arg3[%add3A_699, %mul3A_23, %dma_wait3A_1503] : memref<512x512x128xf32, #tpu.memory_space<hbm>> -> memref<1x128x128xf32, #tpu.memory_space<hbm>>
    %dma_wait3A_1505 = tpu.memref_squeeze %dma_wait3A_1504 : memref<1x128x128xf32, #tpu.memory_space<hbm>> -> memref<128x128xf32, #tpu.memory_space<hbm>>
    %dma_wait3A_1506 = arith.constant 15 : i32
    %dma_wait3A_1507 = arith.constant 0 : i32
    %dma_wait3A_1508 = tpu.memref_slice %arg4[%dma_wait3A_1506, %dma_wait3A_1507] : memref<192x128xf32, #tpu.memory_space<vmem>> -> memref<128x128xf32, #tpu.memory_space<vmem>>
    tpu.wait_dma2 semaphore(%arg5 : memref<!tpu.dma_semaphore, #tpu.memory_space<semaphore_mem>>) src(%dma_wait3A_1508 : memref<128x128xf32, #tpu.memory_space<vmem>>) dst(%dma_wait3A_1505 : memref<128x128xf32, #tpu.memory_space<hbm>>)
    %dma_wait3A_1509 = arith.constant 14 : i32
    %dma_wait3A_1510 = arith.constant 0 : i32
    %dma_wait3A_1511 = tpu.memref_slice %arg4[%dma_wait3A_1509, %dma_wait3A_1510] : memref<192x128xf32, #tpu.memory_space<vmem>> -> memref<128x128xf32, #tpu.memory_space<vmem>>
    %dma_wait3A_1512 = arith.constant 0 : i32
    %dma_wait3A_1513 = tpu.memref_slice %arg3[%add3A_713, %mul3A_23, %dma_wait3A_1512] : memref<512x512x128xf32, #tpu.memory_space<hbm>> -> memref<1x128x128xf32, #tpu.memory_space<hbm>>
    %dma_wait3A_1514 = tpu.memref_squeeze %dma_wait3A_1513 : memref<1x128x128xf32, #tpu.memory_space<hbm>> -> memref<128x128xf32, #tpu.memory_space<hbm>>
    %dma_wait3A_1515 = arith.constant 0 : i32
    %dma_wait3A_1516 = tpu.memref_slice %arg3[%add3A_713, %mul3A_23, %dma_wait3A_1515] : memref<512x512x128xf32, #tpu.memory_space<hbm>> -> memref<1x128x128xf32, #tpu.memory_space<hbm>>
    %dma_wait3A_1517 = tpu.memref_squeeze %dma_wait3A_1516 : memref<1x128x128xf32, #tpu.memory_space<hbm>> -> memref<128x128xf32, #tpu.memory_space<hbm>>
    %dma_wait3A_1518 = arith.constant 14 : i32
    %dma_wait3A_1519 = arith.constant 0 : i32
    %dma_wait3A_1520 = tpu.memref_slice %arg4[%dma_wait3A_1518, %dma_wait3A_1519] : memref<192x128xf32, #tpu.memory_space<vmem>> -> memref<128x128xf32, #tpu.memory_space<vmem>>
    tpu.wait_dma2 semaphore(%arg5 : memref<!tpu.dma_semaphore, #tpu.memory_space<semaphore_mem>>) src(%dma_wait3A_1520 : memref<128x128xf32, #tpu.memory_space<vmem>>) dst(%dma_wait3A_1517 : memref<128x128xf32, #tpu.memory_space<hbm>>)
    %dma_wait3A_1521 = arith.constant 13 : i32
    %dma_wait3A_1522 = arith.constant 0 : i32
    %dma_wait3A_1523 = tpu.memref_slice %arg4[%dma_wait3A_1521, %dma_wait3A_1522] : memref<192x128xf32, #tpu.memory_space<vmem>> -> memref<128x128xf32, #tpu.memory_space<vmem>>
    %dma_wait3A_1524 = arith.constant 0 : i32
    %dma_wait3A_1525 = tpu.memref_slice %arg3[%add3A_727, %mul3A_23, %dma_wait3A_1524] : memref<512x512x128xf32, #tpu.memory_space<hbm>> -> memref<1x128x128xf32, #tpu.memory_space<hbm>>
    %dma_wait3A_1526 = tpu.memref_squeeze %dma_wait3A_1525 : memref<1x128x128xf32, #tpu.memory_space<hbm>> -> memref<128x128xf32, #tpu.memory_space<hbm>>
    %dma_wait3A_1527 = arith.constant 0 : i32
    %dma_wait3A_1528 = tpu.memref_slice %arg3[%add3A_727, %mul3A_23, %dma_wait3A_1527] : memref<512x512x128xf32, #tpu.memory_space<hbm>> -> memref<1x128x128xf32, #tpu.memory_space<hbm>>
    %dma_wait3A_1529 = tpu.memref_squeeze %dma_wait3A_1528 : memref<1x128x128xf32, #tpu.memory_space<hbm>> -> memref<128x128xf32, #tpu.memory_space<hbm>>
    %dma_wait3A_1530 = arith.constant 13 : i32
    %dma_wait3A_1531 = arith.constant 0 : i32
    %dma_wait3A_1532 = tpu.memref_slice %arg4[%dma_wait3A_1530, %dma_wait3A_1531] : memref<192x128xf32, #tpu.memory_space<vmem>> -> memref<128x128xf32, #tpu.memory_space<vmem>>
    tpu.wait_dma2 semaphore(%arg5 : memref<!tpu.dma_semaphore, #tpu.memory_space<semaphore_mem>>) src(%dma_wait3A_1532 : memref<128x128xf32, #tpu.memory_space<vmem>>) dst(%dma_wait3A_1529 : memref<128x128xf32, #tpu.memory_space<hbm>>)
    %dma_wait3A_1533 = arith.constant 12 : i32
    %dma_wait3A_1534 = arith.constant 0 : i32
    %dma_wait3A_1535 = tpu.memref_slice %arg4[%dma_wait3A_1533, %dma_wait3A_1534] : memref<192x128xf32, #tpu.memory_space<vmem>> -> memref<128x128xf32, #tpu.memory_space<vmem>>
    %dma_wait3A_1536 = arith.constant 0 : i32
    %dma_wait3A_1537 = tpu.memref_slice %arg3[%add3A_741, %mul3A_23, %dma_wait3A_1536] : memref<512x512x128xf32, #tpu.memory_space<hbm>> -> memref<1x128x128xf32, #tpu.memory_space<hbm>>
    %dma_wait3A_1538 = tpu.memref_squeeze %dma_wait3A_1537 : memref<1x128x128xf32, #tpu.memory_space<hbm>> -> memref<128x128xf32, #tpu.memory_space<hbm>>
    %dma_wait3A_1539 = arith.constant 0 : i32
    %dma_wait3A_1540 = tpu.memref_slice %arg3[%add3A_741, %mul3A_23, %dma_wait3A_1539] : memref<512x512x128xf32, #tpu.memory_space<hbm>> -> memref<1x128x128xf32, #tpu.memory_space<hbm>>
    %dma_wait3A_1541 = tpu.memref_squeeze %dma_wait3A_1540 : memref<1x128x128xf32, #tpu.memory_space<hbm>> -> memref<128x128xf32, #tpu.memory_space<hbm>>
    %dma_wait3A_1542 = arith.constant 12 : i32
    %dma_wait3A_1543 = arith.constant 0 : i32
    %dma_wait3A_1544 = tpu.memref_slice %arg4[%dma_wait3A_1542, %dma_wait3A_1543] : memref<192x128xf32, #tpu.memory_space<vmem>> -> memref<128x128xf32, #tpu.memory_space<vmem>>
    tpu.wait_dma2 semaphore(%arg5 : memref<!tpu.dma_semaphore, #tpu.memory_space<semaphore_mem>>) src(%dma_wait3A_1544 : memref<128x128xf32, #tpu.memory_space<vmem>>) dst(%dma_wait3A_1541 : memref<128x128xf32, #tpu.memory_space<hbm>>)
    %dma_wait3A_1545 = arith.constant 11 : i32
    %dma_wait3A_1546 = arith.constant 0 : i32
    %dma_wait3A_1547 = tpu.memref_slice %arg4[%dma_wait3A_1545, %dma_wait3A_1546] : memref<192x128xf32, #tpu.memory_space<vmem>> -> memref<128x128xf32, #tpu.memory_space<vmem>>
    %dma_wait3A_1548 = arith.constant 0 : i32
    %dma_wait3A_1549 = tpu.memref_slice %arg3[%add3A_755, %mul3A_23, %dma_wait3A_1548] : memref<512x512x128xf32, #tpu.memory_space<hbm>> -> memref<1x128x128xf32, #tpu.memory_space<hbm>>
    %dma_wait3A_1550 = tpu.memref_squeeze %dma_wait3A_1549 : memref<1x128x128xf32, #tpu.memory_space<hbm>> -> memref<128x128xf32, #tpu.memory_space<hbm>>
    %dma_wait3A_1551 = arith.constant 0 : i32
    %dma_wait3A_1552 = tpu.memref_slice %arg3[%add3A_755, %mul3A_23, %dma_wait3A_1551] : memref<512x512x128xf32, #tpu.memory_space<hbm>> -> memref<1x128x128xf32, #tpu.memory_space<hbm>>
    %dma_wait3A_1553 = tpu.memref_squeeze %dma_wait3A_1552 : memref<1x128x128xf32, #tpu.memory_space<hbm>> -> memref<128x128xf32, #tpu.memory_space<hbm>>
    %dma_wait3A_1554 = arith.constant 11 : i32
    %dma_wait3A_1555 = arith.constant 0 : i32
    %dma_wait3A_1556 = tpu.memref_slice %arg4[%dma_wait3A_1554, %dma_wait3A_1555] : memref<192x128xf32, #tpu.memory_space<vmem>> -> memref<128x128xf32, #tpu.memory_space<vmem>>
    tpu.wait_dma2 semaphore(%arg5 : memref<!tpu.dma_semaphore, #tpu.memory_space<semaphore_mem>>) src(%dma_wait3A_1556 : memref<128x128xf32, #tpu.memory_space<vmem>>) dst(%dma_wait3A_1553 : memref<128x128xf32, #tpu.memory_space<hbm>>)
    %dma_wait3A_1557 = arith.constant 10 : i32
    %dma_wait3A_1558 = arith.constant 0 : i32
    %dma_wait3A_1559 = tpu.memref_slice %arg4[%dma_wait3A_1557, %dma_wait3A_1558] : memref<192x128xf32, #tpu.memory_space<vmem>> -> memref<128x128xf32, #tpu.memory_space<vmem>>
    %dma_wait3A_1560 = arith.constant 0 : i32
    %dma_wait3A_1561 = tpu.memref_slice %arg3[%add3A_769, %mul3A_23, %dma_wait3A_1560] : memref<512x512x128xf32, #tpu.memory_space<hbm>> -> memref<1x128x128xf32, #tpu.memory_space<hbm>>
    %dma_wait3A_1562 = tpu.memref_squeeze %dma_wait3A_1561 : memref<1x128x128xf32, #tpu.memory_space<hbm>> -> memref<128x128xf32, #tpu.memory_space<hbm>>
    %dma_wait3A_1563 = arith.constant 0 : i32
    %dma_wait3A_1564 = tpu.memref_slice %arg3[%add3A_769, %mul3A_23, %dma_wait3A_1563] : memref<512x512x128xf32, #tpu.memory_space<hbm>> -> memref<1x128x128xf32, #tpu.memory_space<hbm>>
    %dma_wait3A_1565 = tpu.memref_squeeze %dma_wait3A_1564 : memref<1x128x128xf32, #tpu.memory_space<hbm>> -> memref<128x128xf32, #tpu.memory_space<hbm>>
    %dma_wait3A_1566 = arith.constant 10 : i32
    %dma_wait3A_1567 = arith.constant 0 : i32
    %dma_wait3A_1568 = tpu.memref_slice %arg4[%dma_wait3A_1566, %dma_wait3A_1567] : memref<192x128xf32, #tpu.memory_space<vmem>> -> memref<128x128xf32, #tpu.memory_space<vmem>>
    tpu.wait_dma2 semaphore(%arg5 : memref<!tpu.dma_semaphore, #tpu.memory_space<semaphore_mem>>) src(%dma_wait3A_1568 : memref<128x128xf32, #tpu.memory_space<vmem>>) dst(%dma_wait3A_1565 : memref<128x128xf32, #tpu.memory_space<hbm>>)
    %dma_wait3A_1569 = arith.constant 9 : i32
    %dma_wait3A_1570 = arith.constant 0 : i32
    %dma_wait3A_1571 = tpu.memref_slice %arg4[%dma_wait3A_1569, %dma_wait3A_1570] : memref<192x128xf32, #tpu.memory_space<vmem>> -> memref<128x128xf32, #tpu.memory_space<vmem>>
    %dma_wait3A_1572 = arith.constant 0 : i32
    %dma_wait3A_1573 = tpu.memref_slice %arg3[%add3A_783, %mul3A_23, %dma_wait3A_1572] : memref<512x512x128xf32, #tpu.memory_space<hbm>> -> memref<1x128x128xf32, #tpu.memory_space<hbm>>
    %dma_wait3A_1574 = tpu.memref_squeeze %dma_wait3A_1573 : memref<1x128x128xf32, #tpu.memory_space<hbm>> -> memref<128x128xf32, #tpu.memory_space<hbm>>
    %dma_wait3A_1575 = arith.constant 0 : i32
    %dma_wait3A_1576 = tpu.memref_slice %arg3[%add3A_783, %mul3A_23, %dma_wait3A_1575] : memref<512x512x128xf32, #tpu.memory_space<hbm>> -> memref<1x128x128xf32, #tpu.memory_space<hbm>>
    %dma_wait3A_1577 = tpu.memref_squeeze %dma_wait3A_1576 : memref<1x128x128xf32, #tpu.memory_space<hbm>> -> memref<128x128xf32, #tpu.memory_space<hbm>>
    %dma_wait3A_1578 = arith.constant 9 : i32
    %dma_wait3A_1579 = arith.constant 0 : i32
    %dma_wait3A_1580 = tpu.memref_slice %arg4[%dma_wait3A_1578, %dma_wait3A_1579] : memref<192x128xf32, #tpu.memory_space<vmem>> -> memref<128x128xf32, #tpu.memory_space<vmem>>
    tpu.wait_dma2 semaphore(%arg5 : memref<!tpu.dma_semaphore, #tpu.memory_space<semaphore_mem>>) src(%dma_wait3A_1580 : memref<128x128xf32, #tpu.memory_space<vmem>>) dst(%dma_wait3A_1577 : memref<128x128xf32, #tpu.memory_space<hbm>>)
    %dma_wait3A_1581 = arith.constant 8 : i32
    %dma_wait3A_1582 = arith.constant 0 : i32
    %dma_wait3A_1583 = tpu.memref_slice %arg4[%dma_wait3A_1581, %dma_wait3A_1582] : memref<192x128xf32, #tpu.memory_space<vmem>> -> memref<128x128xf32, #tpu.memory_space<vmem>>
    %dma_wait3A_1584 = arith.constant 0 : i32
    %dma_wait3A_1585 = tpu.memref_slice %arg3[%add3A_797, %mul3A_23, %dma_wait3A_1584] : memref<512x512x128xf32, #tpu.memory_space<hbm>> -> memref<1x128x128xf32, #tpu.memory_space<hbm>>
    %dma_wait3A_1586 = tpu.memref_squeeze %dma_wait3A_1585 : memref<1x128x128xf32, #tpu.memory_space<hbm>> -> memref<128x128xf32, #tpu.memory_space<hbm>>
    %dma_wait3A_1587 = arith.constant 0 : i32
    %dma_wait3A_1588 = tpu.memref_slice %arg3[%add3A_797, %mul3A_23, %dma_wait3A_1587] : memref<512x512x128xf32, #tpu.memory_space<hbm>> -> memref<1x128x128xf32, #tpu.memory_space<hbm>>
    %dma_wait3A_1589 = tpu.memref_squeeze %dma_wait3A_1588 : memref<1x128x128xf32, #tpu.memory_space<hbm>> -> memref<128x128xf32, #tpu.memory_space<hbm>>
    %dma_wait3A_1590 = arith.constant 8 : i32
    %dma_wait3A_1591 = arith.constant 0 : i32
    %dma_wait3A_1592 = tpu.memref_slice %arg4[%dma_wait3A_1590, %dma_wait3A_1591] : memref<192x128xf32, #tpu.memory_space<vmem>> -> memref<128x128xf32, #tpu.memory_space<vmem>>
    tpu.wait_dma2 semaphore(%arg5 : memref<!tpu.dma_semaphore, #tpu.memory_space<semaphore_mem>>) src(%dma_wait3A_1592 : memref<128x128xf32, #tpu.memory_space<vmem>>) dst(%dma_wait3A_1589 : memref<128x128xf32, #tpu.memory_space<hbm>>)
    %dma_wait3A_1593 = arith.constant 7 : i32
    %dma_wait3A_1594 = arith.constant 0 : i32
    %dma_wait3A_1595 = tpu.memref_slice %arg4[%dma_wait3A_1593, %dma_wait3A_1594] : memref<192x128xf32, #tpu.memory_space<vmem>> -> memref<128x128xf32, #tpu.memory_space<vmem>>
    %dma_wait3A_1596 = arith.constant 0 : i32
    %dma_wait3A_1597 = tpu.memref_slice %arg3[%add3A_811, %mul3A_23, %dma_wait3A_1596] : memref<512x512x128xf32, #tpu.memory_space<hbm>> -> memref<1x128x128xf32, #tpu.memory_space<hbm>>
    %dma_wait3A_1598 = tpu.memref_squeeze %dma_wait3A_1597 : memref<1x128x128xf32, #tpu.memory_space<hbm>> -> memref<128x128xf32, #tpu.memory_space<hbm>>
    %dma_wait3A_1599 = arith.constant 0 : i32
    %dma_wait3A_1600 = tpu.memref_slice %arg3[%add3A_811, %mul3A_23, %dma_wait3A_1599] : memref<512x512x128xf32, #tpu.memory_space<hbm>> -> memref<1x128x128xf32, #tpu.memory_space<hbm>>
    %dma_wait3A_1601 = tpu.memref_squeeze %dma_wait3A_1600 : memref<1x128x128xf32, #tpu.memory_space<hbm>> -> memref<128x128xf32, #tpu.memory_space<hbm>>
    %dma_wait3A_1602 = arith.constant 7 : i32
    %dma_wait3A_1603 = arith.constant 0 : i32
    %dma_wait3A_1604 = tpu.memref_slice %arg4[%dma_wait3A_1602, %dma_wait3A_1603] : memref<192x128xf32, #tpu.memory_space<vmem>> -> memref<128x128xf32, #tpu.memory_space<vmem>>
    tpu.wait_dma2 semaphore(%arg5 : memref<!tpu.dma_semaphore, #tpu.memory_space<semaphore_mem>>) src(%dma_wait3A_1604 : memref<128x128xf32, #tpu.memory_space<vmem>>) dst(%dma_wait3A_1601 : memref<128x128xf32, #tpu.memory_space<hbm>>)
    %dma_wait3A_1605 = arith.constant 6 : i32
    %dma_wait3A_1606 = arith.constant 0 : i32
    %dma_wait3A_1607 = tpu.memref_slice %arg4[%dma_wait3A_1605, %dma_wait3A_1606] : memref<192x128xf32, #tpu.memory_space<vmem>> -> memref<128x128xf32, #tpu.memory_space<vmem>>
    %dma_wait3A_1608 = arith.constant 0 : i32
    %dma_wait3A_1609 = tpu.memref_slice %arg3[%add3A_825, %mul3A_23, %dma_wait3A_1608] : memref<512x512x128xf32, #tpu.memory_space<hbm>> -> memref<1x128x128xf32, #tpu.memory_space<hbm>>
    %dma_wait3A_1610 = tpu.memref_squeeze %dma_wait3A_1609 : memref<1x128x128xf32, #tpu.memory_space<hbm>> -> memref<128x128xf32, #tpu.memory_space<hbm>>
    %dma_wait3A_1611 = arith.constant 0 : i32
    %dma_wait3A_1612 = tpu.memref_slice %arg3[%add3A_825, %mul3A_23, %dma_wait3A_1611] : memref<512x512x128xf32, #tpu.memory_space<hbm>> -> memref<1x128x128xf32, #tpu.memory_space<hbm>>
    %dma_wait3A_1613 = tpu.memref_squeeze %dma_wait3A_1612 : memref<1x128x128xf32, #tpu.memory_space<hbm>> -> memref<128x128xf32, #tpu.memory_space<hbm>>
    %dma_wait3A_1614 = arith.constant 6 : i32
    %dma_wait3A_1615 = arith.constant 0 : i32
    %dma_wait3A_1616 = tpu.memref_slice %arg4[%dma_wait3A_1614, %dma_wait3A_1615] : memref<192x128xf32, #tpu.memory_space<vmem>> -> memref<128x128xf32, #tpu.memory_space<vmem>>
    tpu.wait_dma2 semaphore(%arg5 : memref<!tpu.dma_semaphore, #tpu.memory_space<semaphore_mem>>) src(%dma_wait3A_1616 : memref<128x128xf32, #tpu.memory_space<vmem>>) dst(%dma_wait3A_1613 : memref<128x128xf32, #tpu.memory_space<hbm>>)
    %dma_wait3A_1617 = arith.constant 5 : i32
    %dma_wait3A_1618 = arith.constant 0 : i32
    %dma_wait3A_1619 = tpu.memref_slice %arg4[%dma_wait3A_1617, %dma_wait3A_1618] : memref<192x128xf32, #tpu.memory_space<vmem>> -> memref<128x128xf32, #tpu.memory_space<vmem>>
    %dma_wait3A_1620 = arith.constant 0 : i32
    %dma_wait3A_1621 = tpu.memref_slice %arg3[%add3A_839, %mul3A_23, %dma_wait3A_1620] : memref<512x512x128xf32, #tpu.memory_space<hbm>> -> memref<1x128x128xf32, #tpu.memory_space<hbm>>
    %dma_wait3A_1622 = tpu.memref_squeeze %dma_wait3A_1621 : memref<1x128x128xf32, #tpu.memory_space<hbm>> -> memref<128x128xf32, #tpu.memory_space<hbm>>
    %dma_wait3A_1623 = arith.constant 0 : i32
    %dma_wait3A_1624 = tpu.memref_slice %arg3[%add3A_839, %mul3A_23, %dma_wait3A_1623] : memref<512x512x128xf32, #tpu.memory_space<hbm>> -> memref<1x128x128xf32, #tpu.memory_space<hbm>>
    %dma_wait3A_1625 = tpu.memref_squeeze %dma_wait3A_1624 : memref<1x128x128xf32, #tpu.memory_space<hbm>> -> memref<128x128xf32, #tpu.memory_space<hbm>>
    %dma_wait3A_1626 = arith.constant 5 : i32
    %dma_wait3A_1627 = arith.constant 0 : i32
    %dma_wait3A_1628 = tpu.memref_slice %arg4[%dma_wait3A_1626, %dma_wait3A_1627] : memref<192x128xf32, #tpu.memory_space<vmem>> -> memref<128x128xf32, #tpu.memory_space<vmem>>
    tpu.wait_dma2 semaphore(%arg5 : memref<!tpu.dma_semaphore, #tpu.memory_space<semaphore_mem>>) src(%dma_wait3A_1628 : memref<128x128xf32, #tpu.memory_space<vmem>>) dst(%dma_wait3A_1625 : memref<128x128xf32, #tpu.memory_space<hbm>>)
    %dma_wait3A_1629 = arith.constant 4 : i32
    %dma_wait3A_1630 = arith.constant 0 : i32
    %dma_wait3A_1631 = tpu.memref_slice %arg4[%dma_wait3A_1629, %dma_wait3A_1630] : memref<192x128xf32, #tpu.memory_space<vmem>> -> memref<128x128xf32, #tpu.memory_space<vmem>>
    %dma_wait3A_1632 = arith.constant 0 : i32
    %dma_wait3A_1633 = tpu.memref_slice %arg3[%add3A_853, %mul3A_23, %dma_wait3A_1632] : memref<512x512x128xf32, #tpu.memory_space<hbm>> -> memref<1x128x128xf32, #tpu.memory_space<hbm>>
    %dma_wait3A_1634 = tpu.memref_squeeze %dma_wait3A_1633 : memref<1x128x128xf32, #tpu.memory_space<hbm>> -> memref<128x128xf32, #tpu.memory_space<hbm>>
    %dma_wait3A_1635 = arith.constant 0 : i32
    %dma_wait3A_1636 = tpu.memref_slice %arg3[%add3A_853, %mul3A_23, %dma_wait3A_1635] : memref<512x512x128xf32, #tpu.memory_space<hbm>> -> memref<1x128x128xf32, #tpu.memory_space<hbm>>
    %dma_wait3A_1637 = tpu.memref_squeeze %dma_wait3A_1636 : memref<1x128x128xf32, #tpu.memory_space<hbm>> -> memref<128x128xf32, #tpu.memory_space<hbm>>
    %dma_wait3A_1638 = arith.constant 4 : i32
    %dma_wait3A_1639 = arith.constant 0 : i32
    %dma_wait3A_1640 = tpu.memref_slice %arg4[%dma_wait3A_1638, %dma_wait3A_1639] : memref<192x128xf32, #tpu.memory_space<vmem>> -> memref<128x128xf32, #tpu.memory_space<vmem>>
    tpu.wait_dma2 semaphore(%arg5 : memref<!tpu.dma_semaphore, #tpu.memory_space<semaphore_mem>>) src(%dma_wait3A_1640 : memref<128x128xf32, #tpu.memory_space<vmem>>) dst(%dma_wait3A_1637 : memref<128x128xf32, #tpu.memory_space<hbm>>)
    %dma_wait3A_1641 = arith.constant 3 : i32
    %dma_wait3A_1642 = arith.constant 0 : i32
    %dma_wait3A_1643 = tpu.memref_slice %arg4[%dma_wait3A_1641, %dma_wait3A_1642] : memref<192x128xf32, #tpu.memory_space<vmem>> -> memref<128x128xf32, #tpu.memory_space<vmem>>
    %dma_wait3A_1644 = arith.constant 0 : i32
    %dma_wait3A_1645 = tpu.memref_slice %arg3[%add3A_867, %mul3A_23, %dma_wait3A_1644] : memref<512x512x128xf32, #tpu.memory_space<hbm>> -> memref<1x128x128xf32, #tpu.memory_space<hbm>>
    %dma_wait3A_1646 = tpu.memref_squeeze %dma_wait3A_1645 : memref<1x128x128xf32, #tpu.memory_space<hbm>> -> memref<128x128xf32, #tpu.memory_space<hbm>>
    %dma_wait3A_1647 = arith.constant 0 : i32
    %dma_wait3A_1648 = tpu.memref_slice %arg3[%add3A_867, %mul3A_23, %dma_wait3A_1647] : memref<512x512x128xf32, #tpu.memory_space<hbm>> -> memref<1x128x128xf32, #tpu.memory_space<hbm>>
    %dma_wait3A_1649 = tpu.memref_squeeze %dma_wait3A_1648 : memref<1x128x128xf32, #tpu.memory_space<hbm>> -> memref<128x128xf32, #tpu.memory_space<hbm>>
    %dma_wait3A_1650 = arith.constant 3 : i32
    %dma_wait3A_1651 = arith.constant 0 : i32
    %dma_wait3A_1652 = tpu.memref_slice %arg4[%dma_wait3A_1650, %dma_wait3A_1651] : memref<192x128xf32, #tpu.memory_space<vmem>> -> memref<128x128xf32, #tpu.memory_space<vmem>>
    tpu.wait_dma2 semaphore(%arg5 : memref<!tpu.dma_semaphore, #tpu.memory_space<semaphore_mem>>) src(%dma_wait3A_1652 : memref<128x128xf32, #tpu.memory_space<vmem>>) dst(%dma_wait3A_1649 : memref<128x128xf32, #tpu.memory_space<hbm>>)
    %dma_wait3A_1653 = arith.constant 2 : i32
    %dma_wait3A_1654 = arith.constant 0 : i32
    %dma_wait3A_1655 = tpu.memref_slice %arg4[%dma_wait3A_1653, %dma_wait3A_1654] : memref<192x128xf32, #tpu.memory_space<vmem>> -> memref<128x128xf32, #tpu.memory_space<vmem>>
    %dma_wait3A_1656 = arith.constant 0 : i32
    %dma_wait3A_1657 = tpu.memref_slice %arg3[%add3A_881, %mul3A_23, %dma_wait3A_1656] : memref<512x512x128xf32, #tpu.memory_space<hbm>> -> memref<1x128x128xf32, #tpu.memory_space<hbm>>
    %dma_wait3A_1658 = tpu.memref_squeeze %dma_wait3A_1657 : memref<1x128x128xf32, #tpu.memory_space<hbm>> -> memref<128x128xf32, #tpu.memory_space<hbm>>
    %dma_wait3A_1659 = arith.constant 0 : i32
    %dma_wait3A_1660 = tpu.memref_slice %arg3[%add3A_881, %mul3A_23, %dma_wait3A_1659] : memref<512x512x128xf32, #tpu.memory_space<hbm>> -> memref<1x128x128xf32, #tpu.memory_space<hbm>>
    %dma_wait3A_1661 = tpu.memref_squeeze %dma_wait3A_1660 : memref<1x128x128xf32, #tpu.memory_space<hbm>> -> memref<128x128xf32, #tpu.memory_space<hbm>>
    %dma_wait3A_1662 = arith.constant 2 : i32
    %dma_wait3A_1663 = arith.constant 0 : i32
    %dma_wait3A_1664 = tpu.memref_slice %arg4[%dma_wait3A_1662, %dma_wait3A_1663] : memref<192x128xf32, #tpu.memory_space<vmem>> -> memref<128x128xf32, #tpu.memory_space<vmem>>
    tpu.wait_dma2 semaphore(%arg5 : memref<!tpu.dma_semaphore, #tpu.memory_space<semaphore_mem>>) src(%dma_wait3A_1664 : memref<128x128xf32, #tpu.memory_space<vmem>>) dst(%dma_wait3A_1661 : memref<128x128xf32, #tpu.memory_space<hbm>>)
    %dma_wait3A_1665 = arith.constant 1 : i32
    %dma_wait3A_1666 = arith.constant 0 : i32
    %dma_wait3A_1667 = tpu.memref_slice %arg4[%dma_wait3A_1665, %dma_wait3A_1666] : memref<192x128xf32, #tpu.memory_space<vmem>> -> memref<128x128xf32, #tpu.memory_space<vmem>>
    %dma_wait3A_1668 = arith.constant 0 : i32
    %dma_wait3A_1669 = tpu.memref_slice %arg3[%add3A_895, %mul3A_23, %dma_wait3A_1668] : memref<512x512x128xf32, #tpu.memory_space<hbm>> -> memref<1x128x128xf32, #tpu.memory_space<hbm>>
    %dma_wait3A_1670 = tpu.memref_squeeze %dma_wait3A_1669 : memref<1x128x128xf32, #tpu.memory_space<hbm>> -> memref<128x128xf32, #tpu.memory_space<hbm>>
    %dma_wait3A_1671 = arith.constant 0 : i32
    %dma_wait3A_1672 = tpu.memref_slice %arg3[%add3A_895, %mul3A_23, %dma_wait3A_1671] : memref<512x512x128xf32, #tpu.memory_space<hbm>> -> memref<1x128x128xf32, #tpu.memory_space<hbm>>
    %dma_wait3A_1673 = tpu.memref_squeeze %dma_wait3A_1672 : memref<1x128x128xf32, #tpu.memory_space<hbm>> -> memref<128x128xf32, #tpu.memory_space<hbm>>
    %dma_wait3A_1674 = arith.constant 1 : i32
    %dma_wait3A_1675 = arith.constant 0 : i32
    %dma_wait3A_1676 = tpu.memref_slice %arg4[%dma_wait3A_1674, %dma_wait3A_1675] : memref<192x128xf32, #tpu.memory_space<vmem>> -> memref<128x128xf32, #tpu.memory_space<vmem>>
    tpu.wait_dma2 semaphore(%arg5 : memref<!tpu.dma_semaphore, #tpu.memory_space<semaphore_mem>>) src(%dma_wait3A_1676 : memref<128x128xf32, #tpu.memory_space<vmem>>) dst(%dma_wait3A_1673 : memref<128x128xf32, #tpu.memory_space<hbm>>)
    %dma_wait3A_1677 = arith.constant 0 : i32
    %dma_wait3A_1678 = arith.constant 0 : i32
    %dma_wait3A_1679 = tpu.memref_slice %arg4[%dma_wait3A_1677, %dma_wait3A_1678] : memref<192x128xf32, #tpu.memory_space<vmem>> -> memref<128x128xf32, #tpu.memory_space<vmem>>
    %dma_wait3A_1680 = arith.constant 0 : i32
    %dma_wait3A_1681 = tpu.memref_slice %arg3[%add3A_909, %mul3A_23, %dma_wait3A_1680] : memref<512x512x128xf32, #tpu.memory_space<hbm>> -> memref<1x128x128xf32, #tpu.memory_space<hbm>>
    %dma_wait3A_1682 = tpu.memref_squeeze %dma_wait3A_1681 : memref<1x128x128xf32, #tpu.memory_space<hbm>> -> memref<128x128xf32, #tpu.memory_space<hbm>>
    %dma_wait3A_1683 = arith.constant 0 : i32
    %dma_wait3A_1684 = tpu.memref_slice %arg3[%add3A_909, %mul3A_23, %dma_wait3A_1683] : memref<512x512x128xf32, #tpu.memory_space<hbm>> -> memref<1x128x128xf32, #tpu.memory_space<hbm>>
    %dma_wait3A_1685 = tpu.memref_squeeze %dma_wait3A_1684 : memref<1x128x128xf32, #tpu.memory_space<hbm>> -> memref<128x128xf32, #tpu.memory_space<hbm>>
    %dma_wait3A_1686 = arith.constant 0 : i32
    %dma_wait3A_1687 = arith.constant 0 : i32
    %dma_wait3A_1688 = tpu.memref_slice %arg4[%dma_wait3A_1686, %dma_wait3A_1687] : memref<192x128xf32, #tpu.memory_space<vmem>> -> memref<128x128xf32, #tpu.memory_space<vmem>>
    tpu.wait_dma2 semaphore(%arg5 : memref<!tpu.dma_semaphore, #tpu.memory_space<semaphore_mem>>) src(%dma_wait3A_1688 : memref<128x128xf32, #tpu.memory_space<vmem>>) dst(%dma_wait3A_1685 : memref<128x128xf32, #tpu.memory_space<hbm>>)
    return
  }
}

</mosaic_0001>

<sc_bundles>
// kernel: kernel.3.cloned.1.call-start
scs
__scs_entry_jumppad:
0x0: {  	(pc) =	sbr.rel $0x88, $3  }
0x1: {  	(tag) =	ssettag $0x0;
	lr =	simm.s32 $0x1  }
0x2: {  	[smem:$0x3F9F] =	sst lr;
	_ =	strace $0xD0000000  }
0x3: {  	_ = 	snop  }
0x4: {  	_ = 	snop  }
0x5: {  	_ = 	snop  }
0x6: {  	_ = 	snop  }
0x7: {  	_ = 	snop  }
__scs_overlays_trampoline_lowered:
0x8: {  	[smem:$0x3FAE] =	sst s0  }
0x9: {  	[smem:$0x3FAF] =	sst s1  }
0xa: {  	[smem:$0x3FB0] =	sst s2  }
0xb: {  	[smem:$0x3FB1] =	sst s3  }
0xc: {  	[smem:$0x3FB2] =	sst s4  }
0xd: {  	[smem:$0x3FB3] =	sst s5  }
0xe: {  	[smem:$0x3FB4] =	sst s6  }
0xf: {  	[smem:$0x3FB5] =	sst s7  }
0x10: {  	[smem:$0x3FB6] =	sst s8  }
0x11: {  	[smem:$0x3FB7] =	sst s9;
	s0 =	simm.s32 @!p0 $0x0  }
0x12: {  	s1 =	sld [smem:$0x3F9D];
	s0 =	simm.s32 @p0 $0x1  }
0x13: {  	[smem:$0x3FB8] =	sst s0;
	s0 =	simm.s32 @!p1 $0x0  }
0x14: {  	s2 =	sld [smem:$0x3F9C];
	s0 =	simm.s32 @p1 $0x1  }
0x15: {  	[smem:$0x3FB9] =	sst s0;
	s0 =	simm.s32 @!p2 $0x0  }
0x16: {  	s3 =	sld [smem:$0x3FDB];
	s0 =	simm.s32 @p2 $0x1  }
0x17: {  	s4 =	simm.s32 $0x1BF5;
	[smem:$0x3FBB] =	sst s0  }
0x18: {  	s0 =	sld [smem:$0x3F9E];
	_ =	swait.ge [sflag:s4], $0x0  }
0x19: {  	s7 =	sld [smem:$0x3F9F]  }
0x1a: {  	s8 =	sadd.s32 $0xFFFFE003, lr  }
0x1b: {  	s9 =	sadd.s32 $0xFFFFFEF7, lr;
	s5 =	simm.s32 $0xFFFFFFFF;
	p2 =	slt.u32 s8, $0xFFFFF086  }
0x1c: {  	p1 =	slt.u32 s9, $0xF7A;
	s5 =	simm.s32 @!p2 $0x0  }
0x1d: {  	s5 =	simm.s32 @p1 $0x1;
	p0 =	seq.s32 s7, s2  }
0x1e: {  	s7 =	smul.u32 @!p0 $0xF7A, s2;
	p2 =	seq.s32 @!p0 s5, $0x0  }
0x1f: {  	s9 =	smul.u32 $0xF7A, s1;
	s8 =	simm.s32 @!p0 $0x1BF5;
	p2 =	por !p2, p0  }
0x20: {  	[sflag:s8] =	ssyncset.s32 @!p0 $0xFFFFF086;
	s6 =	sadd.s32 @!p0 s3, s7;
	s7 =	simm.s32 @!p0 $0x108  }
0x21: {  	s3 =	sadd.s32 s3, s9;
	s6 =	sadd.s32 @!p0 $0x88, s6;
	s7 =	simm.s32 @p2 $0x1082  }
0x22: {  	[simem:s7], [sflag:s8] =	dma.local @!p0 [hbm:s6], $0xF7A  }
0x23: {  	s9 =	sor.u32 $0xD0000000, s2;
	s6 =	simm.s32 $0x108;
	_ =	swait.ge @!p0 [sflag:s8], $0x0  }
0x24: {  	s3 =	sadd.s32 $0x88, s3;
	s6 =	simm.s32 @!p1 $0x1082;
	[sflag:s4] =	ssyncset.s32 $0xFFFFF086  }
0x25: {  	[simem:s6], [sflag:s4] =	dma.local [hbm:s3], $0xF7A  }
0x26: {  	[smem:$0x3F9F] =	sst s1;
	(tag) =	ssettag s2;
	_ =	strace s9  }
0x27: {  	s1 =	sld [smem:$0x3FAF]  }
0x28: {  	s2 =	sld [smem:$0x3FB0]  }
0x29: {  	s4 =	sld [smem:$0x3FB2]  }
0x2a: {  	p0 =	seq.s32 s5, $0x0;
	s5 =	sld [smem:$0x3FB3]  }
0x2b: {  	s6 =	sld [smem:$0x3FB4]  }
0x2c: {  	s7 =	sld [smem:$0x3FB5]  }
0x2d: {  	s3 =	simm.s32 $0x108;
	s8 =	sld [smem:$0x3FB6]  }
0x2e: {  	s3 =	simm.s32 @!p0 $0x1082;
	s9 =	sld [smem:$0x3FB7]  }
0x2f: {  	lr =	sadd.s32 s0, s3;
	s0 =	sld [smem:$0x3FAE]  }
0x30: {  	s3 =	sld [smem:$0x3FB1]  }
0x31: {  	[smem:$0x3FBA] =	sst s10  }
0x32: {  	s10 =	sld [smem:$0x3FB8];
	_ =	sdelay $0x3  }
0x33: {  	p0 =	seq.s32 s10, $0x1;
	s10 =	sld [smem:$0x3FBA];
	_ =	sdelay $0x3  }
0x34: {  	[smem:$0x3FBA] =	sst s10  }
0x35: {  	s10 =	sld [smem:$0x3FB9];
	_ =	sdelay $0x3  }
0x36: {  	p1 =	seq.s32 s10, $0x1;
	s10 =	sld [smem:$0x3FBA];
	_ =	sdelay $0x3  }
0x37: {  	[smem:$0x3FBA] =	sst s10  }
0x38: {  	s10 =	sld [smem:$0x3FBB]  }
0x39: {  	_ = 	snop;
	(pc) =	sbr.ind lr, $3  }
0x3a: {  	_ = 	snop  }
0x3b: {  	_ = 	snop  }
0x3c: {  	p2 =	seq.s32 s10, $0x1;
	s10 =	sld [smem:$0x3FBA]  }
0x3d: {  	_ =	shalt  }
0x3e: {  	_ =	shalt  }
0x3f: {  	_ =	shalt  }
0x40: {  	_ =	shalt  }
0x41: {  	_ =	shalt  }
0x42: {  	_ =	shalt  }
0x43: {  	_ =	shalt  }
0x44: {  	_ =	shalt  }
0x45: {  	_ =	shalt  }
0x46: {  	_ =	shalt  }
0x47: {  	_ =	shalt  }
0x48: {  	_ =	shalt  }
0x49: {  	_ =	shalt  }
0x4a: {  	_ =	shalt  }
0x4b: {  	_ =	shalt  }
0x4c: {  	_ =	shalt  }
0x4d: {  	_ =	shalt  }
0x4e: {  	_ =	shalt  }
0x4f: {  	_ =	shalt  }
0x50: {  	_ =	shalt  }
0x51: {  	_ =	shalt  }
0x52: {  	_ =	shalt  }
0x53: {  	_ =	shalt  }
0x54: {  	_ =	shalt  }
0x55: {  	_ =	shalt  }
0x56: {  	_ =	shalt  }
0x57: {  	_ =	shalt  }
0x58: {  	_ =	shalt  }
0x59: {  	_ =	shalt  }
0x5a: {  	_ =	shalt  }
0x5b: {  	_ =	shalt  }
0x5c: {  	_ =	shalt  }
0x5d: {  	_ =	shalt  }
0x5e: {  	_ =	shalt  }
0x5f: {  	_ =	shalt  }
0x60: {  	_ =	shalt  }
0x61: {  	_ =	shalt  }
0x62: {  	_ =	shalt  }
0x63: {  	_ =	shalt  }
0x64: {  	_ =	shalt  }
0x65: {  	_ =	shalt  }
0x66: {  	_ =	shalt  }
0x67: {  	_ =	shalt  }
0x68: {  	_ =	shalt  }
0x69: {  	_ =	shalt  }
0x6a: {  	_ =	shalt  }
0x6b: {  	_ =	shalt  }
0x6c: {  	_ =	shalt  }
0x6d: {  	_ =	shalt  }
0x6e: {  	_ =	shalt  }
0x6f: {  	_ =	shalt  }
0x70: {  	_ =	shalt  }
0x71: {  	_ =	shalt  }
0x72: {  	_ =	shalt  }
0x73: {  	_ =	shalt  }
0x74: {  	_ =	shalt  }
0x75: {  	_ =	shalt  }
0x76: {  	_ =	shalt  }
0x77: {  	_ =	shalt  }
0x78: {  	_ =	shalt  }
0x79: {  	_ =	shalt  }
0x7a: {  	_ =	shalt  }
0x7b: {  	_ =	shalt  }
0x7c: {  	_ =	shalt  }
0x7d: {  	_ =	shalt  }
0x7e: {  	_ =	shalt  }
0x7f: {  	_ =	shalt  }
0x80: {  	_ =	shalt  }
0x81: {  	_ =	shalt  }
0x82: {  	_ =	shalt  }
0x83: {  	_ =	shalt  }
0x84: {  	_ =	shalt  }
0x85: {  	_ =	shalt  }
0x86: {  	_ =	shalt  }
0x87: {  	_ =	shalt  }
.Lfunc_end0:
.L_simem_size_0:
called_computation_lowered:
.L_overlay_start_0:
0x88: {  	s2 =	sld [smem:$0x3FD9]  }
0x89: {  	s3 =	sld [smem:$0x3FFE];
	_ =	sdelay $0x1  }
0x8a: {  	s1 =	srdreg.scid  }
0x8b: {  	s0 =	sand.u32 $0x1, s1  }
0x8c: {  	s17 =	sshll.u32 s0, $0xA;
	s2 =	sadd.s32 s3, s2  }
0x8d: {  	s2 =	sadd.s32 s2, s17  }
0x8e: {  	[smem:$0x3FC6] =	sst s2  }
0x8f: {  	_ = 	snop  }
0x90: {  	s2 =	sld [smem:$0x3FD0];
	(tm) =	ssettm $0x1  }
0x91: {  	s18 =	sld [smem:$0x3FFB];
	_ =	sdelay $0x3  }
0x92: {  	_ =	strace s18  }
0x93: {  	s3 =	sld [smem:$0x3FFC];
	_ =	sdelay $0x3  }
0x94: {  	_ =	strace s3  }
0x95: {  	s3 =	sld [smem:$0x3FFD];
	_ =	sdelay $0x3  }
0x96: {  	_ =	strace s3  }
0x97: {  	_ =	strace $0x8FFFFFFF  }
0x98: {  	s19 =	sld [smem:$0x3FDB];
	_ =	sdelay $0x1  }
0x99: {  	s4 =	simm.s32 $_scs_section_size  }
0x9a: {  	s5 =	simm.s32 $_size__tile_overlayer_lowered;
	s6 =	simm.s32 $_tile_overlayer_lowered  }
0x9b: {  	s22 =	simm.s32 $0x1BFF;
	s21 =	sshll.u32 s6, $0x1;
	s3 =	sadd.s32 s4, s19  }
0x9c: {  	s7 =	simm.s32 $0x0;
	s20 =	sshll.u32 s5, $0x1;
	s5 =	sadd.s32 s21, s3  }
0x9d: {  	[timem:s7], [sflag:s22] =	dma.local [hbm:s5], s20  }
0x9e: {  	_ =	swait.ge [sflag:s22], s20  }
0x9f: {  	s4 =	ssub.s32 $0x0, s20;
	[sflag:s22] =	ssyncset.done $0x0  }
0xa0: {  	[sflag:s22] =	ssyncadd.s32 s4;
	_ =	sdelay $0x1  }
0xa1: {  	s23 =	simm.s32 $0x1B8B  }
0xa2: {  	_ =	swait.ge [sflag:s23], $0x1  }
0xa3: {  	[sflag:s23] =	ssyncset.done $0x0  }
0xa4: {  	s25 =	simm.s32 $0x1B8E;
	s24 =	sld [smem:$0x3FFE];
	[sflag:s23] =	ssyncadd.s32 $0xFFFFFFFF  }
0xa5: {  	s26 =	simm.s32 $execute0_lowered;
	[smem:$0x3FD2] =	sst s25  }
0xa6: {  	s5 =	sshll.u32 s26, $0x1;
	_ =	strace $0x80000046;
	[dreg:$0x1] =	wrdreg $0xFFFFFFFF  }
0xa7: {  	s28 =	simm.s32 $_size_execute0_lowered;
	s3 =	sadd.s32 s3, s5;
	[dreg:$0x0] =	wrdreg $0x0  }
0xa8: {  	s5 =	sshll.u32 s28, $0x1;
	[dreg:$0x2] =	wrdreg s3  }
0xa9: {  	[dreg:$0x3] =	wrdreg s5  }
0xaa: {  	[dreg:$0x4] =	wrdreg $0xC0  }
0xab: {  	_ =	task [dreg:s7], $0x5FFFF  }
0xac: {  	[dreg:$0x1] =	wrdreg $0xFFFFFFFF  }
0xad: {  	[dreg:$0x0] =	wrdreg $0x60  }
0xae: {  	[dreg:$0x2] =	wrdreg s24  }
0xaf: {  	[dreg:$0x3] =	wrdreg s2  }
0xb0: {  	[dreg:$0x4] =	wrdreg $0x9  }
0xb1: {  	_ =	task.clear_ibuf [dreg:s7], $0x5FFFF;
	_ =	strace $0x90000046  }
0xb2: {  	s29 =	simm.s32 $0x9;
	_ =	strace $0x80000048  }
0xb3: {  	_ =	swait.ge [sflag:s29], $0x1  }
0xb4: {  	[sflag:s29] =	ssyncadd.s32 $0xFFFFFFFF  }
0xb5: {  	_ =	strace $0x90000048  }
0xb6: {  	_ =	sfence  }
0xb7: {  	s30 =	sld [smem:$0x0];
	_ =	sdelay $0x2  }
0xb8: {  	s31 =	sshll.u32 s1, $0xD;
	s1 =	sshrl.u32 s1, $0x2  }
0xb9: {  	s3 =	sand.u32 $0x4000, s31;
	s1 =	sadd.s32 s1, s30  }
0xba: {  	s0 =	sor.u32 s3, s0;
	s1 =	sshll.u32 s1, $0x11  }
0xbb: {  	s0 =	sor.u32 s1, s0  }
0xbc: {  	s0 =	sadd.s32 $0x8F2B, s0  }
0xbd: {  	[sflag:s0] =	ssyncadd.remote.s32 $0x1  }
0xbe: {  	_ =	sfence.sel $0xFFFF  }
0xbf: {  	[dreg:$0x0] =	wrdreg $0xFFFFFFFF;
	(pc) =	sbr.abs _section_cstart, $3  }
0xc0: {  	[dreg:$0x1] =	wrdreg $0xFFFFFFFF  }
0xc1: {  	_ =	task.clear_ibuf [dreg:s7], $0x2FFFF;
	_ =	strace $0x9FFFFFFF  }
0xc2: {  	(tm) =	ssettm $0x7FFFFFFF  }
0xc3: {  	_ =	shalt  }
tec
execute0_lowered:
.L_overlay_start_1:
0x0: {  	(tag) =	ssettag $0x1  }
0x1: {  	s1 =	srdreg.scid  }
0x2: {  	s0 =	stileid.u32;
	s5 =	rddreg [dreg:$0x0]  }
0x3: {  	s28 =	simm.s32 $0x200;
	s29 =	simm.s32 $0x180;
	s1 =	sand.u32 $0x1, s1  }
0x4: {  	s4 =	sshrl.u32 s0, $0x1;
	s2 =	sshll.u32 s0, $0xF;
	s3 =	sshll.u32 s1, $0xE  }
0x5: {  	s30 =	simm.s32 $0x100;
	s14 =	sshll.u32 s4, $0x10;
	s2 =	sor.u32 s3, s2  }
0x6: {  	s31 =	simm.s32 $0x80;
	s15 =	sshll.u32 s4, $0xD;
	s6 =	ssub.s32 s2, s14  }
0x7: {  	s4 =	sshll.u32 s4, $0x16;
	s1 =	ssub.s32 $0x2, s1;
	s2 =	ssub.s32 s6, s15  }
0x8: {  	s3 =	rddreg [dreg:$0x1];
	s4 =	sadd.s32 s4, s6;
	s7 =	sadd.s32 $0xE000, s2  }
0x9: {  	s2 =	simm.s32 $0x0;
	s6 =	sshrl.u32 s4, $0x3;
	s17 =	sadd.s32 $0x10000, s4  }
0xa: {  	s19 =	sadd.s32 $0x20000, s4;
	s20 =	sadd.s32 $0x30000, s4;
	s24 =	sadd.s32 $0x40000, s4  }
0xb: {  	s26 =	sadd.s32 $0x50000, s4;
	s0 =	sadd.s32 $0x60000, s4;
	s10 =	sadd.s32 $0x70000, s4  }
0xc: {  	s12 =	sadd.s32 $0x80000, s4;
	s13 =	sadd.s32 $0x90000, s4;
	s7 =	sshrl.u32 s7, $0x3  }
0xd: {  	[smem:$0x7FF] =	sst s2;
	s16 =	sadd.s32 s3, s6;
	s18 =	sshrl.u32 s17, $0x3  }
0xe: {  	s6 =	sshrl.u32 s19, $0x3;
	s22 =	sshrl.u32 s20, $0x3;
	s25 =	sshrl.u32 s24, $0x3  }
0xf: {  	s8 =	sshrl.u32 s0, $0x3;
	s11 =	sshrl.u32 s10, $0x3;
	s15 =	sshrl.u32 s13, $0x3  }
0x10: {  	s17 =	sadd.s32 $0xA0000, s4;
	s19 =	sadd.s32 $0xB0000, s4;
	s20 =	sadd.s32 $0xC0000, s4  }
0x11: {  	s24 =	sadd.s32 $0xD0000, s4;
	s0 =	sadd.s32 $0xF0000, s4;
	s10 =	sadd.s32 $0x100000, s4  }
0x12: {  	s13 =	sadd.s32 $0x120000, s4;
	s5 =	sadd.s32 s7, s5;
	_ =	strace $0x80000047  }
0x13: {  	[dreg:$0x4] =	wrdreg s16;
	s21 =	sadd.s32 s3, s6;
	s23 =	sadd.s32 s3, s22  }
0x14: {  	s6 =	sshrl.u32 s26, $0x3;
	s9 =	sadd.s32 s3, s8;
	s16 =	sadd.s32 s3, s15  }
0x15: {  	s22 =	sshrl.u32 s20, $0x3;
	s26 =	sadd.s32 $0xE0000, s4;
	s8 =	sshrl.u32 s0, $0x3  }
0x16: {  	s15 =	sshrl.u32 s13, $0x3;
	s20 =	sadd.s32 $0x150000, s4;
	[dreg:$0x6] =	wrdreg s21  }
0x17: {  	s0 =	sadd.s32 $0x180000, s4;
	s13 =	sadd.s32 $0x1B0000, s4;
	[dreg:$0x7] =	wrdreg s23  }
0x18: {  	s5 =	sadd.s32 $0x600, s5;
	s6 =	sadd.s32 s3, s6;
	[dreg:$0xa] =	wrdreg s9  }
0x19: {  	[dreg:$0xd] =	wrdreg s16;
	s23 =	sadd.s32 s3, s22;
	s9 =	sadd.s32 s3, s8  }
0x1a: {  	s16 =	sadd.s32 s3, s15;
	s22 =	sshrl.u32 s20, $0x3;
	s8 =	sshrl.u32 s0, $0x3  }
0x1b: {  	s15 =	sshrl.u32 s13, $0x3;
	s20 =	sadd.s32 $0x1E0000, s4;
	[dreg:$0x3] =	wrdreg s5  }
0x1c: {  	s0 =	sadd.s32 $0x210000, s4;
	s13 =	sadd.s32 $0x240000, s4;
	[dreg:$0x9] =	wrdreg s6  }
0x1d: {  	s5 =	sadd.s32 s3, s18;
	s6 =	sshrl.u32 s12, $0x3;
	[dreg:$0x10] =	wrdreg s23  }
0x1e: {  	s18 =	sshrl.u32 s17, $0x3;
	[dreg:$0x13] =	wrdreg s9;
	s12 =	sadd.s32 $0x110000, s4  }
0x1f: {  	s17 =	sadd.s32 $0x130000, s4;
	[dreg:$0x16] =	wrdreg s16;
	s23 =	sadd.s32 s3, s22  }
0x20: {  	s9 =	sadd.s32 s3, s8;
	s16 =	sadd.s32 s3, s15;
	s22 =	sshrl.u32 s20, $0x3  }
0x21: {  	s8 =	sshrl.u32 s0, $0x3;
	s15 =	sshrl.u32 s13, $0x3;
	[dreg:$0x5] =	wrdreg s5  }
0x22: {  	s20 =	sadd.s32 $0x270000, s4;
	s0 =	sadd.s32 $0x2A0000, s4;
	[dreg:$0x19] =	wrdreg s23  }
0x23: {  	s13 =	sadd.s32 $0x2D0000, s4;
	s5 =	sadd.s32 s3, s25;
	[dreg:$0x1c] =	wrdreg s9  }
0x24: {  	s14 =	sadd.s32 s3, s6;
	s6 =	sshrl.u32 s19, $0x3;
	[dreg:$0x1f] =	wrdreg s16  }
0x25: {  	s25 =	sshrl.u32 s24, $0x3;
	s19 =	sadd.s32 $0x140000, s4;
	[dreg:$0x8] =	wrdreg s5  }
0x26: {  	s24 =	sadd.s32 $0x160000, s4;
	s23 =	sadd.s32 s3, s22;
	[dreg:$0xc] =	wrdreg s14  }
0x27: {  	s9 =	sadd.s32 s3, s8;
	s16 =	sadd.s32 s3, s15;
	[smem:$0x7B7] =	sst s23  }
0x28: {  	s22 =	sshrl.u32 s20, $0x3;
	s8 =	sshrl.u32 s0, $0x3;
	[smem:$0x7BA] =	sst s9  }
0x29: {  	s15 =	sshrl.u32 s13, $0x3;
	s5 =	sadd.s32 s3, s11;
	[smem:$0x7BD] =	sst s16  }
0x2a: {  	s20 =	sadd.s32 $0x300000, s4;
	s21 =	sadd.s32 s3, s6;
	[dreg:$0xb] =	wrdreg s5  }
0x2b: {  	s0 =	sadd.s32 $0x330000, s4;
	s23 =	sadd.s32 s3, s22;
	[dreg:$0xf] =	wrdreg s21  }
0x2c: {  	s13 =	sadd.s32 $0x360000, s4;
	s9 =	sadd.s32 s3, s8;
	[smem:$0x7C0] =	sst s23  }
0x2d: {  	s6 =	sshrl.u32 s26, $0x3;
	s16 =	sadd.s32 s3, s15;
	[smem:$0x7C3] =	sst s9  }
0x2e: {  	s15 =	sshrl.u32 s13, $0x3;
	s13 =	simm.s32 $0x1F80;
	[smem:$0x7C6] =	sst s16  }
0x2f: {  	s11 =	sshrl.u32 s10, $0x3;
	s5 =	sadd.s32 s3, s18;
	[smem:$0x7D9] =	sst s13  }
0x30: {  	s22 =	sshrl.u32 s20, $0x3;
	s6 =	sadd.s32 s3, s6;
	[dreg:$0xe] =	wrdreg s5  }
0x31: {  	s8 =	sshrl.u32 s0, $0x3;
	s23 =	sadd.s32 s3, s22;
	[dreg:$0x12] =	wrdreg s6  }
0x32: {  	s26 =	sadd.s32 $0x170000, s4;
	s9 =	sadd.s32 s3, s8;
	[smem:$0x7C9] =	sst s23  }
0x33: {  	s20 =	sadd.s32 $0x390000, s4;
	s16 =	sadd.s32 s3, s15;
	[smem:$0x7CC] =	sst s9  }
0x34: {  	s0 =	sadd.s32 $0x3C0000, s4;
	s15 =	simm.s32 $0x1E80;
	[smem:$0x7CF] =	sst s16  }
0x35: {  	s22 =	sshrl.u32 s20, $0x3;
	s20 =	simm.s32 $0x1C00;
	[smem:$0x7DB] =	sst s15  }
0x36: {  	s7 =	sshrl.u32 s0, $0x3;
	s0 =	simm.s32 $0x1880;
	[smem:$0x7E0] =	sst s20  }
0x37: {  	s10 =	sadd.s32 $0x190000, s4;
	s13 =	simm.s32 $0x1380;
	[smem:$0x7E7] =	sst s0  }
0x38: {  	s18 =	sshrl.u32 s17, $0x3;
	s5 =	sadd.s32 s3, s25;
	[smem:$0x7F1] =	sst s13  }
0x39: {  	s17 =	sadd.s32 $0x1C0000, s4;
	s23 =	sadd.s32 s3, s22;
	[dreg:$0x11] =	wrdreg s5  }
0x3a: {  	s6 =	sshrl.u32 s12, $0x3;
	s8 =	sadd.s32 s3, s7;
	[smem:$0x7D2] =	sst s23  }
0x3b: {  	s25 =	sshrl.u32 s24, $0x3;
	s16 =	simm.s32 $0x1E00;
	[smem:$0x7D5] =	sst s8  }
0x3c: {  	s12 =	sadd.s32 $0x1A0000, s4;
	s22 =	simm.s32 $0x1B00;
	[smem:$0x7DC] =	sst s16  }
0x3d: {  	s24 =	sadd.s32 $0x1F0000, s4;
	s7 =	simm.s32 $0x1680;
	[smem:$0x7E2] =	sst s22  }
0x3e: {  	s9 =	sadd.s32 $0x3D0000, s4;
	s15 =	simm.s32 $0x1280;
	[smem:$0x7EB] =	sst s7  }
0x3f: {  	s20 =	simm.s32 $0x1000;
	s13 =	simm.s32 $0x900;
	[smem:$0x7F3] =	sst s15  }
0x40: {  	s5 =	sadd.s32 s3, s11;
	s14 =	sadd.s32 s3, s6;
	[smem:$0x7F8] =	sst s20  }
0x41: {  	s6 =	sshrl.u32 s19, $0x3;
	s11 =	sshrl.u32 s10, $0x3;
	[dreg:$0x14] =	wrdreg s5  }
0x42: {  	s19 =	sadd.s32 $0x1D0000, s4;
	s23 =	simm.s32 $0x1A80;
	[dreg:$0x15] =	wrdreg s14  }
0x43: {  	s10 =	sadd.s32 $0x220000, s4;
	s8 =	simm.s32 $0x1600;
	[smem:$0x7E3] =	sst s23  }
0x44: {  	s16 =	simm.s32 $0x1200;
	s22 =	simm.s32 $0xF00;
	[smem:$0x7EC] =	sst s8  }
0x45: {  	s15 =	simm.s32 $0x800;
	s20 =	simm.s32 $0x580;
	[smem:$0x7F4] =	sst s16  }
0x46: {  	s5 =	sadd.s32 s3, s18;
	s21 =	sadd.s32 s3, s6;
	[smem:$0x7FA] =	sst s22  }
0x47: {  	s6 =	sshrl.u32 s26, $0x3;
	s18 =	sshrl.u32 s17, $0x3;
	[dreg:$0x17] =	wrdreg s5  }
0x48: {  	s26 =	sadd.s32 $0x200000, s4;
	s23 =	simm.s32 $0xE80;
	[dreg:$0x18] =	wrdreg s21  }
0x49: {  	s17 =	sadd.s32 $0x250000, s4;
	s5 =	sadd.s32 s3, s25;
	[smem:$0x7FB] =	sst s23  }
0x4a: {  	s6 =	sadd.s32 s3, s6;
	s25 =	sshrl.u32 s24, $0x3;
	[dreg:$0x1a] =	wrdreg s5  }
0x4b: {  	s24 =	sadd.s32 $0x280000, s4;
	[dreg:$0x1b] =	wrdreg s6;
	s5 =	sadd.s32 s3, s11  }
0x4c: {  	s6 =	sshrl.u32 s12, $0x3;
	s11 =	sshrl.u32 s10, $0x3;
	s12 =	sadd.s32 $0x230000, s4  }
0x4d: {  	s10 =	sadd.s32 $0x2B0000, s4;
	[dreg:$0x1d] =	wrdreg s5;
	s14 =	sadd.s32 s3, s6  }
0x4e: {  	s5 =	sadd.s32 s3, s18;
	s6 =	sshrl.u32 s19, $0x3;
	s18 =	sshrl.u32 s17, $0x3  }
0x4f: {  	s19 =	sadd.s32 $0x260000, s4;
	s17 =	sadd.s32 $0x2E0000, s4;
	[dreg:$0x1e] =	wrdreg s14  }
0x50: {  	[smem:$0x7B5] =	sst s5;
	s21 =	sadd.s32 s3, s6;
	s5 =	sadd.s32 s3, s25  }
0x51: {  	s6 =	sshrl.u32 s26, $0x3;
	s25 =	sshrl.u32 s24, $0x3;
	[smem:$0x7B6] =	sst s21  }
0x52: {  	s26 =	sadd.s32 $0x290000, s4;
	s24 =	sadd.s32 $0x310000, s4;
	[smem:$0x7B8] =	sst s5  }
0x53: {  	s6 =	sadd.s32 s3, s6;
	s5 =	sadd.s32 s3, s11;
	s11 =	sshrl.u32 s10, $0x3  }
0x54: {  	s10 =	sadd.s32 $0x340000, s4;
	[smem:$0x7B9] =	sst s6;
	s6 =	sshrl.u32 s12, $0x3  }
0x55: {  	[smem:$0x7BB] =	sst s5;
	s5 =	sadd.s32 s3, s18;
	s12 =	sadd.s32 $0x2C0000, s4  }
0x56: {  	s18 =	sshrl.u32 s17, $0x3;
	s14 =	sadd.s32 s3, s6;
	[smem:$0x7BE] =	sst s5  }
0x57: {  	s6 =	sshrl.u32 s19, $0x3;
	s5 =	sadd.s32 s3, s25;
	[smem:$0x7BC] =	sst s14  }
0x58: {  	s21 =	sadd.s32 s3, s6;
	s6 =	sshrl.u32 s26, $0x3;
	[smem:$0x7C1] =	sst s5  }
0x59: {  	s5 =	sadd.s32 s3, s11;
	s11 =	sshrl.u32 s10, $0x3;
	[smem:$0x7BF] =	sst s21  }
0x5a: {  	s10 =	sshrl.u32 s9, $0x3;
	s9 =	simm.s32 $0x1580;
	[smem:$0x7C4] =	sst s5  }
0x5b: {  	s17 =	sadd.s32 $0x370000, s4;
	s6 =	sadd.s32 s3, s6;
	[smem:$0x7ED] =	sst s9  }
0x5c: {  	s25 =	sshrl.u32 s24, $0x3;
	s5 =	sadd.s32 s3, s18;
	[smem:$0x7C2] =	sst s6  }
0x5d: {  	s18 =	sshrl.u32 s17, $0x3;
	s17 =	simm.s32 $0x1D80;
	[smem:$0x7C7] =	sst s5  }
0x5e: {  	s24 =	sadd.s32 $0x3A0000, s4;
	s5 =	sadd.s32 s3, s25;
	[smem:$0x7DD] =	sst s17  }
0x5f: {  	s25 =	sshrl.u32 s24, $0x3;
	s24 =	simm.s32 $0x1A00;
	[smem:$0x7CA] =	sst s5  }
0x60: {  	s6 =	sshrl.u32 s12, $0x3;
	s17 =	simm.s32 $0x1180;
	[smem:$0x7E4] =	sst s24  }
0x61: {  	s19 =	sadd.s32 $0x2F0000, s4;
	s14 =	sadd.s32 s3, s6;
	[smem:$0x7F5] =	sst s17  }
0x62: {  	s6 =	sshrl.u32 s19, $0x3;
	s5 =	sadd.s32 s3, s11;
	[smem:$0x7C5] =	sst s14  }
0x63: {  	s8 =	simm.s32 $0xB80;
	s21 =	sadd.s32 s3, s6;
	[smem:$0x7CD] =	sst s5  }
0x64: {  	s26 =	sadd.s32 $0x320000, s4;
	s5 =	sadd.s32 s3, s18;
	[smem:$0x7C8] =	sst s21  }
0x65: {  	s6 =	sshrl.u32 s26, $0x3;
	s18 =	simm.s32 $0x1D00;
	[smem:$0x7D0] =	sst s5  }
0x66: {  	s16 =	simm.s32 $0x780;
	s6 =	sadd.s32 s3, s6;
	[smem:$0x7DE] =	sst s18  }
0x67: {  	s22 =	simm.s32 $0x480;
	s5 =	sadd.s32 s3, s25;
	[smem:$0x7CB] =	sst s6  }
0x68: {  	s23 =	simm.s32 $0x400;
	s25 =	simm.s32 $0x1980;
	[smem:$0x7D3] =	sst s5  }
0x69: {  	s9 =	simm.s32 $0xB00;
	s18 =	simm.s32 $0x1100;
	[smem:$0x7E5] =	sst s25  }
0x6a: {  	s12 =	sadd.s32 $0x350000, s4;
	s5 =	sadd.s32 s3, s10;
	[smem:$0x7F6] =	sst s18  }
0x6b: {  	s19 =	sadd.s32 $0x380000, s4;
	s10 =	simm.s32 $0x1500;
	[smem:$0x7D6] =	sst s5  }
0x6c: {  	s6 =	sshrl.u32 s12, $0x3;
	s25 =	simm.s32 $0xE00;
	[smem:$0x7EE] =	sst s10  }
0x6d: {  	s11 =	sadd.s32 $0x3E0000, s4;
	s14 =	sadd.s32 s3, s6;
	[smem:$0x7FC] =	sst s25  }
0x6e: {  	s6 =	sshrl.u32 s19, $0x3;
	s19 =	simm.s32 $0x1C80;
	[smem:$0x7CE] =	sst s14  }
0x6f: {  	s24 =	sshrl.u32 s1, $0x1;
	s5 =	simm.s32 $0x1780;
	[smem:$0x7DF] =	sst s19  }
0x70: {  	s17 =	simm.s32 $0x700;
	s21 =	sadd.s32 s3, s6;
	[smem:$0x7E9] =	sst s5  }
0x71: {  	s26 =	sadd.s32 $0x3B0000, s4;
	s14 =	simm.s32 $0x1F00;
	[smem:$0x7D1] =	sst s21  }
0x72: {  	s6 =	sshrl.u32 s26, $0x3;
	s26 =	simm.s32 $0x1900;
	[smem:$0x7DA] =	sst s14  }
0x73: {  	s4 =	sadd.s32 $0x3F0000, s4;
	s19 =	simm.s32 $0x1080;
	[smem:$0x7E6] =	sst s26  }
0x74: {  	s1 =	ssub.s32 s1, s24;
	s6 =	sadd.s32 s3, s6;
	[smem:$0x7F7] =	sst s19  }
0x75: {  	s24 =	simm.s32 $0x380;
	s21 =	simm.s32 $0x1B80;
	[smem:$0x7D4] =	sst s6  }
0x76: {  	s4 =	sshrl.u32 s4, $0x3;
	s14 =	simm.s32 $0x1300;
	[smem:$0x7E1] =	sst s21  }
0x77: {  	s18 =	simm.s32 $0x680;
	s26 =	simm.s32 $0xD80;
	[smem:$0x7F2] =	sst s14  }
0x78: {  	s6 =	sshrl.u32 s11, $0x3;
	s11 =	simm.s32 $0x1480;
	[smem:$0x7FD] =	sst s26  }
0x79: {  	s10 =	simm.s32 $0xA80;
	s21 =	simm.s32 $0xF80;
	[smem:$0x7EF] =	sst s11  }
0x7a: {  	s25 =	simm.s32 $0x300;
	s12 =	sadd.s32 s3, s6;
	[smem:$0x7F9] =	sst s21  }
0x7b: {  	s19 =	simm.s32 $0x600;
	s3 =	sadd.s32 s3, s4;
	[smem:$0x7D7] =	sst s12  }
0x7c: {  	s14 =	simm.s32 $0x880;
	s4 =	simm.s32 $0x1800;
	[smem:$0x7D8] =	sst s3  }
0x7d: {  	s26 =	simm.s32 $0x280;
	s6 =	simm.s32 $0x1700;
	[smem:$0x7E8] =	sst s4  }
0x7e: {  	s11 =	simm.s32 $0xA00;
	s21 =	simm.s32 $0x500;
	[smem:$0x7EA] =	sst s6  }
0x7f: {  	s12 =	simm.s32 $0x1400;
	s3 =	smax.u32 s1, $0x1;
	s4 =	simm.s32 $0x2  }
0x80: {  	s1 =	simm.s32 $0x1;
	[smem:$0x7F0] =	sst s12;
	s12 =	simm.s32 $0x980  }
.LBB2_1:
0x81: {  	s0 =	rddreg [dreg:$0x3]  }
0x82: {  	[tilespmem:s2], [sflag:$0x2] =	stream.linear.gather [hbm4b:s0+s2], $0x6000, $0x38;
	[tilespmem:$0x6000] =	vst v63  }
0x83: {  	_ =	swait.ge [sflag:s4], $0x6000  }
0x84: {  	s5 =	sld [smem:$0x7D9]  }
0x85: {  	s6 =	rddreg [dreg:$0x4];
	[sflag:s4] =	ssyncset.done $0x0  }
0x86: {  	s0 =	rddreg [dreg:$0x5];
	[sflag:s4] =	ssyncadd.s32 $0xFFFFA000  }
0x87: {  	[hbm4b:s6+s2] =	stream.linear.scatter [tilespmem:s5], [sflag:$0x1], $0x4000, $0x38;
	[tilespmem:$0x6000] =	vst v63  }
0x88: {  	s5 =	sld [smem:$0x7DA]  }
0x89: {  	s7 =	sld [smem:$0x7DB]  }
0x8a: {  	s6 =	rddreg [dreg:$0x6]  }
0x8b: {  	[hbm4b:s0+s2] =	stream.linear.scatter [tilespmem:s5], [sflag:$0x1], $0x4000, $0x38;
	[tilespmem:$0x6000] =	vst v63  }
0x8c: {  	s0 =	rddreg [dreg:$0x7]  }
0x8d: {  	s5 =	sld [smem:$0x7DC]  }
0x8e: {  	[hbm4b:s6+s2] =	stream.linear.scatter [tilespmem:s7], [sflag:$0x1], $0x4000, $0x38;
	[tilespmem:$0x6000] =	vst v63  }
0x8f: {  	s6 =	rddreg [dreg:$0x8]  }
0x90: {  	s7 =	sld [smem:$0x7DD]  }
0x91: {  	[hbm4b:s0+s2] =	stream.linear.scatter [tilespmem:s5], [sflag:$0x1], $0x4000, $0x38;
	[tilespmem:$0x6000] =	vst v63  }
0x92: {  	s0 =	rddreg [dreg:$0x9]  }
0x93: {  	s5 =	sld [smem:$0x7DE]  }
0x94: {  	[hbm4b:s6+s2] =	stream.linear.scatter [tilespmem:s7], [sflag:$0x1], $0x4000, $0x38;
	[tilespmem:$0x6000] =	vst v63  }
0x95: {  	s6 =	rddreg [dreg:$0xa]  }
0x96: {  	s7 =	sld [smem:$0x7DF]  }
0x97: {  	[hbm4b:s0+s2] =	stream.linear.scatter [tilespmem:s5], [sflag:$0x1], $0x4000, $0x38;
	[tilespmem:$0x6000] =	vst v63  }
0x98: {  	s0 =	rddreg [dreg:$0xb]  }
0x99: {  	s5 =	sld [smem:$0x7E0]  }
0x9a: {  	[hbm4b:s6+s2] =	stream.linear.scatter [tilespmem:s7], [sflag:$0x1], $0x4000, $0x38;
	[tilespmem:$0x6000] =	vst v63  }
0x9b: {  	s6 =	rddreg [dreg:$0xc]  }
0x9c: {  	s7 =	sld [smem:$0x7E1]  }
0x9d: {  	[hbm4b:s0+s2] =	stream.linear.scatter [tilespmem:s5], [sflag:$0x1], $0x4000, $0x38;
	[tilespmem:$0x6000] =	vst v63  }
0x9e: {  	s0 =	rddreg [dreg:$0xd]  }
0x9f: {  	s5 =	sld [smem:$0x7E2]  }
0xa0: {  	[hbm4b:s6+s2] =	stream.linear.scatter [tilespmem:s7], [sflag:$0x1], $0x4000, $0x38;
	[tilespmem:$0x6000] =	vst v63  }
0xa1: {  	s6 =	rddreg [dreg:$0xe]  }
0xa2: {  	s7 =	sld [smem:$0x7E3]  }
0xa3: {  	[hbm4b:s0+s2] =	stream.linear.scatter [tilespmem:s5], [sflag:$0x1], $0x4000, $0x38;
	[tilespmem:$0x6000] =	vst v63  }
0xa4: {  	s0 =	rddreg [dreg:$0xf]  }
0xa5: {  	s5 =	sld [smem:$0x7E4]  }
0xa6: {  	[hbm4b:s6+s2] =	stream.linear.scatter [tilespmem:s7], [sflag:$0x1], $0x4000, $0x38;
	[tilespmem:$0x6000] =	vst v63  }
0xa7: {  	s6 =	rddreg [dreg:$0x10]  }
0xa8: {  	s7 =	sld [smem:$0x7E5]  }
0xa9: {  	[hbm4b:s0+s2] =	stream.linear.scatter [tilespmem:s5], [sflag:$0x1], $0x4000, $0x38;
	[tilespmem:$0x6000] =	vst v63  }
0xaa: {  	s0 =	rddreg [dreg:$0x11]  }
0xab: {  	s5 =	sld [smem:$0x7E6]  }
0xac: {  	[hbm4b:s6+s2] =	stream.linear.scatter [tilespmem:s7], [sflag:$0x1], $0x4000, $0x38;
	[tilespmem:$0x6000] =	vst v63  }
0xad: {  	s6 =	rddreg [dreg:$0x12]  }
0xae: {  	s7 =	sld [smem:$0x7E7]  }
0xaf: {  	[hbm4b:s0+s2] =	stream.linear.scatter [tilespmem:s5], [sflag:$0x1], $0x4000, $0x38;
	[tilespmem:$0x6000] =	vst v63  }
0xb0: {  	s0 =	rddreg [dreg:$0x13]  }
0xb1: {  	s5 =	sld [smem:$0x7E8]  }
0xb2: {  	[hbm4b:s6+s2] =	stream.linear.scatter [tilespmem:s7], [sflag:$0x1], $0x4000, $0x38;
	[tilespmem:$0x6000] =	vst v63  }
0xb3: {  	s6 =	rddreg [dreg:$0x14]  }
0xb4: {  	s7 =	sld [smem:$0x7E9]  }
0xb5: {  	[hbm4b:s0+s2] =	stream.linear.scatter [tilespmem:s5], [sflag:$0x1], $0x4000, $0x38;
	[tilespmem:$0x6000] =	vst v63  }
0xb6: {  	s0 =	rddreg [dreg:$0x15]  }
0xb7: {  	s5 =	sld [smem:$0x7EA]  }
0xb8: {  	[hbm4b:s6+s2] =	stream.linear.scatter [tilespmem:s7], [sflag:$0x1], $0x4000, $0x38;
	[tilespmem:$0x6000] =	vst v63  }
0xb9: {  	s6 =	rddreg [dreg:$0x16]  }
0xba: {  	s7 =	sld [smem:$0x7EB]  }
0xbb: {  	[hbm4b:s0+s2] =	stream.linear.scatter [tilespmem:s5], [sflag:$0x1], $0x4000, $0x38;
	[tilespmem:$0x6000] =	vst v63  }
0xbc: {  	s0 =	rddreg [dreg:$0x17]  }
0xbd: {  	s5 =	sld [smem:$0x7EC]  }
0xbe: {  	[hbm4b:s6+s2] =	stream.linear.scatter [tilespmem:s7], [sflag:$0x1], $0x4000, $0x38;
	[tilespmem:$0x6000] =	vst v63  }
0xbf: {  	s6 =	rddreg [dreg:$0x18]  }
0xc0: {  	s7 =	sld [smem:$0x7ED]  }
0xc1: {  	[hbm4b:s0+s2] =	stream.linear.scatter [tilespmem:s5], [sflag:$0x1], $0x4000, $0x38;
	[tilespmem:$0x6000] =	vst v63  }
0xc2: {  	s0 =	rddreg [dreg:$0x19]  }
0xc3: {  	s5 =	sld [smem:$0x7EE]  }
0xc4: {  	[hbm4b:s6+s2] =	stream.linear.scatter [tilespmem:s7], [sflag:$0x1], $0x4000, $0x38;
	[tilespmem:$0x6000] =	vst v63  }
0xc5: {  	s6 =	rddreg [dreg:$0x1a]  }
0xc6: {  	s7 =	sld [smem:$0x7EF]  }
0xc7: {  	[hbm4b:s0+s2] =	stream.linear.scatter [tilespmem:s5], [sflag:$0x1], $0x4000, $0x38;
	[tilespmem:$0x6000] =	vst v63  }
0xc8: {  	s0 =	rddreg [dreg:$0x1b]  }
0xc9: {  	s5 =	sld [smem:$0x7F0]  }
0xca: {  	[hbm4b:s6+s2] =	stream.linear.scatter [tilespmem:s7], [sflag:$0x1], $0x4000, $0x38;
	[tilespmem:$0x6000] =	vst v63  }
0xcb: {  	s6 =	rddreg [dreg:$0x1c]  }
0xcc: {  	s7 =	sld [smem:$0x7F1]  }
0xcd: {  	[hbm4b:s0+s2] =	stream.linear.scatter [tilespmem:s5], [sflag:$0x1], $0x4000, $0x38;
	[tilespmem:$0x6000] =	vst v63  }
0xce: {  	s0 =	rddreg [dreg:$0x1d]  }
0xcf: {  	s5 =	sld [smem:$0x7F2]  }
0xd0: {  	[hbm4b:s6+s2] =	stream.linear.scatter [tilespmem:s7], [sflag:$0x1], $0x4000, $0x38;
	[tilespmem:$0x6000] =	vst v63  }
0xd1: {  	s6 =	rddreg [dreg:$0x1e]  }
0xd2: {  	s7 =	sld [smem:$0x7F3]  }
0xd3: {  	[hbm4b:s0+s2] =	stream.linear.scatter [tilespmem:s5], [sflag:$0x1], $0x4000, $0x38;
	[tilespmem:$0x6000] =	vst v63  }
0xd4: {  	s0 =	rddreg [dreg:$0x1f]  }
0xd5: {  	s5 =	sld [smem:$0x7F4]  }
0xd6: {  	[hbm4b:s6+s2] =	stream.linear.scatter [tilespmem:s7], [sflag:$0x1], $0x4000, $0x38;
	[tilespmem:$0x6000] =	vst v63  }
0xd7: {  	s6 =	sld [smem:$0x7B5]  }
0xd8: {  	s7 =	sld [smem:$0x7F5]  }
0xd9: {  	[hbm4b:s0+s2] =	stream.linear.scatter [tilespmem:s5], [sflag:$0x1], $0x4000, $0x38;
	[tilespmem:$0x6000] =	vst v63  }
0xda: {  	s0 =	sld [smem:$0x7B6]  }
0xdb: {  	s5 =	sld [smem:$0x7F6]  }
0xdc: {  	[hbm4b:s6+s2] =	stream.linear.scatter [tilespmem:s7], [sflag:$0x1], $0x4000, $0x38;
	[tilespmem:$0x6000] =	vst v63  }
0xdd: {  	s6 =	sld [smem:$0x7B7]  }
0xde: {  	s7 =	sld [smem:$0x7F7]  }
0xdf: {  	[hbm4b:s0+s2] =	stream.linear.scatter [tilespmem:s5], [sflag:$0x1], $0x4000, $0x38;
	[tilespmem:$0x6000] =	vst v63  }
0xe0: {  	s0 =	sld [smem:$0x7B8]  }
0xe1: {  	s5 =	sld [smem:$0x7F8]  }
0xe2: {  	[hbm4b:s6+s2] =	stream.linear.scatter [tilespmem:s7], [sflag:$0x1], $0x4000, $0x38;
	[tilespmem:$0x6000] =	vst v63  }
0xe3: {  	s6 =	sld [smem:$0x7B9]  }
0xe4: {  	s7 =	sld [smem:$0x7F9]  }
0xe5: {  	[hbm4b:s0+s2] =	stream.linear.scatter [tilespmem:s5], [sflag:$0x1], $0x4000, $0x38;
	[tilespmem:$0x6000] =	vst v63  }
0xe6: {  	s0 =	sld [smem:$0x7BA]  }
0xe7: {  	s5 =	sld [smem:$0x7FA]  }
0xe8: {  	[hbm4b:s6+s2] =	stream.linear.scatter [tilespmem:s7], [sflag:$0x1], $0x4000, $0x38;
	[tilespmem:$0x6000] =	vst v63  }
0xe9: {  	s6 =	sld [smem:$0x7BB]  }
0xea: {  	s7 =	sld [smem:$0x7FB]  }
0xeb: {  	[hbm4b:s0+s2] =	stream.linear.scatter [tilespmem:s5], [sflag:$0x1], $0x4000, $0x38;
	[tilespmem:$0x6000] =	vst v63  }
0xec: {  	s0 =	sld [smem:$0x7BC]  }
0xed: {  	s5 =	sld [smem:$0x7FC]  }
0xee: {  	[hbm4b:s6+s2] =	stream.linear.scatter [tilespmem:s7], [sflag:$0x1], $0x4000, $0x38;
	[tilespmem:$0x6000] =	vst v63  }
0xef: {  	s6 =	sld [smem:$0x7BD]  }
0xf0: {  	s7 =	sld [smem:$0x7FD]  }
0xf1: {  	[hbm4b:s0+s2] =	stream.linear.scatter [tilespmem:s5], [sflag:$0x1], $0x4000, $0x38;
	[tilespmem:$0x6000] =	vst v63  }
0xf2: {  	s0 =	sld [smem:$0x7BE]  }
0xf3: {  	[hbm4b:s6+s2] =	stream.linear.scatter [tilespmem:s7], [sflag:$0x1], $0x4000, $0x38;
	[tilespmem:$0x6000] =	vst v63  }
0xf4: {  	s5 =	sld [smem:$0x7BF];
	s7 =	simm.s32 $0xD00  }
0xf5: {  	[hbm4b:s0+s2] =	stream.linear.scatter [tilespmem:s7], [sflag:$0x1], $0x4000, $0x38;
	[tilespmem:$0x6000] =	vst v63  }
0xf6: {  	s0 =	sld [smem:$0x7C0];
	s7 =	simm.s32 $0xC80  }
0xf7: {  	[hbm4b:s5+s2] =	stream.linear.scatter [tilespmem:s7], [sflag:$0x1], $0x4000, $0x38;
	[tilespmem:$0x6000] =	vst v63  }
0xf8: {  	s5 =	sld [smem:$0x7C1];
	s7 =	simm.s32 $0xC00  }
0xf9: {  	[hbm4b:s0+s2] =	stream.linear.scatter [tilespmem:s7], [sflag:$0x1], $0x4000, $0x38;
	[tilespmem:$0x6000] =	vst v63  }
0xfa: {  	s7 =	sld [smem:$0x7C2]  }
0xfb: {  	[hbm4b:s5+s2] =	stream.linear.scatter [tilespmem:s8], [sflag:$0x1], $0x4000, $0x38;
	[tilespmem:$0x6000] =	vst v63  }
0xfc: {  	s6 =	sld [smem:$0x7C3]  }
0xfd: {  	[hbm4b:s7+s2] =	stream.linear.scatter [tilespmem:s9], [sflag:$0x1], $0x4000, $0x38;
	[tilespmem:$0x6000] =	vst v63  }
0xfe: {  	s7 =	sld [smem:$0x7C4]  }
0xff: {  	[hbm4b:s6+s2] =	stream.linear.scatter [tilespmem:s10], [sflag:$0x1], $0x4000, $0x38;
	[tilespmem:$0x6000] =	vst v63  }
0x100: {  	s6 =	sld [smem:$0x7C5]  }
0x101: {  	[hbm4b:s7+s2] =	stream.linear.scatter [tilespmem:s11], [sflag:$0x1], $0x4000, $0x38;
	[tilespmem:$0x6000] =	vst v63  }
0x102: {  	s7 =	sld [smem:$0x7C6]  }
0x103: {  	[hbm4b:s6+s2] =	stream.linear.scatter [tilespmem:s12], [sflag:$0x1], $0x4000, $0x38;
	[tilespmem:$0x6000] =	vst v63  }
0x104: {  	s6 =	sld [smem:$0x7C7]  }
0x105: {  	[hbm4b:s7+s2] =	stream.linear.scatter [tilespmem:s13], [sflag:$0x1], $0x4000, $0x38;
	[tilespmem:$0x6000] =	vst v63  }
0x106: {  	s7 =	sld [smem:$0x7C8]  }
0x107: {  	[hbm4b:s6+s2] =	stream.linear.scatter [tilespmem:s14], [sflag:$0x1], $0x4000, $0x38;
	[tilespmem:$0x6000] =	vst v63  }
0x108: {  	s6 =	sld [smem:$0x7C9]  }
0x109: {  	[hbm4b:s7+s2] =	stream.linear.scatter [tilespmem:s15], [sflag:$0x1], $0x4000, $0x38;
	[tilespmem:$0x6000] =	vst v63  }
0x10a: {  	s7 =	sld [smem:$0x7CA]  }
0x10b: {  	[hbm4b:s6+s2] =	stream.linear.scatter [tilespmem:s16], [sflag:$0x1], $0x4000, $0x38;
	[tilespmem:$0x6000] =	vst v63  }
0x10c: {  	s6 =	sld [smem:$0x7CB]  }
0x10d: {  	[hbm4b:s7+s2] =	stream.linear.scatter [tilespmem:s17], [sflag:$0x1], $0x4000, $0x38;
	[tilespmem:$0x6000] =	vst v63  }
0x10e: {  	s7 =	sld [smem:$0x7CC]  }
0x10f: {  	[hbm4b:s6+s2] =	stream.linear.scatter [tilespmem:s18], [sflag:$0x1], $0x4000, $0x38;
	[tilespmem:$0x6000] =	vst v63  }
0x110: {  	s6 =	sld [smem:$0x7CD]  }
0x111: {  	[hbm4b:s7+s2] =	stream.linear.scatter [tilespmem:s19], [sflag:$0x1], $0x4000, $0x38;
	[tilespmem:$0x6000] =	vst v63  }
0x112: {  	s7 =	sld [smem:$0x7CE]  }
0x113: {  	[hbm4b:s6+s2] =	stream.linear.scatter [tilespmem:s20], [sflag:$0x1], $0x4000, $0x38;
	[tilespmem:$0x6000] =	vst v63  }
0x114: {  	s6 =	sld [smem:$0x7CF]  }
0x115: {  	[hbm4b:s7+s2] =	stream.linear.scatter [tilespmem:s21], [sflag:$0x1], $0x4000, $0x38;
	[tilespmem:$0x6000] =	vst v63  }
0x116: {  	s7 =	sld [smem:$0x7D0]  }
0x117: {  	[hbm4b:s6+s2] =	stream.linear.scatter [tilespmem:s22], [sflag:$0x1], $0x4000, $0x38;
	[tilespmem:$0x6000] =	vst v63  }
0x118: {  	s6 =	sld [smem:$0x7D1]  }
0x119: {  	[hbm4b:s7+s2] =	stream.linear.scatter [tilespmem:s23], [sflag:$0x1], $0x4000, $0x38;
	[tilespmem:$0x6000] =	vst v63  }
0x11a: {  	s7 =	sld [smem:$0x7D2]  }
0x11b: {  	[hbm4b:s6+s2] =	stream.linear.scatter [tilespmem:s24], [sflag:$0x1], $0x4000, $0x38;
	[tilespmem:$0x6000] =	vst v63  }
0x11c: {  	s6 =	sld [smem:$0x7D3]  }
0x11d: {  	[hbm4b:s7+s2] =	stream.linear.scatter [tilespmem:s25], [sflag:$0x1], $0x4000, $0x38;
	[tilespmem:$0x6000] =	vst v63  }
0x11e: {  	s7 =	sld [smem:$0x7D4]  }
0x11f: {  	[hbm4b:s6+s2] =	stream.linear.scatter [tilespmem:s26], [sflag:$0x1], $0x4000, $0x38;
	[tilespmem:$0x6000] =	vst v63  }
0x120: {  	s6 =	sld [smem:$0x7D5]  }
0x121: {  	[hbm4b:s7+s2] =	stream.linear.scatter [tilespmem:s28], [sflag:$0x1], $0x4000, $0x38;
	[tilespmem:$0x6000] =	vst v63  }
0x122: {  	s7 =	sld [smem:$0x7D6]  }
0x123: {  	[hbm4b:s6+s2] =	stream.linear.scatter [tilespmem:s29], [sflag:$0x1], $0x4000, $0x38;
	[tilespmem:$0x6000] =	vst v63  }
0x124: {  	s6 =	sld [smem:$0x7D7]  }
0x125: {  	[hbm4b:s7+s2] =	stream.linear.scatter [tilespmem:s30], [sflag:$0x1], $0x4000, $0x38;
	[tilespmem:$0x6000] =	vst v63  }
0x126: {  	s7 =	sld [smem:$0x7D8]  }
0x127: {  	[hbm4b:s6+s2] =	stream.linear.scatter [tilespmem:s31], [sflag:$0x1], $0x4000, $0x38;
	[tilespmem:$0x6000] =	vst v63  }
0x128: {  	_ = 	snop  }
0x129: {  	[hbm4b:s7+s2] =	stream.linear.scatter [tilespmem:s2], [sflag:$0x1], $0x4000, $0x38;
	[tilespmem:$0x6000] =	vst v63  }
0x12a: {  	_ =	swait.ge [sflag:s1], $0x4000  }
0x12b: {  	[sflag:s1] =	ssyncset.done $0x0  }
0x12c: {  	[sflag:s1] =	ssyncadd.s32 $0xFFFFC000  }
0x12d: {  	_ =	swait.ge [sflag:s1], $0x4000  }
0x12e: {  	[sflag:s1] =	ssyncset.done $0x0  }
0x12f: {  	[sflag:s1] =	ssyncadd.s32 $0xFFFFC000  }
0x130: {  	_ =	swait.ge [sflag:s1], $0x4000  }
0x131: {  	[sflag:s1] =	ssyncset.done $0x0  }
0x132: {  	[sflag:s1] =	ssyncadd.s32 $0xFFFFC000  }
0x133: {  	_ =	swait.ge [sflag:s1], $0x4000  }
0x134: {  	[sflag:s1] =	ssyncset.done $0x0  }
0x135: {  	[sflag:s1] =	ssyncadd.s32 $0xFFFFC000  }
0x136: {  	_ =	swait.ge [sflag:s1], $0x4000  }
0x137: {  	[sflag:s1] =	ssyncset.done $0x0  }
0x138: {  	[sflag:s1] =	ssyncadd.s32 $0xFFFFC000  }
0x139: {  	_ =	swait.ge [sflag:s1], $0x4000  }
0x13a: {  	[sflag:s1] =	ssyncset.done $0x0  }
0x13b: {  	[sflag:s1] =	ssyncadd.s32 $0xFFFFC000  }
0x13c: {  	_ =	swait.ge [sflag:s1], $0x4000  }
0x13d: {  	[sflag:s1] =	ssyncset.done $0x0  }
0x13e: {  	[sflag:s1] =	ssyncadd.s32 $0xFFFFC000  }
0x13f: {  	_ =	swait.ge [sflag:s1], $0x4000  }
0x140: {  	[sflag:s1] =	ssyncset.done $0x0  }
0x141: {  	[sflag:s1] =	ssyncadd.s32 $0xFFFFC000  }
0x142: {  	_ =	swait.ge [sflag:s1], $0x4000  }
0x143: {  	[sflag:s1] =	ssyncset.done $0x0  }
0x144: {  	[sflag:s1] =	ssyncadd.s32 $0xFFFFC000  }
0x145: {  	_ =	swait.ge [sflag:s1], $0x4000  }
0x146: {  	[sflag:s1] =	ssyncset.done $0x0  }
0x147: {  	[sflag:s1] =	ssyncadd.s32 $0xFFFFC000  }
0x148: {  	_ =	swait.ge [sflag:s1], $0x4000  }
0x149: {  	[sflag:s1] =	ssyncset.done $0x0  }
0x14a: {  	[sflag:s1] =	ssyncadd.s32 $0xFFFFC000  }
0x14b: {  	_ =	swait.ge [sflag:s1], $0x4000  }
0x14c: {  	[sflag:s1] =	ssyncset.done $0x0  }
0x14d: {  	[sflag:s1] =	ssyncadd.s32 $0xFFFFC000  }
0x14e: {  	_ =	swait.ge [sflag:s1], $0x4000  }
0x14f: {  	[sflag:s1] =	ssyncset.done $0x0  }
0x150: {  	[sflag:s1] =	ssyncadd.s32 $0xFFFFC000  }
0x151: {  	_ =	swait.ge [sflag:s1], $0x4000  }
0x152: {  	[sflag:s1] =	ssyncset.done $0x0  }
0x153: {  	[sflag:s1] =	ssyncadd.s32 $0xFFFFC000  }
0x154: {  	_ =	swait.ge [sflag:s1], $0x4000  }
0x155: {  	[sflag:s1] =	ssyncset.done $0x0  }
0x156: {  	[sflag:s1] =	ssyncadd.s32 $0xFFFFC000  }
0x157: {  	_ =	swait.ge [sflag:s1], $0x4000  }
0x158: {  	[sflag:s1] =	ssyncset.done $0x0  }
0x159: {  	[sflag:s1] =	ssyncadd.s32 $0xFFFFC000  }
0x15a: {  	_ =	swait.ge [sflag:s1], $0x4000  }
0x15b: {  	[sflag:s1] =	ssyncset.done $0x0  }
0x15c: {  	[sflag:s1] =	ssyncadd.s32 $0xFFFFC000  }
0x15d: {  	_ =	swait.ge [sflag:s1], $0x4000  }
0x15e: {  	[sflag:s1] =	ssyncset.done $0x0  }
0x15f: {  	[sflag:s1] =	ssyncadd.s32 $0xFFFFC000  }
0x160: {  	_ =	swait.ge [sflag:s1], $0x4000  }
0x161: {  	[sflag:s1] =	ssyncset.done $0x0  }
0x162: {  	[sflag:s1] =	ssyncadd.s32 $0xFFFFC000  }
0x163: {  	_ =	swait.ge [sflag:s1], $0x4000  }
0x164: {  	[sflag:s1] =	ssyncset.done $0x0  }
0x165: {  	[sflag:s1] =	ssyncadd.s32 $0xFFFFC000  }
0x166: {  	_ =	swait.ge [sflag:s1], $0x4000  }
0x167: {  	[sflag:s1] =	ssyncset.done $0x0  }
0x168: {  	[sflag:s1] =	ssyncadd.s32 $0xFFFFC000  }
0x169: {  	_ =	swait.ge [sflag:s1], $0x4000  }
0x16a: {  	[sflag:s1] =	ssyncset.done $0x0  }
0x16b: {  	[sflag:s1] =	ssyncadd.s32 $0xFFFFC000  }
0x16c: {  	_ =	swait.ge [sflag:s1], $0x4000  }
0x16d: {  	[sflag:s1] =	ssyncset.done $0x0  }
0x16e: {  	[sflag:s1] =	ssyncadd.s32 $0xFFFFC000  }
0x16f: {  	_ =	swait.ge [sflag:s1], $0x4000  }
0x170: {  	[sflag:s1] =	ssyncset.done $0x0  }
0x171: {  	[sflag:s1] =	ssyncadd.s32 $0xFFFFC000  }
0x172: {  	_ =	swait.ge [sflag:s1], $0x4000  }
0x173: {  	[sflag:s1] =	ssyncset.done $0x0  }
0x174: {  	[sflag:s1] =	ssyncadd.s32 $0xFFFFC000  }
0x175: {  	_ =	swait.ge [sflag:s1], $0x4000  }
0x176: {  	[sflag:s1] =	ssyncset.done $0x0  }
0x177: {  	[sflag:s1] =	ssyncadd.s32 $0xFFFFC000  }
0x178: {  	_ =	swait.ge [sflag:s1], $0x4000  }
0x179: {  	[sflag:s1] =	ssyncset.done $0x0  }
0x17a: {  	[sflag:s1] =	ssyncadd.s32 $0xFFFFC000  }
0x17b: {  	_ =	swait.ge [sflag:s1], $0x4000  }
0x17c: {  	[sflag:s1] =	ssyncset.done $0x0  }
0x17d: {  	[sflag:s1] =	ssyncadd.s32 $0xFFFFC000  }
0x17e: {  	_ =	swait.ge [sflag:s1], $0x4000  }
0x17f: {  	[sflag:s1] =	ssyncset.done $0x0  }
0x180: {  	[sflag:s1] =	ssyncadd.s32 $0xFFFFC000  }
0x181: {  	_ =	swait.ge [sflag:s1], $0x4000  }
0x182: {  	[sflag:s1] =	ssyncset.done $0x0  }
0x183: {  	[sflag:s1] =	ssyncadd.s32 $0xFFFFC000  }
0x184: {  	_ =	swait.ge [sflag:s1], $0x4000  }
0x185: {  	[sflag:s1] =	ssyncset.done $0x0  }
0x186: {  	[sflag:s1] =	ssyncadd.s32 $0xFFFFC000  }
0x187: {  	_ =	swait.ge [sflag:s1], $0x4000  }
0x188: {  	[sflag:s1] =	ssyncset.done $0x0  }
0x189: {  	[sflag:s1] =	ssyncadd.s32 $0xFFFFC000  }
0x18a: {  	_ =	swait.ge [sflag:s1], $0x4000  }
0x18b: {  	[sflag:s1] =	ssyncset.done $0x0  }
0x18c: {  	[sflag:s1] =	ssyncadd.s32 $0xFFFFC000  }
0x18d: {  	_ =	swait.ge [sflag:s1], $0x4000  }
0x18e: {  	[sflag:s1] =	ssyncset.done $0x0  }
0x18f: {  	[sflag:s1] =	ssyncadd.s32 $0xFFFFC000  }
0x190: {  	_ =	swait.ge [sflag:s1], $0x4000  }
0x191: {  	[sflag:s1] =	ssyncset.done $0x0  }
0x192: {  	[sflag:s1] =	ssyncadd.s32 $0xFFFFC000  }
0x193: {  	_ =	swait.ge [sflag:s1], $0x4000  }
0x194: {  	[sflag:s1] =	ssyncset.done $0x0  }
0x195: {  	[sflag:s1] =	ssyncadd.s32 $0xFFFFC000  }
0x196: {  	_ =	swait.ge [sflag:s1], $0x4000  }
0x197: {  	[sflag:s1] =	ssyncset.done $0x0  }
0x198: {  	[sflag:s1] =	ssyncadd.s32 $0xFFFFC000  }
0x199: {  	_ =	swait.ge [sflag:s1], $0x4000  }
0x19a: {  	[sflag:s1] =	ssyncset.done $0x0  }
0x19b: {  	[sflag:s1] =	ssyncadd.s32 $0xFFFFC000  }
0x19c: {  	_ =	swait.ge [sflag:s1], $0x4000  }
0x19d: {  	[sflag:s1] =	ssyncset.done $0x0  }
0x19e: {  	[sflag:s1] =	ssyncadd.s32 $0xFFFFC000  }
0x19f: {  	_ =	swait.ge [sflag:s1], $0x4000  }
0x1a0: {  	[sflag:s1] =	ssyncset.done $0x0  }
0x1a1: {  	[sflag:s1] =	ssyncadd.s32 $0xFFFFC000  }
0x1a2: {  	_ =	swait.ge [sflag:s1], $0x4000  }
0x1a3: {  	[sflag:s1] =	ssyncset.done $0x0  }
0x1a4: {  	[sflag:s1] =	ssyncadd.s32 $0xFFFFC000  }
0x1a5: {  	_ =	swait.ge [sflag:s1], $0x4000  }
0x1a6: {  	[sflag:s1] =	ssyncset.done $0x0  }
0x1a7: {  	[sflag:s1] =	ssyncadd.s32 $0xFFFFC000  }
0x1a8: {  	_ =	swait.ge [sflag:s1], $0x4000  }
0x1a9: {  	[sflag:s1] =	ssyncset.done $0x0  }
0x1aa: {  	[sflag:s1] =	ssyncadd.s32 $0xFFFFC000  }
0x1ab: {  	_ =	swait.ge [sflag:s1], $0x4000  }
0x1ac: {  	[sflag:s1] =	ssyncset.done $0x0  }
0x1ad: {  	[sflag:s1] =	ssyncadd.s32 $0xFFFFC000  }
0x1ae: {  	_ =	swait.ge [sflag:s1], $0x4000  }
0x1af: {  	[sflag:s1] =	ssyncset.done $0x0  }
0x1b0: {  	[sflag:s1] =	ssyncadd.s32 $0xFFFFC000  }
0x1b1: {  	_ =	swait.ge [sflag:s1], $0x4000  }
0x1b2: {  	[sflag:s1] =	ssyncset.done $0x0  }
0x1b3: {  	[sflag:s1] =	ssyncadd.s32 $0xFFFFC000  }
0x1b4: {  	_ =	swait.ge [sflag:s1], $0x4000  }
0x1b5: {  	[sflag:s1] =	ssyncset.done $0x0  }
0x1b6: {  	[sflag:s1] =	ssyncadd.s32 $0xFFFFC000  }
0x1b7: {  	_ =	swait.ge [sflag:s1], $0x4000  }
0x1b8: {  	[sflag:s1] =	ssyncset.done $0x0  }
0x1b9: {  	[sflag:s1] =	ssyncadd.s32 $0xFFFFC000  }
0x1ba: {  	_ =	swait.ge [sflag:s1], $0x4000  }
0x1bb: {  	[sflag:s1] =	ssyncset.done $0x0  }
0x1bc: {  	[sflag:s1] =	ssyncadd.s32 $0xFFFFC000  }
0x1bd: {  	_ =	swait.ge [sflag:s1], $0x4000  }
0x1be: {  	[sflag:s1] =	ssyncset.done $0x0  }
0x1bf: {  	[sflag:s1] =	ssyncadd.s32 $0xFFFFC000  }
0x1c0: {  	_ =	swait.ge [sflag:s1], $0x4000  }
0x1c1: {  	[sflag:s1] =	ssyncset.done $0x0  }
0x1c2: {  	[sflag:s1] =	ssyncadd.s32 $0xFFFFC000  }
0x1c3: {  	_ =	swait.ge [sflag:s1], $0x4000  }
0x1c4: {  	[sflag:s1] =	ssyncset.done $0x0  }
0x1c5: {  	[sflag:s1] =	ssyncadd.s32 $0xFFFFC000  }
0x1c6: {  	_ =	swait.ge [sflag:s1], $0x4000  }
0x1c7: {  	[sflag:s1] =	ssyncset.done $0x0  }
0x1c8: {  	[sflag:s1] =	ssyncadd.s32 $0xFFFFC000  }
0x1c9: {  	_ =	swait.ge [sflag:s1], $0x4000  }
0x1ca: {  	[sflag:s1] =	ssyncset.done $0x0  }
0x1cb: {  	[sflag:s1] =	ssyncadd.s32 $0xFFFFC000  }
0x1cc: {  	_ =	swait.ge [sflag:s1], $0x4000  }
0x1cd: {  	[sflag:s1] =	ssyncset.done $0x0  }
0x1ce: {  	[sflag:s1] =	ssyncadd.s32 $0xFFFFC000  }
0x1cf: {  	_ =	swait.ge [sflag:s1], $0x4000  }
0x1d0: {  	[sflag:s1] =	ssyncset.done $0x0  }
0x1d1: {  	[sflag:s1] =	ssyncadd.s32 $0xFFFFC000  }
0x1d2: {  	_ =	swait.ge [sflag:s1], $0x4000  }
0x1d3: {  	[sflag:s1] =	ssyncset.done $0x0  }
0x1d4: {  	[sflag:s1] =	ssyncadd.s32 $0xFFFFC000  }
0x1d5: {  	_ =	swait.ge [sflag:s1], $0x4000  }
0x1d6: {  	[sflag:s1] =	ssyncset.done $0x0  }
0x1d7: {  	[sflag:s1] =	ssyncadd.s32 $0xFFFFC000  }
0x1d8: {  	_ =	swait.ge [sflag:s1], $0x4000  }
0x1d9: {  	[sflag:s1] =	ssyncset.done $0x0  }
0x1da: {  	[sflag:s1] =	ssyncadd.s32 $0xFFFFC000  }
0x1db: {  	_ =	swait.ge [sflag:s1], $0x4000  }
0x1dc: {  	[sflag:s1] =	ssyncset.done $0x0  }
0x1dd: {  	[sflag:s1] =	ssyncadd.s32 $0xFFFFC000  }
0x1de: {  	_ =	swait.ge [sflag:s1], $0x4000  }
0x1df: {  	[sflag:s1] =	ssyncset.done $0x0  }
0x1e0: {  	[sflag:s1] =	ssyncadd.s32 $0xFFFFC000  }
0x1e1: {  	_ =	swait.ge [sflag:s1], $0x4000  }
0x1e2: {  	[sflag:s1] =	ssyncset.done $0x0  }
0x1e3: {  	[sflag:s1] =	ssyncadd.s32 $0xFFFFC000  }
0x1e4: {  	p0 =	sne.s32 s3, $0x1;
	_ =	swait.ge [sflag:s1], $0x4000  }
.Ltmp0:
0x1e5: {  	[sflag:s1] =	ssyncset.done $0x0;
	(pc) =	sbr.rel @p0 .LBB2_1-.Ltmp0, $4  }
0x1e6: {  	[sflag:s1] =	ssyncadd.s32 $0xFFFFC000  }
0x1e7: {  	_ =	swait.ge [sflag:s1], $0x4000  }
0x1e8: {  	[sflag:s1] =	ssyncset.done $0x0  }
0x1e9: {  	s3 =	sadd.s32 $0xFFFFFFFF, s3;
	[sflag:s1] =	ssyncadd.s32 $0xFFFFC000  }
0x1ea: {  	_ =	sfence.sel $0x180000  }
0x1eb: {  	[bflag:$0x0] =	sbarrier.arrive $0xFFFF  }
0x1ec: {  	_ =	strace $0x90000047  }
0x1ed: {  	s0 =	stileid.u32;
	[bflag:$0x2] =	sbarrier.arrive $0xFFFF  }
0x1ee: {  	p0 =	sne.s32 s0, $0x0;
	s0 =	rddreg [dreg:$0x2]  }
0x1ef: {  	s0 =	sadd.s32 @!p0 $0x100000, s0  }
0x1f0: {  	[sflag:s0] =	ssyncadd.tile.s32 @!p0 $0x1;
	_ =	shalt  }
.Lfunc_end2:
_tile_overlayer_lowered:
.L_overlay_start_2:
0x1f1: {  	(tag) =	ssettag $0x2  }
0x1f2: {  	s0 =	rddreg [dreg:$0x0];
	s2 =	stileid.u32  }
0x1f3: {  	s1 =	rddreg [dreg:$0x1];
	p0 =	sne.s32 s2, $0x0  }
0x1f4: {  	s3 =	rddreg [dreg:$0x2];
	[bflag:$0x3] =	sbarrier.arrive $0xFFFF;
	s2 =	simm.s32 @!p0 $0x1C02  }
0x1f5: {  	[timem:s3], [sflag:s2] =	dma.local @!p0 [hbm:s0], s1  }
0x1f6: {  	s0 =	simm.s32 @!p0 $0x2  }
0x1f7: {  	_ =	swait.ge @!p0 [sflag:s0], s1  }
0x1f8: {  	s1 =	ssub.s32 @!p0 $0x0, s1;
	[sflag:s0] =	ssyncset.done @!p0 $0x0  }
0x1f9: {  	[sflag:s0] =	ssyncadd.s32 @!p0 s1  }
0x1fa: {  	[bflag:$0x3] =	sbarrier.arrive $0xFFFF  }
0x1fb: {  	_ =	shalt  }

</sc_bundles>
